<compile_context>
chip_gen: v7x
topology: tpu7x:2x2x1
jax: 0.10.2.dev20260603
libtpu: 0.0.44.dev20260713+nightly
codegen_flags: <defaults>
</compile_context>

<pallas_src>
import functools

import jax
import jax.numpy as jnp
from jax import lax
from jax.experimental import pallas as pl
from jax.experimental.pallas import tpu as pltpu
from jax.experimental.pallas import tpu_sc as plsc

N_NODES = 10000
D_IN = 256
DH = 128
NACC = 10240
NACC2 = 5120
ZROWS = 160
NC = 2
NS = 16
SUB = 128
CHUNK_ROWS = 8
NBUF = 4


def _sc_mesh():
    return plsc.VectorSubcoreMesh(core_axis_name="c", subcore_axis_name="s")


def _deg_body(rows_per_tile, dst2, out, idx_d, ones_v, zbuf, acc, sem):
    c = lax.axis_index("c")
    s = lax.axis_index("s")
    nh = N_NODES // NC
    base_node = c * nh

    def _fill(i, _):
        for j in range(DH // 16):
            zbuf[i, pl.ds(j * 16, 16)] = jnp.zeros((16,), jnp.float32)
        return 0
    lax.fori_loop(0, ZROWS, _fill, 0)

    def _fill1(i, _):
        for j in range(DH // 16):
            ones_v[i, pl.ds(j * 16, 16)] = jnp.ones((16,), jnp.float32)
        return 0
    lax.fori_loop(0, SUB, _fill1, 0)

    for k in range(NACC2 // NS // ZROWS):
        pltpu.sync_copy(zbuf, acc.at[pl.ds(
            pl.multiple_of(s * (NACC2 // NS) + k * ZROWS, 8), ZROWS)])
    plsc.subcore_barrier()

    base = pl.multiple_of(s * rows_per_tile, 8)
    pltpu.sync_copy(dst2.at[pl.ds(base, rows_per_tile)], idx_d)

    def _remap(j, _):
        for i in range(SUB // 16):
            v = idx_d[j, pl.ds(i * 16, 16)]
            loc = v - base_node
            oob = (loc < 0) | (loc >= nh)
            idx_d[j, pl.ds(i * 16, 16)] = jnp.where(oob, nh, loc)
        return 0
    lax.fori_loop(0, rows_per_tile, _remap, 0)

    def _fire(j, _):
        pltpu.sync_copy(ones_v, acc.at[idx_d.at[j]], add=True)
        return 0
    lax.fori_loop(0, rows_per_tile, _fire, 0)
    plsc.subcore_barrier()

    cp = NACC2 // NS
    last = nh - (NS - 1) * cp

    @pl.when(s < NS - 1)
    def _():
        pltpu.sync_copy(acc.at[pl.ds(pl.multiple_of(s * cp, 8), cp)],
                        out.at[pl.ds(pl.multiple_of(base_node + s * cp, 8), cp)])

    @pl.when(s == NS - 1)
    def _():
        pltpu.sync_copy(acc.at[pl.ds((NS - 1) * cp, last)],
                        out.at[pl.ds(pl.multiple_of(base_node + (NS - 1) * cp, 8), last)])


def _agg_body(rows_per_tile, src2, dst2, xs_lo, xs_hi, out_lo, out_hi,
              idx_s, idx_d, buf0, buf1, buf2, buf3, acc,
              sem0, sem1, sem2, sem3):
    c = lax.axis_index("c")
    s = lax.axis_index("s")
    nh = N_NODES // NC
    base_node = c * nh
    bufs = (buf0, buf1, buf2, buf3)
    sems = (sem0, sem1, sem2, sem3)

    def _zero_acc():
        def _fill(i, _):
            for j in range(DH // 16):
                buf0[i, pl.ds(j * 16, 16)] = jnp.zeros((16,), jnp.float32)
            return 0
        lax.fori_loop(0, SUB, _fill, 0)
        b0 = pl.multiple_of(s * (NACC2 // NS), 8)
        pltpu.sync_copy(buf0, acc.at[pl.ds(b0, SUB)])
        pltpu.sync_copy(buf0, acc.at[pl.ds(b0 + SUB, SUB)])
        pltpu.sync_copy(buf0.at[pl.ds(0, NACC2 // NS - 2 * SUB)],
                        acc.at[pl.ds(b0 + 2 * SUB, NACC2 // NS - 2 * SUB)])

    _zero_acc()
    plsc.subcore_barrier()

    base = pl.multiple_of(s * rows_per_tile, 8)
    pltpu.sync_copy(src2.at[pl.ds(base, rows_per_tile)], idx_s)
    pltpu.sync_copy(dst2.at[pl.ds(base, rows_per_tile)], idx_d)

    def _remap(j, _):
        for i in range(SUB // 16):
            v = idx_d[j, pl.ds(i * 16, 16)]
            loc = v - base_node
            oob = (loc < 0) | (loc >= nh)
            idx_d[j, pl.ds(i * 16, 16)] = jnp.where(oob, nh, loc)
        return 0
    lax.fori_loop(0, rows_per_tile, _remap, 0)

    cp = NACC2 // NS
    last = nh - (NS - 1) * cp

    def _pass(xs_h, out_h):
        for b in range(NBUF):
            pltpu.async_copy(xs_h.at[idx_s.at[b]], bufs[b], sems[b])

        def _unit(t, _):
            for b in range(NBUF):
                j = NBUF * t + b
                pltpu.make_async_copy(xs_h.at[idx_s.at[j]], bufs[b],
                                      sems[b]).wait()
                pltpu.sync_copy(bufs[b], acc.at[idx_d.at[j]], add=True)

                @pl.when(j + NBUF < rows_per_tile)
                def _():
                    pltpu.async_copy(xs_h.at[idx_s.at[j + NBUF]], bufs[b],
                                     sems[b])
            return 0
        lax.fori_loop(0, rows_per_tile // NBUF, _unit, 0)
        plsc.subcore_barrier()

        @pl.when(s < NS - 1)
        def _():
            pltpu.sync_copy(acc.at[pl.ds(pl.multiple_of(s * cp, 8), cp)],
                            out_h.at[pl.ds(pl.multiple_of(base_node + s * cp, 8), cp)])

        @pl.when(s == NS - 1)
        def _():
            pltpu.sync_copy(acc.at[pl.ds((NS - 1) * cp, last)],
                            out_h.at[pl.ds(pl.multiple_of(base_node + (NS - 1) * cp, 8), last)])

    _pass(xs_lo, out_lo)
    _zero_acc()
    plsc.subcore_barrier()
    _pass(xs_hi, out_hi)


def _prescale_body(x_ref, degp_ref, lo_ref, hi_ref):
    deg = 1.0 + degp_ref[:, 0:1]
    dinv = lax.rsqrt(deg)
    xs = x_ref[...] * dinv
    lo_ref[...] = xs[:, :DH]
    hi_ref[...] = xs[:, DH:]


def _dense_body(alo_ref, ahi_ref, xlo_ref, xhi_ref, degp_ref,
                wg_ref, bg_ref, wr_ref, br_ref, wih_ref,
                bih_ref, wfc_ref, bfc_ref, out_ref):
    dinv = lax.rsqrt(1.0 + degp_ref[:, 0:1])
    agg = jnp.concatenate(
        [alo_ref[...] + xlo_ref[...], ahi_ref[...] + xhi_ref[...]],
        axis=1) * dinv
    dn = (((1,), (1,)), ((), ()))
    t = jnp.dot(agg, wg_ref[...], preferred_element_type=jnp.float32) + bg_ref[...]
    spatial = jnp.maximum(t, 0.0)
    spatial = spatial + lax.dot_general(
        spatial, wr_ref[...], dn, preferred_element_type=jnp.float32) + br_ref[...]
    gates = lax.dot_general(
        spatial, wih_ref[...], dn, preferred_element_type=jnp.float32) + bih_ref[...]
    gi = gates[:, 0:512]
    gg = gates[:, 512:1024]
    go = gates[:, 1024:1536]
    cc = jax.nn.sigmoid(gi) * jnp.tanh(gg)
    h = jax.nn.sigmoid(go) * jnp.tanh(cc)
    out_ref[...] = lax.dot_general(
        h, wfc_ref[...], dn, preferred_element_type=jnp.float32) + bfc_ref[...]


def _prep_edges(edge_index, n):
    e = edge_index.shape[1]
    ep = -(-e // (NC * NS * SUB * CHUNK_ROWS)) * (NC * NS * SUB * CHUNK_ROWS)
    pad = ep - e
    src_p = jnp.concatenate([edge_index[0], jnp.zeros((pad,), jnp.int32)])
    dst_p = jnp.concatenate([edge_index[1], jnp.full((pad,), n, jnp.int32)])
    return (src_p.reshape(ep // SUB, SUB), dst_p.reshape(ep // SUB, SUB),
            ep // SUB)


def _deg_call(dst2, rows):
    deg_fn = pl.kernel(
        functools.partial(_deg_body, rows // NS),
        out_type=jax.ShapeDtypeStruct((N_NODES, DH), jnp.float32),
        mesh=_sc_mesh(),
        scratch_types=[
            pltpu.VMEM((rows // NS, SUB), jnp.int32),
            pltpu.VMEM((SUB, DH), jnp.float32),
            pltpu.VMEM((ZROWS, DH), jnp.float32),
            pltpu.VMEM_SHARED((NACC2, DH), jnp.float32),
            pltpu.SemaphoreType.DMA,
        ],
    )
    return deg_fn(dst2)


def _agg_call(src2, dst2, xs_lo, xs_hi, rows):
    agg_fn = pl.kernel(
        functools.partial(_agg_body, rows // NS),
        out_type=[jax.ShapeDtypeStruct((N_NODES, DH), jnp.float32)] * 2,
        mesh=_sc_mesh(),
        scratch_types=[
            pltpu.VMEM((rows // NS, SUB), jnp.int32),
            pltpu.VMEM((rows // NS, SUB), jnp.int32),
            pltpu.VMEM((SUB, DH), jnp.float32),
            pltpu.VMEM((SUB, DH), jnp.float32),
            pltpu.VMEM((SUB, DH), jnp.float32),
            pltpu.VMEM((SUB, DH), jnp.float32),
            pltpu.VMEM_SHARED((NACC2, DH), jnp.float32),
            pltpu.SemaphoreType.DMA,
            pltpu.SemaphoreType.DMA,
            pltpu.SemaphoreType.DMA,
            pltpu.SemaphoreType.DMA,
        ],
    )
    return agg_fn(src2, dst2, xs_lo, xs_hi)


def kernel(x, edge_index, W_gcn, b_gcn, W_res, b_res, W_ih, W_hh, b_ih, b_hh,
           W_fc, b_fc):
    n = x.shape[0]
    assert n == N_NODES

    src2, dst2, rows = _prep_edges(edge_index, n)

    degp = _deg_call(dst2, rows)

    blk = 1000
    grid = n // blk
    xs_lo, xs_hi = pl.pallas_call(
        _prescale_body,
        grid=(grid,),
        in_specs=[
            pl.BlockSpec((blk, D_IN), lambda i: (i, 0)),
            pl.BlockSpec((blk, DH), lambda i: (i, 0)),
        ],
        out_specs=[pl.BlockSpec((blk, DH), lambda i: (i, 0))] * 2,
        out_shape=[jax.ShapeDtypeStruct((n, DH), jnp.float32)] * 2,
    )(x, degp)

    aggs_lo, aggs_hi = _agg_call(src2, dst2, xs_lo, xs_hi, rows)

    w_ih3 = jnp.concatenate([W_ih[0:512], W_ih[1024:2048]], axis=0)
    b3 = (b_ih + b_hh)
    b_ih3 = jnp.concatenate([b3[0:512], b3[1024:2048]]).reshape(1, 1536)
    out = pl.pallas_call(
        _dense_body,
        grid=(grid,),
        in_specs=[pl.BlockSpec((blk, DH), lambda i: (i, 0))] * 4 + [
            pl.BlockSpec((blk, DH), lambda i: (i, 0)),
            pl.BlockSpec((D_IN, 512), lambda i: (0, 0)),
            pl.BlockSpec((1, 512), lambda i: (0, 0)),
            pl.BlockSpec((512, 512), lambda i: (0, 0)),
            pl.BlockSpec((1, 512), lambda i: (0, 0)),
            pl.BlockSpec((1536, 512), lambda i: (0, 0)),
            pl.BlockSpec((1, 1536), lambda i: (0, 0)),
            pl.BlockSpec((D_IN, 512), lambda i: (0, 0)),
            pl.BlockSpec((1, D_IN), lambda i: (0, 0)),
        ],
        out_specs=pl.BlockSpec((blk, D_IN), lambda i: (i, 0)),
        out_shape=jax.ShapeDtypeStruct((n, D_IN), jnp.float32),
    )(aggs_lo, aggs_hi, xs_lo, xs_hi, degp,
      W_gcn, b_gcn.reshape(1, 512), W_res, b_res.reshape(1, 512),
      w_ih3, b_ih3, W_fc, b_fc.reshape(1, D_IN))
    return out

# --- scband reference (transcript-rebuilt; emitter-appended) ---
"""Pipeline reference for scband-graph-res-lstm-82025285419539 (READ-ONLY COPY).

The authoritative reference and input builder live on the scoring server;
editing this copy changes nothing except your own understanding.
"""

import jax, jax.numpy as jnp
import numpy as np

N = 10000
E = 160000
D_IN = 256
H = 512
L = 512

def setup_inputs(seed: int = 0):
    key = jax.random.key(seed)
    ks = jax.random.split(key, 8)
    x = jax.random.normal(ks[0], (N, D_IN), dtype=jnp.float32)
    edge_index = jax.random.randint(ks[1], (2, E), 0, N, dtype=jnp.int32)
    s = lambda k, shp, fan: jax.random.normal(k, shp, dtype=jnp.float32) / np.sqrt(fan)
    W_gcn = s(ks[2], (D_IN, H), D_IN)
    b_gcn = jnp.zeros((H,), dtype=jnp.float32)
    W_res = s(ks[3], (H, H), H)
    b_res = jnp.zeros((H,), dtype=jnp.float32)
    W_ih = s(ks[4], (4 * L, H), H)
    W_hh = s(ks[5], (4 * L, L), L)
    b_ih = jnp.zeros((4 * L,), dtype=jnp.float32)
    b_hh = jnp.zeros((4 * L,), dtype=jnp.float32)
    W_fc = s(ks[6], (D_IN, L), L)
    b_fc = jnp.zeros((D_IN,), dtype=jnp.float32)
    return {"x": x, "edge_index": edge_index, "W_gcn": W_gcn, "b_gcn": b_gcn, "W_res": W_res, "b_res": b_res, "W_ih": W_ih, "W_hh": W_hh, "b_ih": b_ih, "b_hh": b_hh, "W_fc": W_fc, "b_fc": b_fc}

def reference(x, edge_index, W_gcn, b_gcn, W_res, b_res, W_ih, W_hh, b_ih, b_hh, W_fc, b_fc):
    n = x.shape[0]
    # GCNConv: out = D^-1/2 (A+I) D^-1/2 (x W) + b
    xw = x @ W_gcn
    loop = jnp.arange(n, dtype=edge_index.dtype)
    src = jnp.concatenate([edge_index[0], loop])
    dst = jnp.concatenate([edge_index[1], loop])
    deg = jnp.zeros((n,), dtype=x.dtype).at[dst].add(1.0)
    dinv = 1.0 / jnp.sqrt(deg)
    norm = dinv[src] * dinv[dst]
    agg = jnp.zeros((n, xw.shape[1]), dtype=x.dtype).at[dst].add(xw[src] * norm[:, None])
    spatial = jax.nn.relu(agg + b_gcn)
    # residual linear
    spatial = spatial + spatial @ W_res.T + b_res
    # LSTM, batch_first: each node is a batch element with seq_len=1, h0=c0=0
    h0 = jnp.zeros((n, W_hh.shape[1]), dtype=x.dtype)
    gates = spatial @ W_ih.T + b_ih + h0 @ W_hh.T + b_hh
    i, f, g, o = jnp.split(gates, 4, axis=-1)
    c = jax.nn.sigmoid(i) * jnp.tanh(g)
    h = jax.nn.sigmoid(o) * jnp.tanh(c)
    # out[:, -1] picks the (only) last time step -> h
    return h @ W_fc.T + b_fc

if __name__ == "__main__":
    import jax
    _d = setup_inputs()
    print(jax.jit(kernel)(*tuple(_d.values())))

</pallas_src>

<mosaic_0001>
#map = affine_map<(d0, d1) -> (0, 0)>
module attributes {stable_mosaic.version = 14 : i64} {
  func.func @_deg_body(%arg0: i32, %arg1: i32, %arg2: memref<1280x128xi32, #tpu.memory_space<hbm>>, %arg3: memref<10000x128xf32, #tpu.memory_space<hbm>>, %arg4: memref<80x128xi32, #tpu.memory_space<vmem>>, %arg5: memref<128x128xf32, #tpu.memory_space<vmem>>, %arg6: memref<160x128xf32, #tpu.memory_space<vmem>>, %arg7: memref<5120x128xf32, #tpu.memory_space<vmem_shared>>, %arg8: memref<!tpu.dma_semaphore, #tpu.memory_space<semaphore_mem>>) attributes {dimension_semantics = [#tpu.dimension_semantics<core_parallel>, #tpu.dimension_semantics<subcore_parallel>], iteration_bounds = array<i64: 2, 16>, scalar_prefetch = 0 : i64, scratch_operands = 5 : i64, tpu.core_type = #tpu.core_type<sc_vector_subcore>, window_params = [{transform_indices = #map}, {transform_indices = #map}]} {
    %mul3A = arith.constant 5000 : i32
    %mul3A_0 = arith.muli %arg0, %mul3A : i32
    %scan3A = arith.constant 0 : i32
    %scan3A_1 = arith.constant 0 : i32
    %scan3A_2 = arith.constant 160 : i32
    %scan3A_3 = arith.addi %scan3A_1, %scan3A_2 : i32
    %scan3A_4 = arith.constant 1 : i32
    %scan3A_5 = scf.for %scan3A_46 = %scan3A_1 to %scan3A_3 step %scan3A_4 iter_args(%scan3A_47 = %scan3A) -> (i32)  : i32 {
      %broadcast_in_dim3A = arith.constant 0.000000e+00 : f32
      %broadcast_in_dim3A_48 = vector.broadcast %broadcast_in_dim3A : f32 to vector<16xf32>
      %swap3A = arith.index_cast %scan3A_46 : i32 to index
      %swap3A_49 = arith.constant 0 : index
      %swap3A_50 = tpu.vector_load %arg6[%swap3A, %swap3A_49] {strides = array<i32>} : memref<160x128xf32, #tpu.memory_space<vmem>>, vector<1x16xf32>,
      %swap3A_51 = vector.shape_cast %swap3A_50 : vector<1x16xf32> to vector<16xf32>
      %swap3A_52 = vector.shape_cast %broadcast_in_dim3A_48 : vector<16xf32> to vector<1x16xf32>
      tpu.vector_store %arg6[%swap3A, %swap3A_49], %swap3A_52 {strides = array<i32>} : memref<160x128xf32, #tpu.memory_space<vmem>>, vector<1x16xf32>,
      %broadcast_in_dim3A_53 = arith.constant 0.000000e+00 : f32
      %broadcast_in_dim3A_54 = vector.broadcast %broadcast_in_dim3A_53 : f32 to vector<16xf32>
      %swap3A_55 = arith.index_cast %scan3A_46 : i32 to index
      %swap3A_56 = arith.constant 16 : index
      %swap3A_57 = tpu.vector_load %arg6[%swap3A_55, %swap3A_56] {strides = array<i32>} : memref<160x128xf32, #tpu.memory_space<vmem>>, vector<1x16xf32>,
      %swap3A_58 = vector.shape_cast %swap3A_57 : vector<1x16xf32> to vector<16xf32>
      %swap3A_59 = vector.shape_cast %broadcast_in_dim3A_54 : vector<16xf32> to vector<1x16xf32>
      tpu.vector_store %arg6[%swap3A_55, %swap3A_56], %swap3A_59 {strides = array<i32>} : memref<160x128xf32, #tpu.memory_space<vmem>>, vector<1x16xf32>,
      %broadcast_in_dim3A_60 = arith.constant 0.000000e+00 : f32
      %broadcast_in_dim3A_61 = vector.broadcast %broadcast_in_dim3A_60 : f32 to vector<16xf32>
      %swap3A_62 = arith.index_cast %scan3A_46 : i32 to index
      %swap3A_63 = arith.constant 32 : index
      %swap3A_64 = tpu.vector_load %arg6[%swap3A_62, %swap3A_63] {strides = array<i32>} : memref<160x128xf32, #tpu.memory_space<vmem>>, vector<1x16xf32>,
      %swap3A_65 = vector.shape_cast %swap3A_64 : vector<1x16xf32> to vector<16xf32>
      %swap3A_66 = vector.shape_cast %broadcast_in_dim3A_61 : vector<16xf32> to vector<1x16xf32>
      tpu.vector_store %arg6[%swap3A_62, %swap3A_63], %swap3A_66 {strides = array<i32>} : memref<160x128xf32, #tpu.memory_space<vmem>>, vector<1x16xf32>,
      %broadcast_in_dim3A_67 = arith.constant 0.000000e+00 : f32
      %broadcast_in_dim3A_68 = vector.broadcast %broadcast_in_dim3A_67 : f32 to vector<16xf32>
      %swap3A_69 = arith.index_cast %scan3A_46 : i32 to index
      %swap3A_70 = arith.constant 48 : index
      %swap3A_71 = tpu.vector_load %arg6[%swap3A_69, %swap3A_70] {strides = array<i32>} : memref<160x128xf32, #tpu.memory_space<vmem>>, vector<1x16xf32>,
      %swap3A_72 = vector.shape_cast %swap3A_71 : vector<1x16xf32> to vector<16xf32>
      %swap3A_73 = vector.shape_cast %broadcast_in_dim3A_68 : vector<16xf32> to vector<1x16xf32>
      tpu.vector_store %arg6[%swap3A_69, %swap3A_70], %swap3A_73 {strides = array<i32>} : memref<160x128xf32, #tpu.memory_space<vmem>>, vector<1x16xf32>,
      %broadcast_in_dim3A_74 = arith.constant 0.000000e+00 : f32
      %broadcast_in_dim3A_75 = vector.broadcast %broadcast_in_dim3A_74 : f32 to vector<16xf32>
      %swap3A_76 = arith.index_cast %scan3A_46 : i32 to index
      %swap3A_77 = arith.constant 64 : index
      %swap3A_78 = tpu.vector_load %arg6[%swap3A_76, %swap3A_77] {strides = array<i32>} : memref<160x128xf32, #tpu.memory_space<vmem>>, vector<1x16xf32>,
      %swap3A_79 = vector.shape_cast %swap3A_78 : vector<1x16xf32> to vector<16xf32>
      %swap3A_80 = vector.shape_cast %broadcast_in_dim3A_75 : vector<16xf32> to vector<1x16xf32>
      tpu.vector_store %arg6[%swap3A_76, %swap3A_77], %swap3A_80 {strides = array<i32>} : memref<160x128xf32, #tpu.memory_space<vmem>>, vector<1x16xf32>,
      %broadcast_in_dim3A_81 = arith.constant 0.000000e+00 : f32
      %broadcast_in_dim3A_82 = vector.broadcast %broadcast_in_dim3A_81 : f32 to vector<16xf32>
      %swap3A_83 = arith.index_cast %scan3A_46 : i32 to index
      %swap3A_84 = arith.constant 80 : index
      %swap3A_85 = tpu.vector_load %arg6[%swap3A_83, %swap3A_84] {strides = array<i32>} : memref<160x128xf32, #tpu.memory_space<vmem>>, vector<1x16xf32>,
      %swap3A_86 = vector.shape_cast %swap3A_85 : vector<1x16xf32> to vector<16xf32>
      %swap3A_87 = vector.shape_cast %broadcast_in_dim3A_82 : vector<16xf32> to vector<1x16xf32>
      tpu.vector_store %arg6[%swap3A_83, %swap3A_84], %swap3A_87 {strides = array<i32>} : memref<160x128xf32, #tpu.memory_space<vmem>>, vector<1x16xf32>,
      %broadcast_in_dim3A_88 = arith.constant 0.000000e+00 : f32
      %broadcast_in_dim3A_89 = vector.broadcast %broadcast_in_dim3A_88 : f32 to vector<16xf32>
      %swap3A_90 = arith.index_cast %scan3A_46 : i32 to index
      %swap3A_91 = arith.constant 96 : index
      %swap3A_92 = tpu.vector_load %arg6[%swap3A_90, %swap3A_91] {strides = array<i32>} : memref<160x128xf32, #tpu.memory_space<vmem>>, vector<1x16xf32>,
      %swap3A_93 = vector.shape_cast %swap3A_92 : vector<1x16xf32> to vector<16xf32>
      %swap3A_94 = vector.shape_cast %broadcast_in_dim3A_89 : vector<16xf32> to vector<1x16xf32>
      tpu.vector_store %arg6[%swap3A_90, %swap3A_91], %swap3A_94 {strides = array<i32>} : memref<160x128xf32, #tpu.memory_space<vmem>>, vector<1x16xf32>,
      %broadcast_in_dim3A_95 = arith.constant 0.000000e+00 : f32
      %broadcast_in_dim3A_96 = vector.broadcast %broadcast_in_dim3A_95 : f32 to vector<16xf32>
      %swap3A_97 = arith.index_cast %scan3A_46 : i32 to index
      %swap3A_98 = arith.constant 112 : index
      %swap3A_99 = tpu.vector_load %arg6[%swap3A_97, %swap3A_98] {strides = array<i32>} : memref<160x128xf32, #tpu.memory_space<vmem>>, vector<1x16xf32>,
      %swap3A_100 = vector.shape_cast %swap3A_99 : vector<1x16xf32> to vector<16xf32>
      %swap3A_101 = vector.shape_cast %broadcast_in_dim3A_96 : vector<16xf32> to vector<1x16xf32>
      tpu.vector_store %arg6[%swap3A_97, %swap3A_98], %swap3A_101 {strides = array<i32>} : memref<160x128xf32, #tpu.memory_space<vmem>>, vector<1x16xf32>,
      %scan3A_102 = arith.constant 0 : i32
      scf.yield %scan3A_102 : i32
    }
    %scan3A_6 = arith.constant 160 : i32
    %scan3A_7 = arith.constant 0 : i32
    %scan3A_8 = arith.constant 0 : i32
    %scan3A_9 = arith.constant 128 : i32
    %scan3A_10 = arith.addi %scan3A_8, %scan3A_9 : i32
    %scan3A_11 = arith.constant 1 : i32
    %scan3A_12 = scf.for %scan3A_46 = %scan3A_8 to %scan3A_10 step %scan3A_11 iter_args(%scan3A_47 = %scan3A_7) -> (i32)  : i32 {
      %broadcast_in_dim3A = arith.constant 1.000000e+00 : f32
      %broadcast_in_dim3A_48 = vector.broadcast %broadcast_in_dim3A : f32 to vector<16xf32>
      %swap3A = arith.index_cast %scan3A_46 : i32 to index
      %swap3A_49 = arith.constant 0 : index
      %swap3A_50 = tpu.vector_load %arg5[%swap3A, %swap3A_49] {strides = array<i32>} : memref<128x128xf32, #tpu.memory_space<vmem>>, vector<1x16xf32>,
      %swap3A_51 = vector.shape_cast %swap3A_50 : vector<1x16xf32> to vector<16xf32>
      %swap3A_52 = vector.shape_cast %broadcast_in_dim3A_48 : vector<16xf32> to vector<1x16xf32>
      tpu.vector_store %arg5[%swap3A, %swap3A_49], %swap3A_52 {strides = array<i32>} : memref<128x128xf32, #tpu.memory_space<vmem>>, vector<1x16xf32>,
      %broadcast_in_dim3A_53 = arith.constant 1.000000e+00 : f32
      %broadcast_in_dim3A_54 = vector.broadcast %broadcast_in_dim3A_53 : f32 to vector<16xf32>
      %swap3A_55 = arith.index_cast %scan3A_46 : i32 to index
      %swap3A_56 = arith.constant 16 : index
      %swap3A_57 = tpu.vector_load %arg5[%swap3A_55, %swap3A_56] {strides = array<i32>} : memref<128x128xf32, #tpu.memory_space<vmem>>, vector<1x16xf32>,
      %swap3A_58 = vector.shape_cast %swap3A_57 : vector<1x16xf32> to vector<16xf32>
      %swap3A_59 = vector.shape_cast %broadcast_in_dim3A_54 : vector<16xf32> to vector<1x16xf32>
      tpu.vector_store %arg5[%swap3A_55, %swap3A_56], %swap3A_59 {strides = array<i32>} : memref<128x128xf32, #tpu.memory_space<vmem>>, vector<1x16xf32>,
      %broadcast_in_dim3A_60 = arith.constant 1.000000e+00 : f32
      %broadcast_in_dim3A_61 = vector.broadcast %broadcast_in_dim3A_60 : f32 to vector<16xf32>
      %swap3A_62 = arith.index_cast %scan3A_46 : i32 to index
      %swap3A_63 = arith.constant 32 : index
      %swap3A_64 = tpu.vector_load %arg5[%swap3A_62, %swap3A_63] {strides = array<i32>} : memref<128x128xf32, #tpu.memory_space<vmem>>, vector<1x16xf32>,
      %swap3A_65 = vector.shape_cast %swap3A_64 : vector<1x16xf32> to vector<16xf32>
      %swap3A_66 = vector.shape_cast %broadcast_in_dim3A_61 : vector<16xf32> to vector<1x16xf32>
      tpu.vector_store %arg5[%swap3A_62, %swap3A_63], %swap3A_66 {strides = array<i32>} : memref<128x128xf32, #tpu.memory_space<vmem>>, vector<1x16xf32>,
      %broadcast_in_dim3A_67 = arith.constant 1.000000e+00 : f32
      %broadcast_in_dim3A_68 = vector.broadcast %broadcast_in_dim3A_67 : f32 to vector<16xf32>
      %swap3A_69 = arith.index_cast %scan3A_46 : i32 to index
      %swap3A_70 = arith.constant 48 : index
      %swap3A_71 = tpu.vector_load %arg5[%swap3A_69, %swap3A_70] {strides = array<i32>} : memref<128x128xf32, #tpu.memory_space<vmem>>, vector<1x16xf32>,
      %swap3A_72 = vector.shape_cast %swap3A_71 : vector<1x16xf32> to vector<16xf32>
      %swap3A_73 = vector.shape_cast %broadcast_in_dim3A_68 : vector<16xf32> to vector<1x16xf32>
      tpu.vector_store %arg5[%swap3A_69, %swap3A_70], %swap3A_73 {strides = array<i32>} : memref<128x128xf32, #tpu.memory_space<vmem>>, vector<1x16xf32>,
      %broadcast_in_dim3A_74 = arith.constant 1.000000e+00 : f32
      %broadcast_in_dim3A_75 = vector.broadcast %broadcast_in_dim3A_74 : f32 to vector<16xf32>
      %swap3A_76 = arith.index_cast %scan3A_46 : i32 to index
      %swap3A_77 = arith.constant 64 : index
      %swap3A_78 = tpu.vector_load %arg5[%swap3A_76, %swap3A_77] {strides = array<i32>} : memref<128x128xf32, #tpu.memory_space<vmem>>, vector<1x16xf32>,
      %swap3A_79 = vector.shape_cast %swap3A_78 : vector<1x16xf32> to vector<16xf32>
      %swap3A_80 = vector.shape_cast %broadcast_in_dim3A_75 : vector<16xf32> to vector<1x16xf32>
      tpu.vector_store %arg5[%swap3A_76, %swap3A_77], %swap3A_80 {strides = array<i32>} : memref<128x128xf32, #tpu.memory_space<vmem>>, vector<1x16xf32>,
      %broadcast_in_dim3A_81 = arith.constant 1.000000e+00 : f32
      %broadcast_in_dim3A_82 = vector.broadcast %broadcast_in_dim3A_81 : f32 to vector<16xf32>
      %swap3A_83 = arith.index_cast %scan3A_46 : i32 to index
      %swap3A_84 = arith.constant 80 : index
      %swap3A_85 = tpu.vector_load %arg5[%swap3A_83, %swap3A_84] {strides = array<i32>} : memref<128x128xf32, #tpu.memory_space<vmem>>, vector<1x16xf32>,
      %swap3A_86 = vector.shape_cast %swap3A_85 : vector<1x16xf32> to vector<16xf32>
      %swap3A_87 = vector.shape_cast %broadcast_in_dim3A_82 : vector<16xf32> to vector<1x16xf32>
      tpu.vector_store %arg5[%swap3A_83, %swap3A_84], %swap3A_87 {strides = array<i32>} : memref<128x128xf32, #tpu.memory_space<vmem>>, vector<1x16xf32>,
      %broadcast_in_dim3A_88 = arith.constant 1.000000e+00 : f32
      %broadcast_in_dim3A_89 = vector.broadcast %broadcast_in_dim3A_88 : f32 to vector<16xf32>
      %swap3A_90 = arith.index_cast %scan3A_46 : i32 to index
      %swap3A_91 = arith.constant 96 : index
      %swap3A_92 = tpu.vector_load %arg5[%swap3A_90, %swap3A_91] {strides = array<i32>} : memref<128x128xf32, #tpu.memory_space<vmem>>, vector<1x16xf32>,
      %swap3A_93 = vector.shape_cast %swap3A_92 : vector<1x16xf32> to vector<16xf32>
      %swap3A_94 = vector.shape_cast %broadcast_in_dim3A_89 : vector<16xf32> to vector<1x16xf32>
      tpu.vector_store %arg5[%swap3A_90, %swap3A_91], %swap3A_94 {strides = array<i32>} : memref<128x128xf32, #tpu.memory_space<vmem>>, vector<1x16xf32>,
      %broadcast_in_dim3A_95 = arith.constant 1.000000e+00 : f32
      %broadcast_in_dim3A_96 = vector.broadcast %broadcast_in_dim3A_95 : f32 to vector<16xf32>
      %swap3A_97 = arith.index_cast %scan3A_46 : i32 to index
      %swap3A_98 = arith.constant 112 : index
      %swap3A_99 = tpu.vector_load %arg5[%swap3A_97, %swap3A_98] {strides = array<i32>} : memref<128x128xf32, #tpu.memory_space<vmem>>, vector<1x16xf32>,
      %swap3A_100 = vector.shape_cast %swap3A_99 : vector<1x16xf32> to vector<16xf32>
      %swap3A_101 = vector.shape_cast %broadcast_in_dim3A_96 : vector<16xf32> to vector<1x16xf32>
      tpu.vector_store %arg5[%swap3A_97, %swap3A_98], %swap3A_101 {strides = array<i32>} : memref<128x128xf32, #tpu.memory_space<vmem>>, vector<1x16xf32>,
      %scan3A_102 = arith.constant 0 : i32
      scf.yield %scan3A_102 : i32
    }
    %scan3A_13 = arith.constant 128 : i32
    %mul3A_14 = arith.constant 320 : i32
    %mul3A_15 = arith.muli %arg1, %mul3A_14 : i32
    %add3A = arith.constant 0 : i32
    %add3A_16 = arith.addi %mul3A_15, %add3A : i32
    %multiple_of3A = tpu.assume_multiple %add3A_16, 8 : i32
    "tpu.region"() ({
      %run_scoped3A = tpu.sem_alloc : memref<!tpu.dma_semaphore, #tpu.memory_space<semaphore_mem>>
      %dma_start3A = arith.constant 0 : i32
      %dma_start3A_46 = tpu.memref_slice %arg7[%multiple_of3A, %dma_start3A] : memref<5120x128xf32, #tpu.memory_space<vmem_shared>> -> memref<160x128xf32, #tpu.memory_space<vmem_shared>>
      %dma_start3A_47 = arith.constant 0 : i32
      %dma_start3A_48 = tpu.memref_slice %arg7[%multiple_of3A, %dma_start3A_47] : memref<5120x128xf32, #tpu.memory_space<vmem_shared>> -> memref<160x128xf32, #tpu.memory_space<vmem_shared>>
      tpu.enqueue_dma source(%arg6 : memref<160x128xf32, #tpu.memory_space<vmem>>) target(%dma_start3A_48 : memref<160x128xf32, #tpu.memory_space<vmem_shared>>) target_semaphore(%run_scoped3A : memref<!tpu.dma_semaphore, #tpu.memory_space<semaphore_mem>>)
      %dma_wait3A = arith.constant 0 : i32
      %dma_wait3A_49 = tpu.memref_slice %arg7[%multiple_of3A, %dma_wait3A] : memref<5120x128xf32, #tpu.memory_space<vmem_shared>> -> memref<160x128xf32, #tpu.memory_space<vmem_shared>>
      %dma_wait3A_50 = arith.constant 0 : i32
      %dma_wait3A_51 = tpu.memref_slice %arg7[%multiple_of3A, %dma_wait3A_50] : memref<5120x128xf32, #tpu.memory_space<vmem_shared>> -> memref<160x128xf32, #tpu.memory_space<vmem_shared>>
      tpu.wait_dma2 semaphore(%run_scoped3A : memref<!tpu.dma_semaphore, #tpu.memory_space<semaphore_mem>>) src(%arg6 : memref<160x128xf32, #tpu.memory_space<vmem>>) dst(%dma_wait3A_51 : memref<160x128xf32, #tpu.memory_space<vmem_shared>>)
      tpu.yield
    }) : () -> ()
    %mul3A_17 = arith.constant 320 : i32
    %mul3A_18 = arith.muli %arg1, %mul3A_17 : i32
    %add3A_19 = arith.constant 160 : i32
    %add3A_20 = arith.addi %mul3A_18, %add3A_19 : i32
    %multiple_of3A_21 = tpu.assume_multiple %add3A_20, 8 : i32
    "tpu.region"() ({
      %run_scoped3A = tpu.sem_alloc : memref<!tpu.dma_semaphore, #tpu.memory_space<semaphore_mem>>
      %dma_start3A = arith.constant 0 : i32
      %dma_start3A_46 = tpu.memref_slice %arg7[%multiple_of3A_21, %dma_start3A] : memref<5120x128xf32, #tpu.memory_space<vmem_shared>> -> memref<160x128xf32, #tpu.memory_space<vmem_shared>>
      %dma_start3A_47 = arith.constant 0 : i32
      %dma_start3A_48 = tpu.memref_slice %arg7[%multiple_of3A_21, %dma_start3A_47] : memref<5120x128xf32, #tpu.memory_space<vmem_shared>> -> memref<160x128xf32, #tpu.memory_space<vmem_shared>>
      tpu.enqueue_dma source(%arg6 : memref<160x128xf32, #tpu.memory_space<vmem>>) target(%dma_start3A_48 : memref<160x128xf32, #tpu.memory_space<vmem_shared>>) target_semaphore(%run_scoped3A : memref<!tpu.dma_semaphore, #tpu.memory_space<semaphore_mem>>)
      %dma_wait3A = arith.constant 0 : i32
      %dma_wait3A_49 = tpu.memref_slice %arg7[%multiple_of3A_21, %dma_wait3A] : memref<5120x128xf32, #tpu.memory_space<vmem_shared>> -> memref<160x128xf32, #tpu.memory_space<vmem_shared>>
      %dma_wait3A_50 = arith.constant 0 : i32
      %dma_wait3A_51 = tpu.memref_slice %arg7[%multiple_of3A_21, %dma_wait3A_50] : memref<5120x128xf32, #tpu.memory_space<vmem_shared>> -> memref<160x128xf32, #tpu.memory_space<vmem_shared>>
      tpu.wait_dma2 semaphore(%run_scoped3A : memref<!tpu.dma_semaphore, #tpu.memory_space<semaphore_mem>>) src(%arg6 : memref<160x128xf32, #tpu.memory_space<vmem>>) dst(%dma_wait3A_51 : memref<160x128xf32, #tpu.memory_space<vmem_shared>>)
      tpu.yield
    }) : () -> ()
    %barrier3A = arith.constant 0 : index
    tpu.barrier barrier_id(%barrier3A)
    %mul3A_22 = arith.constant 80 : i32
    %mul3A_23 = arith.muli %arg1, %mul3A_22 : i32
    %multiple_of3A_24 = tpu.assume_multiple %mul3A_23, 8 : i32
    "tpu.region"() ({
      %run_scoped3A = tpu.sem_alloc : memref<!tpu.dma_semaphore, #tpu.memory_space<semaphore_mem>>
      %dma_start3A = arith.constant 0 : i32
      %dma_start3A_46 = tpu.memref_slice %arg2[%multiple_of3A_24, %dma_start3A] : memref<1280x128xi32, #tpu.memory_space<hbm>> -> memref<80x128xi32, #tpu.memory_space<hbm>>
      %dma_start3A_47 = arith.constant 0 : i32
      %dma_start3A_48 = tpu.memref_slice %arg2[%multiple_of3A_24, %dma_start3A_47] : memref<1280x128xi32, #tpu.memory_space<hbm>> -> memref<80x128xi32, #tpu.memory_space<hbm>>
      tpu.enqueue_dma source(%dma_start3A_48 : memref<80x128xi32, #tpu.memory_space<hbm>>) target(%arg4 : memref<80x128xi32, #tpu.memory_space<vmem>>) target_semaphore(%run_scoped3A : memref<!tpu.dma_semaphore, #tpu.memory_space<semaphore_mem>>)
      %dma_wait3A = arith.constant 0 : i32
      %dma_wait3A_49 = tpu.memref_slice %arg2[%multiple_of3A_24, %dma_wait3A] : memref<1280x128xi32, #tpu.memory_space<hbm>> -> memref<80x128xi32, #tpu.memory_space<hbm>>
      %dma_wait3A_50 = arith.constant 0 : i32
      %dma_wait3A_51 = tpu.memref_slice %arg2[%multiple_of3A_24, %dma_wait3A_50] : memref<1280x128xi32, #tpu.memory_space<hbm>> -> memref<80x128xi32, #tpu.memory_space<hbm>>
      tpu.wait_dma2 semaphore(%run_scoped3A : memref<!tpu.dma_semaphore, #tpu.memory_space<semaphore_mem>>) src(%dma_wait3A_51 : memref<80x128xi32, #tpu.memory_space<hbm>>) dst(%arg4 : memref<80x128xi32, #tpu.memory_space<vmem>>)
      tpu.yield
    }) : () -> ()
    %scan3A_25 = arith.constant 0 : i32
    %scan3A_26 = arith.constant 0 : i32
    %scan3A_27 = arith.constant 80 : i32
    %scan3A_28 = arith.addi %scan3A_26, %scan3A_27 : i32
    %scan3A_29 = arith.constant 1 : i32
    %scan3A_30 = scf.for %scan3A_46 = %scan3A_26 to %scan3A_28 step %scan3A_29 iter_args(%scan3A_47 = %scan3A_25) -> (i32)  : i32 {
      %get3A = arith.index_cast %scan3A_46 : i32 to index
      %get3A_48 = arith.constant 0 : index
      %get3A_49 = tpu.vector_load %arg4[%get3A, %get3A_48] {strides = array<i32>} : memref<80x128xi32, #tpu.memory_space<vmem>>, vector<1x16xi32>,
      %get3A_50 = vector.shape_cast %get3A_49 : vector<1x16xi32> to vector<16xi32>
      %sub3A = vector.broadcast %mul3A_0 : i32 to vector<16xi32>
      %sub3A_51 = arith.subi %get3A_50, %sub3A : vector<16xi32>
      %lt3A_52 = arith.constant 0 : i32
      %lt3A_53 = vector.broadcast %lt3A_52 : i32 to vector<16xi32>
      %lt3A_54 = arith.cmpi slt, %sub3A_51, %lt3A_53 : vector<16xi32>
      %ge3A = arith.constant 5000 : i32
      %ge3A_55 = vector.broadcast %ge3A : i32 to vector<16xi32>
      %ge3A_56 = arith.cmpi sge, %sub3A_51, %ge3A_55 : vector<16xi32>
      %or3A = arith.ori %lt3A_54, %ge3A_56 : vector<16xi1>
      %jit3A = arith.constant 5000 : i32
      %broadcast_in_dim3A = vector.broadcast %jit3A : i32 to vector<16xi32>
      %select_n3A = arith.select %or3A, %broadcast_in_dim3A, %sub3A_51 : vector<16xi1>, vector<16xi32>
      %swap3A = arith.index_cast %scan3A_46 : i32 to index
      %swap3A_57 = arith.constant 0 : index
      %swap3A_58 = tpu.vector_load %arg4[%swap3A, %swap3A_57] {strides = array<i32>} : memref<80x128xi32, #tpu.memory_space<vmem>>, vector<1x16xi32>,
      %swap3A_59 = vector.shape_cast %swap3A_58 : vector<1x16xi32> to vector<16xi32>
      %swap3A_60 = vector.shape_cast %select_n3A : vector<16xi32> to vector<1x16xi32>
      tpu.vector_store %arg4[%swap3A, %swap3A_57], %swap3A_60 {strides = array<i32>} : memref<80x128xi32, #tpu.memory_space<vmem>>, vector<1x16xi32>,
      %get3A_61 = arith.index_cast %scan3A_46 : i32 to index
      %get3A_62 = arith.constant 16 : index
      %get3A_63 = tpu.vector_load %arg4[%get3A_61, %get3A_62] {strides = array<i32>} : memref<80x128xi32, #tpu.memory_space<vmem>>, vector<1x16xi32>,
      %get3A_64 = vector.shape_cast %get3A_63 : vector<1x16xi32> to vector<16xi32>
      %sub3A_65 = vector.broadcast %mul3A_0 : i32 to vector<16xi32>
      %sub3A_66 = arith.subi %get3A_64, %sub3A_65 : vector<16xi32>
      %lt3A_67 = arith.constant 0 : i32
      %lt3A_68 = vector.broadcast %lt3A_67 : i32 to vector<16xi32>
      %lt3A_69 = arith.cmpi slt, %sub3A_66, %lt3A_68 : vector<16xi32>
      %ge3A_70 = arith.constant 5000 : i32
      %ge3A_71 = vector.broadcast %ge3A_70 : i32 to vector<16xi32>
      %ge3A_72 = arith.cmpi sge, %sub3A_66, %ge3A_71 : vector<16xi32>
      %or3A_73 = arith.ori %lt3A_69, %ge3A_72 : vector<16xi1>
      %jit3A_74 = arith.constant 5000 : i32
      %broadcast_in_dim3A_75 = vector.broadcast %jit3A_74 : i32 to vector<16xi32>
      %select_n3A_76 = arith.select %or3A_73, %broadcast_in_dim3A_75, %sub3A_66 : vector<16xi1>, vector<16xi32>
      %swap3A_77 = arith.index_cast %scan3A_46 : i32 to index
      %swap3A_78 = arith.constant 16 : index
      %swap3A_79 = tpu.vector_load %arg4[%swap3A_77, %swap3A_78] {strides = array<i32>} : memref<80x128xi32, #tpu.memory_space<vmem>>, vector<1x16xi32>,
      %swap3A_80 = vector.shape_cast %swap3A_79 : vector<1x16xi32> to vector<16xi32>
      %swap3A_81 = vector.shape_cast %select_n3A_76 : vector<16xi32> to vector<1x16xi32>
      tpu.vector_store %arg4[%swap3A_77, %swap3A_78], %swap3A_81 {strides = array<i32>} : memref<80x128xi32, #tpu.memory_space<vmem>>, vector<1x16xi32>,
      %get3A_82 = arith.index_cast %scan3A_46 : i32 to index
      %get3A_83 = arith.constant 32 : index
      %get3A_84 = tpu.vector_load %arg4[%get3A_82, %get3A_83] {strides = array<i32>} : memref<80x128xi32, #tpu.memory_space<vmem>>, vector<1x16xi32>,
      %get3A_85 = vector.shape_cast %get3A_84 : vector<1x16xi32> to vector<16xi32>
      %sub3A_86 = vector.broadcast %mul3A_0 : i32 to vector<16xi32>
      %sub3A_87 = arith.subi %get3A_85, %sub3A_86 : vector<16xi32>
      %lt3A_88 = arith.constant 0 : i32
      %lt3A_89 = vector.broadcast %lt3A_88 : i32 to vector<16xi32>
      %lt3A_90 = arith.cmpi slt, %sub3A_87, %lt3A_89 : vector<16xi32>
      %ge3A_91 = arith.constant 5000 : i32
      %ge3A_92 = vector.broadcast %ge3A_91 : i32 to vector<16xi32>
      %ge3A_93 = arith.cmpi sge, %sub3A_87, %ge3A_92 : vector<16xi32>
      %or3A_94 = arith.ori %lt3A_90, %ge3A_93 : vector<16xi1>
      %jit3A_95 = arith.constant 5000 : i32
      %broadcast_in_dim3A_96 = vector.broadcast %jit3A_95 : i32 to vector<16xi32>
      %select_n3A_97 = arith.select %or3A_94, %broadcast_in_dim3A_96, %sub3A_87 : vector<16xi1>, vector<16xi32>
      %swap3A_98 = arith.index_cast %scan3A_46 : i32 to index
      %swap3A_99 = arith.constant 32 : index
      %swap3A_100 = tpu.vector_load %arg4[%swap3A_98, %swap3A_99] {strides = array<i32>} : memref<80x128xi32, #tpu.memory_space<vmem>>, vector<1x16xi32>,
      %swap3A_101 = vector.shape_cast %swap3A_100 : vector<1x16xi32> to vector<16xi32>
      %swap3A_102 = vector.shape_cast %select_n3A_97 : vector<16xi32> to vector<1x16xi32>
      tpu.vector_store %arg4[%swap3A_98, %swap3A_99], %swap3A_102 {strides = array<i32>} : memref<80x128xi32, #tpu.memory_space<vmem>>, vector<1x16xi32>,
      %get3A_103 = arith.index_cast %scan3A_46 : i32 to index
      %get3A_104 = arith.constant 48 : index
      %get3A_105 = tpu.vector_load %arg4[%get3A_103, %get3A_104] {strides = array<i32>} : memref<80x128xi32, #tpu.memory_space<vmem>>, vector<1x16xi32>,
      %get3A_106 = vector.shape_cast %get3A_105 : vector<1x16xi32> to vector<16xi32>
      %sub3A_107 = vector.broadcast %mul3A_0 : i32 to vector<16xi32>
      %sub3A_108 = arith.subi %get3A_106, %sub3A_107 : vector<16xi32>
      %lt3A_109 = arith.constant 0 : i32
      %lt3A_110 = vector.broadcast %lt3A_109 : i32 to vector<16xi32>
      %lt3A_111 = arith.cmpi slt, %sub3A_108, %lt3A_110 : vector<16xi32>
      %ge3A_112 = arith.constant 5000 : i32
      %ge3A_113 = vector.broadcast %ge3A_112 : i32 to vector<16xi32>
      %ge3A_114 = arith.cmpi sge, %sub3A_108, %ge3A_113 : vector<16xi32>
      %or3A_115 = arith.ori %lt3A_111, %ge3A_114 : vector<16xi1>
      %jit3A_116 = arith.constant 5000 : i32
      %broadcast_in_dim3A_117 = vector.broadcast %jit3A_116 : i32 to vector<16xi32>
      %select_n3A_118 = arith.select %or3A_115, %broadcast_in_dim3A_117, %sub3A_108 : vector<16xi1>, vector<16xi32>
      %swap3A_119 = arith.index_cast %scan3A_46 : i32 to index
      %swap3A_120 = arith.constant 48 : index
      %swap3A_121 = tpu.vector_load %arg4[%swap3A_119, %swap3A_120] {strides = array<i32>} : memref<80x128xi32, #tpu.memory_space<vmem>>, vector<1x16xi32>,
      %swap3A_122 = vector.shape_cast %swap3A_121 : vector<1x16xi32> to vector<16xi32>
      %swap3A_123 = vector.shape_cast %select_n3A_118 : vector<16xi32> to vector<1x16xi32>
      tpu.vector_store %arg4[%swap3A_119, %swap3A_120], %swap3A_123 {strides = array<i32>} : memref<80x128xi32, #tpu.memory_space<vmem>>, vector<1x16xi32>,
      %get3A_124 = arith.index_cast %scan3A_46 : i32 to index
      %get3A_125 = arith.constant 64 : index
      %get3A_126 = tpu.vector_load %arg4[%get3A_124, %get3A_125] {strides = array<i32>} : memref<80x128xi32, #tpu.memory_space<vmem>>, vector<1x16xi32>,
      %get3A_127 = vector.shape_cast %get3A_126 : vector<1x16xi32> to vector<16xi32>
      %sub3A_128 = vector.broadcast %mul3A_0 : i32 to vector<16xi32>
      %sub3A_129 = arith.subi %get3A_127, %sub3A_128 : vector<16xi32>
      %lt3A_130 = arith.constant 0 : i32
      %lt3A_131 = vector.broadcast %lt3A_130 : i32 to vector<16xi32>
      %lt3A_132 = arith.cmpi slt, %sub3A_129, %lt3A_131 : vector<16xi32>
      %ge3A_133 = arith.constant 5000 : i32
      %ge3A_134 = vector.broadcast %ge3A_133 : i32 to vector<16xi32>
      %ge3A_135 = arith.cmpi sge, %sub3A_129, %ge3A_134 : vector<16xi32>
      %or3A_136 = arith.ori %lt3A_132, %ge3A_135 : vector<16xi1>
      %jit3A_137 = arith.constant 5000 : i32
      %broadcast_in_dim3A_138 = vector.broadcast %jit3A_137 : i32 to vector<16xi32>
      %select_n3A_139 = arith.select %or3A_136, %broadcast_in_dim3A_138, %sub3A_129 : vector<16xi1>, vector<16xi32>
      %swap3A_140 = arith.index_cast %scan3A_46 : i32 to index
      %swap3A_141 = arith.constant 64 : index
      %swap3A_142 = tpu.vector_load %arg4[%swap3A_140, %swap3A_141] {strides = array<i32>} : memref<80x128xi32, #tpu.memory_space<vmem>>, vector<1x16xi32>,
      %swap3A_143 = vector.shape_cast %swap3A_142 : vector<1x16xi32> to vector<16xi32>
      %swap3A_144 = vector.shape_cast %select_n3A_139 : vector<16xi32> to vector<1x16xi32>
      tpu.vector_store %arg4[%swap3A_140, %swap3A_141], %swap3A_144 {strides = array<i32>} : memref<80x128xi32, #tpu.memory_space<vmem>>, vector<1x16xi32>,
      %get3A_145 = arith.index_cast %scan3A_46 : i32 to index
      %get3A_146 = arith.constant 80 : index
      %get3A_147 = tpu.vector_load %arg4[%get3A_145, %get3A_146] {strides = array<i32>} : memref<80x128xi32, #tpu.memory_space<vmem>>, vector<1x16xi32>,
      %get3A_148 = vector.shape_cast %get3A_147 : vector<1x16xi32> to vector<16xi32>
      %sub3A_149 = vector.broadcast %mul3A_0 : i32 to vector<16xi32>
      %sub3A_150 = arith.subi %get3A_148, %sub3A_149 : vector<16xi32>
      %lt3A_151 = arith.constant 0 : i32
      %lt3A_152 = vector.broadcast %lt3A_151 : i32 to vector<16xi32>
      %lt3A_153 = arith.cmpi slt, %sub3A_150, %lt3A_152 : vector<16xi32>
      %ge3A_154 = arith.constant 5000 : i32
      %ge3A_155 = vector.broadcast %ge3A_154 : i32 to vector<16xi32>
      %ge3A_156 = arith.cmpi sge, %sub3A_150, %ge3A_155 : vector<16xi32>
      %or3A_157 = arith.ori %lt3A_153, %ge3A_156 : vector<16xi1>
      %jit3A_158 = arith.constant 5000 : i32
      %broadcast_in_dim3A_159 = vector.broadcast %jit3A_158 : i32 to vector<16xi32>
      %select_n3A_160 = arith.select %or3A_157, %broadcast_in_dim3A_159, %sub3A_150 : vector<16xi1>, vector<16xi32>
      %swap3A_161 = arith.index_cast %scan3A_46 : i32 to index
      %swap3A_162 = arith.constant 80 : index
      %swap3A_163 = tpu.vector_load %arg4[%swap3A_161, %swap3A_162] {strides = array<i32>} : memref<80x128xi32, #tpu.memory_space<vmem>>, vector<1x16xi32>,
      %swap3A_164 = vector.shape_cast %swap3A_163 : vector<1x16xi32> to vector<16xi32>
      %swap3A_165 = vector.shape_cast %select_n3A_160 : vector<16xi32> to vector<1x16xi32>
      tpu.vector_store %arg4[%swap3A_161, %swap3A_162], %swap3A_165 {strides = array<i32>} : memref<80x128xi32, #tpu.memory_space<vmem>>, vector<1x16xi32>,
      %get3A_166 = arith.index_cast %scan3A_46 : i32 to index
      %get3A_167 = arith.constant 96 : index
      %get3A_168 = tpu.vector_load %arg4[%get3A_166, %get3A_167] {strides = array<i32>} : memref<80x128xi32, #tpu.memory_space<vmem>>, vector<1x16xi32>,
      %get3A_169 = vector.shape_cast %get3A_168 : vector<1x16xi32> to vector<16xi32>
      %sub3A_170 = vector.broadcast %mul3A_0 : i32 to vector<16xi32>
      %sub3A_171 = arith.subi %get3A_169, %sub3A_170 : vector<16xi32>
      %lt3A_172 = arith.constant 0 : i32
      %lt3A_173 = vector.broadcast %lt3A_172 : i32 to vector<16xi32>
      %lt3A_174 = arith.cmpi slt, %sub3A_171, %lt3A_173 : vector<16xi32>
      %ge3A_175 = arith.constant 5000 : i32
      %ge3A_176 = vector.broadcast %ge3A_175 : i32 to vector<16xi32>
      %ge3A_177 = arith.cmpi sge, %sub3A_171, %ge3A_176 : vector<16xi32>
      %or3A_178 = arith.ori %lt3A_174, %ge3A_177 : vector<16xi1>
      %jit3A_179 = arith.constant 5000 : i32
      %broadcast_in_dim3A_180 = vector.broadcast %jit3A_179 : i32 to vector<16xi32>
      %select_n3A_181 = arith.select %or3A_178, %broadcast_in_dim3A_180, %sub3A_171 : vector<16xi1>, vector<16xi32>
      %swap3A_182 = arith.index_cast %scan3A_46 : i32 to index
      %swap3A_183 = arith.constant 96 : index
      %swap3A_184 = tpu.vector_load %arg4[%swap3A_182, %swap3A_183] {strides = array<i32>} : memref<80x128xi32, #tpu.memory_space<vmem>>, vector<1x16xi32>,
      %swap3A_185 = vector.shape_cast %swap3A_184 : vector<1x16xi32> to vector<16xi32>
      %swap3A_186 = vector.shape_cast %select_n3A_181 : vector<16xi32> to vector<1x16xi32>
      tpu.vector_store %arg4[%swap3A_182, %swap3A_183], %swap3A_186 {strides = array<i32>} : memref<80x128xi32, #tpu.memory_space<vmem>>, vector<1x16xi32>,
      %get3A_187 = arith.index_cast %scan3A_46 : i32 to index
      %get3A_188 = arith.constant 112 : index
      %get3A_189 = tpu.vector_load %arg4[%get3A_187, %get3A_188] {strides = array<i32>} : memref<80x128xi32, #tpu.memory_space<vmem>>, vector<1x16xi32>,
      %get3A_190 = vector.shape_cast %get3A_189 : vector<1x16xi32> to vector<16xi32>
      %sub3A_191 = vector.broadcast %mul3A_0 : i32 to vector<16xi32>
      %sub3A_192 = arith.subi %get3A_190, %sub3A_191 : vector<16xi32>
      %lt3A_193 = arith.constant 0 : i32
      %lt3A_194 = vector.broadcast %lt3A_193 : i32 to vector<16xi32>
      %lt3A_195 = arith.cmpi slt, %sub3A_192, %lt3A_194 : vector<16xi32>
      %ge3A_196 = arith.constant 5000 : i32
      %ge3A_197 = vector.broadcast %ge3A_196 : i32 to vector<16xi32>
      %ge3A_198 = arith.cmpi sge, %sub3A_192, %ge3A_197 : vector<16xi32>
      %or3A_199 = arith.ori %lt3A_195, %ge3A_198 : vector<16xi1>
      %jit3A_200 = arith.constant 5000 : i32
      %broadcast_in_dim3A_201 = vector.broadcast %jit3A_200 : i32 to vector<16xi32>
      %select_n3A_202 = arith.select %or3A_199, %broadcast_in_dim3A_201, %sub3A_192 : vector<16xi1>, vector<16xi32>
      %swap3A_203 = arith.index_cast %scan3A_46 : i32 to index
      %swap3A_204 = arith.constant 112 : index
      %swap3A_205 = tpu.vector_load %arg4[%swap3A_203, %swap3A_204] {strides = array<i32>} : memref<80x128xi32, #tpu.memory_space<vmem>>, vector<1x16xi32>,
      %swap3A_206 = vector.shape_cast %swap3A_205 : vector<1x16xi32> to vector<16xi32>
      %swap3A_207 = vector.shape_cast %select_n3A_202 : vector<16xi32> to vector<1x16xi32>
      tpu.vector_store %arg4[%swap3A_203, %swap3A_204], %swap3A_207 {strides = array<i32>} : memref<80x128xi32, #tpu.memory_space<vmem>>, vector<1x16xi32>,
      %scan3A_208 = arith.constant 0 : i32
      scf.yield %scan3A_208 : i32
    }
    %scan3A_31 = arith.constant 80 : i32
    %scan3A_32 = arith.constant 0 : i32
    %scan3A_33 = arith.constant 0 : i32
    %scan3A_34 = arith.constant 80 : i32
    %scan3A_35 = arith.addi %scan3A_33, %scan3A_34 : i32
    %scan3A_36 = arith.constant 1 : i32
    %scan3A_37 = scf.for %scan3A_46 = %scan3A_33 to %scan3A_35 step %scan3A_36 iter_args(%scan3A_47 = %scan3A_32) -> (i32)  : i32 {
      "tpu.region"() ({
        %run_scoped3A = tpu.sem_alloc : memref<!tpu.dma_semaphore, #tpu.memory_space<semaphore_mem>>
        %dma_start3A = arith.constant 0 : i32
        %dma_start3A_49 = tpu.memref_slice %arg4[%scan3A_46, %dma_start3A] : memref<80x128xi32, #tpu.memory_space<vmem>> -> memref<1x128xi32, #tpu.memory_space<vmem>>
        %dma_start3A_50 = tpu.memref_squeeze %dma_start3A_49 : memref<1x128xi32, #tpu.memory_space<vmem>> -> memref<128xi32, #tpu.memory_space<vmem>>
        %dma_start3A_51 = arith.constant 0 : i32
        %dma_start3A_52 = arith.constant 0 : i32
        %dma_start3A_53 = tpu.memref_slice %arg7[%dma_start3A_51, %dma_start3A_52] : memref<5120x128xf32, #tpu.memory_space<vmem_shared>> -> memref<5120x128xf32, #tpu.memory_space<vmem_shared>>
        tpu.enqueue_indirect_dma source(%arg5 : memref<128x128xf32, #tpu.memory_space<vmem>>) target(%dma_start3A_53 : memref<5120x128xf32, #tpu.memory_space<vmem_shared>>) offsets(%dma_start3A_50 : memref<128xi32, #tpu.memory_space<vmem>>) semaphore(%run_scoped3A : memref<!tpu.dma_semaphore, #tpu.memory_space<semaphore_mem>>) {add = true}
        %dma_wait3A = arith.constant 0 : i32
        %dma_wait3A_54 = tpu.memref_slice %arg4[%scan3A_46, %dma_wait3A] : memref<80x128xi32, #tpu.memory_space<vmem>> -> memref<1x128xi32, #tpu.memory_space<vmem>>
        %dma_wait3A_55 = tpu.memref_squeeze %dma_wait3A_54 : memref<1x128xi32, #tpu.memory_space<vmem>> -> memref<128xi32, #tpu.memory_space<vmem>>
        %dma_wait3A_56 = arith.constant 0 : i32
        %dma_wait3A_57 = arith.constant 0 : i32
        %dma_wait3A_58 = tpu.memref_slice %arg7[%dma_wait3A_56, %dma_wait3A_57] : memref<5120x128xf32, #tpu.memory_space<vmem_shared>> -> memref<5120x128xf32, #tpu.memory_space<vmem_shared>>
        tpu.wait_indirect_dma semaphore(%run_scoped3A : memref<!tpu.dma_semaphore, #tpu.memory_space<semaphore_mem>>) src(%arg5 : memref<128x128xf32, #tpu.memory_space<vmem>>) dst(%dma_wait3A_58 : memref<5120x128xf32, #tpu.memory_space<vmem_shared>>)
        tpu.yield
      }) : () -> ()
      %scan3A_48 = arith.constant 0 : i32
      scf.yield %scan3A_48 : i32
    }
    %scan3A_38 = arith.constant 80 : i32
    %barrier3A_39 = arith.constant 0 : index
    tpu.barrier barrier_id(%barrier3A_39)
    %lt3A = arith.constant 15 : i32
    %lt3A_40 = arith.cmpi slt, %arg1, %lt3A : i32
    %convert_element_type3A = arith.extui %lt3A_40 : i1 to i32
    %cond3A = arith.constant 0 : i32
    %cond3A_41 = arith.cmpi ne, %convert_element_type3A, %cond3A : i32
    scf.if %cond3A_41 {
      %mul3A_46 = arith.constant 320 : i32
      %mul3A_47 = arith.muli %arg1, %mul3A_46 : i32
      %multiple_of3A_48 = tpu.assume_multiple %mul3A_47, 8 : i32
      %mul3A_49 = arith.constant 320 : i32
      %mul3A_50 = arith.muli %arg1, %mul3A_49 : i32
      %add3A_51 = arith.addi %mul3A_0, %mul3A_50 : i32
      %multiple_of3A_52 = tpu.assume_multiple %add3A_51, 8 : i32
      "tpu.region"() ({
        %run_scoped3A = tpu.sem_alloc : memref<!tpu.dma_semaphore, #tpu.memory_space<semaphore_mem>>
        %dma_start3A = arith.constant 0 : i32
        %dma_start3A_53 = tpu.memref_slice %arg3[%multiple_of3A_52, %dma_start3A] : memref<10000x128xf32, #tpu.memory_space<hbm>> -> memref<320x128xf32, #tpu.memory_space<hbm>>
        %dma_start3A_54 = arith.constant 0 : i32
        %dma_start3A_55 = tpu.memref_slice %arg7[%multiple_of3A_48, %dma_start3A_54] : memref<5120x128xf32, #tpu.memory_space<vmem_shared>> -> memref<320x128xf32, #tpu.memory_space<vmem_shared>>
        tpu.enqueue_dma source(%dma_start3A_55 : memref<320x128xf32, #tpu.memory_space<vmem_shared>>) target(%dma_start3A_53 : memref<320x128xf32, #tpu.memory_space<hbm>>) target_semaphore(%run_scoped3A : memref<!tpu.dma_semaphore, #tpu.memory_space<semaphore_mem>>)
        %dma_wait3A = arith.constant 0 : i32
        %dma_wait3A_56 = tpu.memref_slice %arg3[%multiple_of3A_52, %dma_wait3A] : memref<10000x128xf32, #tpu.memory_space<hbm>> -> memref<320x128xf32, #tpu.memory_space<hbm>>
        %dma_wait3A_57 = arith.constant 0 : i32
        %dma_wait3A_58 = tpu.memref_slice %arg7[%multiple_of3A_48, %dma_wait3A_57] : memref<5120x128xf32, #tpu.memory_space<vmem_shared>> -> memref<320x128xf32, #tpu.memory_space<vmem_shared>>
        tpu.wait_dma2 semaphore(%run_scoped3A : memref<!tpu.dma_semaphore, #tpu.memory_space<semaphore_mem>>) src(%dma_wait3A_58 : memref<320x128xf32, #tpu.memory_space<vmem_shared>>) dst(%dma_wait3A_56 : memref<320x128xf32, #tpu.memory_space<hbm>>)
        tpu.yield
      }) : () -> ()
    } else {
    }
    %eq3A = arith.constant 15 : i32
    %eq3A_42 = arith.cmpi eq, %arg1, %eq3A : i32
    %convert_element_type3A_43 = arith.extui %eq3A_42 : i1 to i32
    %cond3A_44 = arith.constant 0 : i32
    %cond3A_45 = arith.cmpi ne, %convert_element_type3A_43, %cond3A_44 : i32
    scf.if %cond3A_45 {
      %add3A_46 = arith.constant 4800 : i32
      %add3A_47 = arith.addi %mul3A_0, %add3A_46 : i32
      %multiple_of3A_48 = tpu.assume_multiple %add3A_47, 8 : i32
      "tpu.region"() ({
        %run_scoped3A = tpu.sem_alloc : memref<!tpu.dma_semaphore, #tpu.memory_space<semaphore_mem>>
        %dma_start3A = arith.constant 0 : i32
        %dma_start3A_49 = tpu.memref_slice %arg3[%multiple_of3A_48, %dma_start3A] : memref<10000x128xf32, #tpu.memory_space<hbm>> -> memref<200x128xf32, #tpu.memory_space<hbm>>
        %dma_start3A_50 = arith.constant 4800 : i32
        %dma_start3A_51 = arith.constant 0 : i32
        %dma_start3A_52 = tpu.memref_slice %arg7[%dma_start3A_50, %dma_start3A_51] : memref<5120x128xf32, #tpu.memory_space<vmem_shared>> -> memref<200x128xf32, #tpu.memory_space<vmem_shared>>
        tpu.enqueue_dma source(%dma_start3A_52 : memref<200x128xf32, #tpu.memory_space<vmem_shared>>) target(%dma_start3A_49 : memref<200x128xf32, #tpu.memory_space<hbm>>) target_semaphore(%run_scoped3A : memref<!tpu.dma_semaphore, #tpu.memory_space<semaphore_mem>>)
        %dma_wait3A = arith.constant 0 : i32
        %dma_wait3A_53 = tpu.memref_slice %arg3[%multiple_of3A_48, %dma_wait3A] : memref<10000x128xf32, #tpu.memory_space<hbm>> -> memref<200x128xf32, #tpu.memory_space<hbm>>
        %dma_wait3A_54 = arith.constant 4800 : i32
        %dma_wait3A_55 = arith.constant 0 : i32
        %dma_wait3A_56 = tpu.memref_slice %arg7[%dma_wait3A_54, %dma_wait3A_55] : memref<5120x128xf32, #tpu.memory_space<vmem_shared>> -> memref<200x128xf32, #tpu.memory_space<vmem_shared>>
        tpu.wait_dma2 semaphore(%run_scoped3A : memref<!tpu.dma_semaphore, #tpu.memory_space<semaphore_mem>>) src(%dma_wait3A_56 : memref<200x128xf32, #tpu.memory_space<vmem_shared>>) dst(%dma_wait3A_53 : memref<200x128xf32, #tpu.memory_space<hbm>>)
        tpu.yield
      }) : () -> ()
    } else {
    }
    return
  }
}

#map = affine_map<(d0, d1) -> (0, 0)>
module attributes {stable_mosaic.version = 14 : i64} {
  func.func @_agg_body(%arg0: i32, %arg1: i32, %arg2: memref<1280x128xi32, #tpu.memory_space<hbm>>, %arg3: memref<1280x128xi32, #tpu.memory_space<hbm>>, %arg4: memref<10000x128xf32, #tpu.memory_space<hbm>>, %arg5: memref<10000x128xf32, #tpu.memory_space<hbm>>, %arg6: memref<10000x128xf32, #tpu.memory_space<hbm>>, %arg7: memref<10000x128xf32, #tpu.memory_space<hbm>>, %arg8: memref<80x128xi32, #tpu.memory_space<vmem>>, %arg9: memref<80x128xi32, #tpu.memory_space<vmem>>, %arg10: memref<128x128xf32, #tpu.memory_space<vmem>>, %arg11: memref<128x128xf32, #tpu.memory_space<vmem>>, %arg12: memref<128x128xf32, #tpu.memory_space<vmem>>, %arg13: memref<128x128xf32, #tpu.memory_space<vmem>>, %arg14: memref<5120x128xf32, #tpu.memory_space<vmem_shared>>, %arg15: memref<!tpu.dma_semaphore, #tpu.memory_space<semaphore_mem>>, %arg16: memref<!tpu.dma_semaphore, #tpu.memory_space<semaphore_mem>>, %arg17: memref<!tpu.dma_semaphore, #tpu.memory_space<semaphore_mem>>, %arg18: memref<!tpu.dma_semaphore, #tpu.memory_space<semaphore_mem>>) attributes {dimension_semantics = [#tpu.dimension_semantics<core_parallel>, #tpu.dimension_semantics<subcore_parallel>], iteration_bounds = array<i64: 2, 16>, scalar_prefetch = 0 : i64, scratch_operands = 11 : i64, tpu.core_type = #tpu.core_type<sc_vector_subcore>, window_params = [{transform_indices = #map}, {transform_indices = #map}, {transform_indices = #map}, {transform_indices = #map}, {transform_indices = #map}, {transform_indices = #map}]} {
    %mul3A = arith.constant 5000 : i32
    %mul3A_0 = arith.muli %arg0, %mul3A : i32
    %scan3A = arith.constant 0 : i32
    %scan3A_1 = arith.constant 0 : i32
    %scan3A_2 = arith.constant 128 : i32
    %scan3A_3 = arith.addi %scan3A_1, %scan3A_2 : i32
    %scan3A_4 = arith.constant 1 : i32
    %scan3A_5 = scf.for %scan3A_124 = %scan3A_1 to %scan3A_3 step %scan3A_4 iter_args(%scan3A_125 = %scan3A) -> (i32)  : i32 {
      %broadcast_in_dim3A = arith.constant 0.000000e+00 : f32
      %broadcast_in_dim3A_126 = vector.broadcast %broadcast_in_dim3A : f32 to vector<16xf32>
      %swap3A = arith.index_cast %scan3A_124 : i32 to index
      %swap3A_127 = arith.constant 0 : index
      %swap3A_128 = tpu.vector_load %arg10[%swap3A, %swap3A_127] {strides = array<i32>} : memref<128x128xf32, #tpu.memory_space<vmem>>, vector<1x16xf32>,
      %swap3A_129 = vector.shape_cast %swap3A_128 : vector<1x16xf32> to vector<16xf32>
      %swap3A_130 = vector.shape_cast %broadcast_in_dim3A_126 : vector<16xf32> to vector<1x16xf32>
      tpu.vector_store %arg10[%swap3A, %swap3A_127], %swap3A_130 {strides = array<i32>} : memref<128x128xf32, #tpu.memory_space<vmem>>, vector<1x16xf32>,
      %broadcast_in_dim3A_131 = arith.constant 0.000000e+00 : f32
      %broadcast_in_dim3A_132 = vector.broadcast %broadcast_in_dim3A_131 : f32 to vector<16xf32>
      %swap3A_133 = arith.index_cast %scan3A_124 : i32 to index
      %swap3A_134 = arith.constant 16 : index
      %swap3A_135 = tpu.vector_load %arg10[%swap3A_133, %swap3A_134] {strides = array<i32>} : memref<128x128xf32, #tpu.memory_space<vmem>>, vector<1x16xf32>,
      %swap3A_136 = vector.shape_cast %swap3A_135 : vector<1x16xf32> to vector<16xf32>
      %swap3A_137 = vector.shape_cast %broadcast_in_dim3A_132 : vector<16xf32> to vector<1x16xf32>
      tpu.vector_store %arg10[%swap3A_133, %swap3A_134], %swap3A_137 {strides = array<i32>} : memref<128x128xf32, #tpu.memory_space<vmem>>, vector<1x16xf32>,
      %broadcast_in_dim3A_138 = arith.constant 0.000000e+00 : f32
      %broadcast_in_dim3A_139 = vector.broadcast %broadcast_in_dim3A_138 : f32 to vector<16xf32>
      %swap3A_140 = arith.index_cast %scan3A_124 : i32 to index
      %swap3A_141 = arith.constant 32 : index
      %swap3A_142 = tpu.vector_load %arg10[%swap3A_140, %swap3A_141] {strides = array<i32>} : memref<128x128xf32, #tpu.memory_space<vmem>>, vector<1x16xf32>,
      %swap3A_143 = vector.shape_cast %swap3A_142 : vector<1x16xf32> to vector<16xf32>
      %swap3A_144 = vector.shape_cast %broadcast_in_dim3A_139 : vector<16xf32> to vector<1x16xf32>
      tpu.vector_store %arg10[%swap3A_140, %swap3A_141], %swap3A_144 {strides = array<i32>} : memref<128x128xf32, #tpu.memory_space<vmem>>, vector<1x16xf32>,
      %broadcast_in_dim3A_145 = arith.constant 0.000000e+00 : f32
      %broadcast_in_dim3A_146 = vector.broadcast %broadcast_in_dim3A_145 : f32 to vector<16xf32>
      %swap3A_147 = arith.index_cast %scan3A_124 : i32 to index
      %swap3A_148 = arith.constant 48 : index
      %swap3A_149 = tpu.vector_load %arg10[%swap3A_147, %swap3A_148] {strides = array<i32>} : memref<128x128xf32, #tpu.memory_space<vmem>>, vector<1x16xf32>,
      %swap3A_150 = vector.shape_cast %swap3A_149 : vector<1x16xf32> to vector<16xf32>
      %swap3A_151 = vector.shape_cast %broadcast_in_dim3A_146 : vector<16xf32> to vector<1x16xf32>
      tpu.vector_store %arg10[%swap3A_147, %swap3A_148], %swap3A_151 {strides = array<i32>} : memref<128x128xf32, #tpu.memory_space<vmem>>, vector<1x16xf32>,
      %broadcast_in_dim3A_152 = arith.constant 0.000000e+00 : f32
      %broadcast_in_dim3A_153 = vector.broadcast %broadcast_in_dim3A_152 : f32 to vector<16xf32>
      %swap3A_154 = arith.index_cast %scan3A_124 : i32 to index
      %swap3A_155 = arith.constant 64 : index
      %swap3A_156 = tpu.vector_load %arg10[%swap3A_154, %swap3A_155] {strides = array<i32>} : memref<128x128xf32, #tpu.memory_space<vmem>>, vector<1x16xf32>,
      %swap3A_157 = vector.shape_cast %swap3A_156 : vector<1x16xf32> to vector<16xf32>
      %swap3A_158 = vector.shape_cast %broadcast_in_dim3A_153 : vector<16xf32> to vector<1x16xf32>
      tpu.vector_store %arg10[%swap3A_154, %swap3A_155], %swap3A_158 {strides = array<i32>} : memref<128x128xf32, #tpu.memory_space<vmem>>, vector<1x16xf32>,
      %broadcast_in_dim3A_159 = arith.constant 0.000000e+00 : f32
      %broadcast_in_dim3A_160 = vector.broadcast %broadcast_in_dim3A_159 : f32 to vector<16xf32>
      %swap3A_161 = arith.index_cast %scan3A_124 : i32 to index
      %swap3A_162 = arith.constant 80 : index
      %swap3A_163 = tpu.vector_load %arg10[%swap3A_161, %swap3A_162] {strides = array<i32>} : memref<128x128xf32, #tpu.memory_space<vmem>>, vector<1x16xf32>,
      %swap3A_164 = vector.shape_cast %swap3A_163 : vector<1x16xf32> to vector<16xf32>
      %swap3A_165 = vector.shape_cast %broadcast_in_dim3A_160 : vector<16xf32> to vector<1x16xf32>
      tpu.vector_store %arg10[%swap3A_161, %swap3A_162], %swap3A_165 {strides = array<i32>} : memref<128x128xf32, #tpu.memory_space<vmem>>, vector<1x16xf32>,
      %broadcast_in_dim3A_166 = arith.constant 0.000000e+00 : f32
      %broadcast_in_dim3A_167 = vector.broadcast %broadcast_in_dim3A_166 : f32 to vector<16xf32>
      %swap3A_168 = arith.index_cast %scan3A_124 : i32 to index
      %swap3A_169 = arith.constant 96 : index
      %swap3A_170 = tpu.vector_load %arg10[%swap3A_168, %swap3A_169] {strides = array<i32>} : memref<128x128xf32, #tpu.memory_space<vmem>>, vector<1x16xf32>,
      %swap3A_171 = vector.shape_cast %swap3A_170 : vector<1x16xf32> to vector<16xf32>
      %swap3A_172 = vector.shape_cast %broadcast_in_dim3A_167 : vector<16xf32> to vector<1x16xf32>
      tpu.vector_store %arg10[%swap3A_168, %swap3A_169], %swap3A_172 {strides = array<i32>} : memref<128x128xf32, #tpu.memory_space<vmem>>, vector<1x16xf32>,
      %broadcast_in_dim3A_173 = arith.constant 0.000000e+00 : f32
      %broadcast_in_dim3A_174 = vector.broadcast %broadcast_in_dim3A_173 : f32 to vector<16xf32>
      %swap3A_175 = arith.index_cast %scan3A_124 : i32 to index
      %swap3A_176 = arith.constant 112 : index
      %swap3A_177 = tpu.vector_load %arg10[%swap3A_175, %swap3A_176] {strides = array<i32>} : memref<128x128xf32, #tpu.memory_space<vmem>>, vector<1x16xf32>,
      %swap3A_178 = vector.shape_cast %swap3A_177 : vector<1x16xf32> to vector<16xf32>
      %swap3A_179 = vector.shape_cast %broadcast_in_dim3A_174 : vector<16xf32> to vector<1x16xf32>
      tpu.vector_store %arg10[%swap3A_175, %swap3A_176], %swap3A_179 {strides = array<i32>} : memref<128x128xf32, #tpu.memory_space<vmem>>, vector<1x16xf32>,
      %scan3A_180 = arith.constant 0 : i32
      scf.yield %scan3A_180 : i32
    }
    %scan3A_6 = arith.constant 128 : i32
    %mul3A_7 = arith.constant 320 : i32
    %mul3A_8 = arith.muli %arg1, %mul3A_7 : i32
    %multiple_of3A = tpu.assume_multiple %mul3A_8, 8 : i32
    "tpu.region"() ({
      %run_scoped3A = tpu.sem_alloc : memref<!tpu.dma_semaphore, #tpu.memory_space<semaphore_mem>>
      %dma_start3A_124 = arith.constant 0 : i32
      %dma_start3A_125 = tpu.memref_slice %arg14[%multiple_of3A, %dma_start3A_124] : memref<5120x128xf32, #tpu.memory_space<vmem_shared>> -> memref<128x128xf32, #tpu.memory_space<vmem_shared>>
      %dma_start3A_126 = arith.constant 0 : i32
      %dma_start3A_127 = tpu.memref_slice %arg14[%multiple_of3A, %dma_start3A_126] : memref<5120x128xf32, #tpu.memory_space<vmem_shared>> -> memref<128x128xf32, #tpu.memory_space<vmem_shared>>
      tpu.enqueue_dma source(%arg10 : memref<128x128xf32, #tpu.memory_space<vmem>>) target(%dma_start3A_127 : memref<128x128xf32, #tpu.memory_space<vmem_shared>>) target_semaphore(%run_scoped3A : memref<!tpu.dma_semaphore, #tpu.memory_space<semaphore_mem>>)
      %dma_wait3A = arith.constant 0 : i32
      %dma_wait3A_128 = tpu.memref_slice %arg14[%multiple_of3A, %dma_wait3A] : memref<5120x128xf32, #tpu.memory_space<vmem_shared>> -> memref<128x128xf32, #tpu.memory_space<vmem_shared>>
      %dma_wait3A_129 = arith.constant 0 : i32
      %dma_wait3A_130 = tpu.memref_slice %arg14[%multiple_of3A, %dma_wait3A_129] : memref<5120x128xf32, #tpu.memory_space<vmem_shared>> -> memref<128x128xf32, #tpu.memory_space<vmem_shared>>
      tpu.wait_dma2 semaphore(%run_scoped3A : memref<!tpu.dma_semaphore, #tpu.memory_space<semaphore_mem>>) src(%arg10 : memref<128x128xf32, #tpu.memory_space<vmem>>) dst(%dma_wait3A_130 : memref<128x128xf32, #tpu.memory_space<vmem_shared>>)
      tpu.yield
    }) : () -> ()
    %add3A = arith.constant 128 : i32
    %add3A_9 = arith.addi %multiple_of3A, %add3A : i32
    "tpu.region"() ({
      %run_scoped3A = tpu.sem_alloc : memref<!tpu.dma_semaphore, #tpu.memory_space<semaphore_mem>>
      %dma_start3A_124 = arith.constant 0 : i32
      %dma_start3A_125 = tpu.memref_slice %arg14[%add3A_9, %dma_start3A_124] : memref<5120x128xf32, #tpu.memory_space<vmem_shared>> -> memref<128x128xf32, #tpu.memory_space<vmem_shared>>
      %dma_start3A_126 = arith.constant 0 : i32
      %dma_start3A_127 = tpu.memref_slice %arg14[%add3A_9, %dma_start3A_126] : memref<5120x128xf32, #tpu.memory_space<vmem_shared>> -> memref<128x128xf32, #tpu.memory_space<vmem_shared>>
      tpu.enqueue_dma source(%arg10 : memref<128x128xf32, #tpu.memory_space<vmem>>) target(%dma_start3A_127 : memref<128x128xf32, #tpu.memory_space<vmem_shared>>) target_semaphore(%run_scoped3A : memref<!tpu.dma_semaphore, #tpu.memory_space<semaphore_mem>>)
      %dma_wait3A = arith.constant 0 : i32
      %dma_wait3A_128 = tpu.memref_slice %arg14[%add3A_9, %dma_wait3A] : memref<5120x128xf32, #tpu.memory_space<vmem_shared>> -> memref<128x128xf32, #tpu.memory_space<vmem_shared>>
      %dma_wait3A_129 = arith.constant 0 : i32
      %dma_wait3A_130 = tpu.memref_slice %arg14[%add3A_9, %dma_wait3A_129] : memref<5120x128xf32, #tpu.memory_space<vmem_shared>> -> memref<128x128xf32, #tpu.memory_space<vmem_shared>>
      tpu.wait_dma2 semaphore(%run_scoped3A : memref<!tpu.dma_semaphore, #tpu.memory_space<semaphore_mem>>) src(%arg10 : memref<128x128xf32, #tpu.memory_space<vmem>>) dst(%dma_wait3A_130 : memref<128x128xf32, #tpu.memory_space<vmem_shared>>)
      tpu.yield
    }) : () -> ()
    %add3A_10 = arith.constant 256 : i32
    %add3A_11 = arith.addi %multiple_of3A, %add3A_10 : i32
    "tpu.region"() ({
      %run_scoped3A = tpu.sem_alloc : memref<!tpu.dma_semaphore, #tpu.memory_space<semaphore_mem>>
      %dma_start3A_124 = arith.constant 0 : i32
      %dma_start3A_125 = arith.constant 0 : i32
      %dma_start3A_126 = tpu.memref_slice %arg10[%dma_start3A_124, %dma_start3A_125] : memref<128x128xf32, #tpu.memory_space<vmem>> -> memref<64x128xf32, #tpu.memory_space<vmem>>
      %dma_start3A_127 = arith.constant 0 : i32
      %dma_start3A_128 = tpu.memref_slice %arg14[%add3A_11, %dma_start3A_127] : memref<5120x128xf32, #tpu.memory_space<vmem_shared>> -> memref<64x128xf32, #tpu.memory_space<vmem_shared>>
      %dma_start3A_129 = arith.constant 0 : i32
      %dma_start3A_130 = tpu.memref_slice %arg14[%add3A_11, %dma_start3A_129] : memref<5120x128xf32, #tpu.memory_space<vmem_shared>> -> memref<64x128xf32, #tpu.memory_space<vmem_shared>>
      %dma_start3A_131 = arith.constant 0 : i32
      %dma_start3A_132 = arith.constant 0 : i32
      %dma_start3A_133 = tpu.memref_slice %arg10[%dma_start3A_131, %dma_start3A_132] : memref<128x128xf32, #tpu.memory_space<vmem>> -> memref<64x128xf32, #tpu.memory_space<vmem>>
      tpu.enqueue_dma source(%dma_start3A_133 : memref<64x128xf32, #tpu.memory_space<vmem>>) target(%dma_start3A_130 : memref<64x128xf32, #tpu.memory_space<vmem_shared>>) target_semaphore(%run_scoped3A : memref<!tpu.dma_semaphore, #tpu.memory_space<semaphore_mem>>)
      %dma_wait3A = arith.constant 0 : i32
      %dma_wait3A_134 = arith.constant 0 : i32
      %dma_wait3A_135 = tpu.memref_slice %arg10[%dma_wait3A, %dma_wait3A_134] : memref<128x128xf32, #tpu.memory_space<vmem>> -> memref<64x128xf32, #tpu.memory_space<vmem>>
      %dma_wait3A_136 = arith.constant 0 : i32
      %dma_wait3A_137 = tpu.memref_slice %arg14[%add3A_11, %dma_wait3A_136] : memref<5120x128xf32, #tpu.memory_space<vmem_shared>> -> memref<64x128xf32, #tpu.memory_space<vmem_shared>>
      %dma_wait3A_138 = arith.constant 0 : i32
      %dma_wait3A_139 = tpu.memref_slice %arg14[%add3A_11, %dma_wait3A_138] : memref<5120x128xf32, #tpu.memory_space<vmem_shared>> -> memref<64x128xf32, #tpu.memory_space<vmem_shared>>
      %dma_wait3A_140 = arith.constant 0 : i32
      %dma_wait3A_141 = arith.constant 0 : i32
      %dma_wait3A_142 = tpu.memref_slice %arg10[%dma_wait3A_140, %dma_wait3A_141] : memref<128x128xf32, #tpu.memory_space<vmem>> -> memref<64x128xf32, #tpu.memory_space<vmem>>
      tpu.wait_dma2 semaphore(%run_scoped3A : memref<!tpu.dma_semaphore, #tpu.memory_space<semaphore_mem>>) src(%dma_wait3A_142 : memref<64x128xf32, #tpu.memory_space<vmem>>) dst(%dma_wait3A_139 : memref<64x128xf32, #tpu.memory_space<vmem_shared>>)
      tpu.yield
    }) : () -> ()
    %barrier3A = arith.constant 0 : index
    tpu.barrier barrier_id(%barrier3A)
    %mul3A_12 = arith.constant 80 : i32
    %mul3A_13 = arith.muli %arg1, %mul3A_12 : i32
    %multiple_of3A_14 = tpu.assume_multiple %mul3A_13, 8 : i32
    "tpu.region"() ({
      %run_scoped3A = tpu.sem_alloc : memref<!tpu.dma_semaphore, #tpu.memory_space<semaphore_mem>>
      %dma_start3A_124 = arith.constant 0 : i32
      %dma_start3A_125 = tpu.memref_slice %arg2[%multiple_of3A_14, %dma_start3A_124] : memref<1280x128xi32, #tpu.memory_space<hbm>> -> memref<80x128xi32, #tpu.memory_space<hbm>>
      %dma_start3A_126 = arith.constant 0 : i32
      %dma_start3A_127 = tpu.memref_slice %arg2[%multiple_of3A_14, %dma_start3A_126] : memref<1280x128xi32, #tpu.memory_space<hbm>> -> memref<80x128xi32, #tpu.memory_space<hbm>>
      tpu.enqueue_dma source(%dma_start3A_127 : memref<80x128xi32, #tpu.memory_space<hbm>>) target(%arg8 : memref<80x128xi32, #tpu.memory_space<vmem>>) target_semaphore(%run_scoped3A : memref<!tpu.dma_semaphore, #tpu.memory_space<semaphore_mem>>)
      %dma_wait3A = arith.constant 0 : i32
      %dma_wait3A_128 = tpu.memref_slice %arg2[%multiple_of3A_14, %dma_wait3A] : memref<1280x128xi32, #tpu.memory_space<hbm>> -> memref<80x128xi32, #tpu.memory_space<hbm>>
      %dma_wait3A_129 = arith.constant 0 : i32
      %dma_wait3A_130 = tpu.memref_slice %arg2[%multiple_of3A_14, %dma_wait3A_129] : memref<1280x128xi32, #tpu.memory_space<hbm>> -> memref<80x128xi32, #tpu.memory_space<hbm>>
      tpu.wait_dma2 semaphore(%run_scoped3A : memref<!tpu.dma_semaphore, #tpu.memory_space<semaphore_mem>>) src(%dma_wait3A_130 : memref<80x128xi32, #tpu.memory_space<hbm>>) dst(%arg8 : memref<80x128xi32, #tpu.memory_space<vmem>>)
      tpu.yield
    }) : () -> ()
    "tpu.region"() ({
      %run_scoped3A = tpu.sem_alloc : memref<!tpu.dma_semaphore, #tpu.memory_space<semaphore_mem>>
      %dma_start3A_124 = arith.constant 0 : i32
      %dma_start3A_125 = tpu.memref_slice %arg3[%multiple_of3A_14, %dma_start3A_124] : memref<1280x128xi32, #tpu.memory_space<hbm>> -> memref<80x128xi32, #tpu.memory_space<hbm>>
      %dma_start3A_126 = arith.constant 0 : i32
      %dma_start3A_127 = tpu.memref_slice %arg3[%multiple_of3A_14, %dma_start3A_126] : memref<1280x128xi32, #tpu.memory_space<hbm>> -> memref<80x128xi32, #tpu.memory_space<hbm>>
      tpu.enqueue_dma source(%dma_start3A_127 : memref<80x128xi32, #tpu.memory_space<hbm>>) target(%arg9 : memref<80x128xi32, #tpu.memory_space<vmem>>) target_semaphore(%run_scoped3A : memref<!tpu.dma_semaphore, #tpu.memory_space<semaphore_mem>>)
      %dma_wait3A = arith.constant 0 : i32
      %dma_wait3A_128 = tpu.memref_slice %arg3[%multiple_of3A_14, %dma_wait3A] : memref<1280x128xi32, #tpu.memory_space<hbm>> -> memref<80x128xi32, #tpu.memory_space<hbm>>
      %dma_wait3A_129 = arith.constant 0 : i32
      %dma_wait3A_130 = tpu.memref_slice %arg3[%multiple_of3A_14, %dma_wait3A_129] : memref<1280x128xi32, #tpu.memory_space<hbm>> -> memref<80x128xi32, #tpu.memory_space<hbm>>
      tpu.wait_dma2 semaphore(%run_scoped3A : memref<!tpu.dma_semaphore, #tpu.memory_space<semaphore_mem>>) src(%dma_wait3A_130 : memref<80x128xi32, #tpu.memory_space<hbm>>) dst(%arg9 : memref<80x128xi32, #tpu.memory_space<vmem>>)
      tpu.yield
    }) : () -> ()
    %scan3A_15 = arith.constant 0 : i32
    %scan3A_16 = arith.constant 0 : i32
    %scan3A_17 = arith.constant 80 : i32
    %scan3A_18 = arith.addi %scan3A_16, %scan3A_17 : i32
    %scan3A_19 = arith.constant 1 : i32
    %scan3A_20 = scf.for %scan3A_124 = %scan3A_16 to %scan3A_18 step %scan3A_19 iter_args(%scan3A_125 = %scan3A_15) -> (i32)  : i32 {
      %get3A = arith.index_cast %scan3A_124 : i32 to index
      %get3A_126 = arith.constant 0 : index
      %get3A_127 = tpu.vector_load %arg9[%get3A, %get3A_126] {strides = array<i32>} : memref<80x128xi32, #tpu.memory_space<vmem>>, vector<1x16xi32>,
      %get3A_128 = vector.shape_cast %get3A_127 : vector<1x16xi32> to vector<16xi32>
      %sub3A = vector.broadcast %mul3A_0 : i32 to vector<16xi32>
      %sub3A_129 = arith.subi %get3A_128, %sub3A : vector<16xi32>
      %lt3A_130 = arith.constant 0 : i32
      %lt3A_131 = vector.broadcast %lt3A_130 : i32 to vector<16xi32>
      %lt3A_132 = arith.cmpi slt, %sub3A_129, %lt3A_131 : vector<16xi32>
      %ge3A = arith.constant 5000 : i32
      %ge3A_133 = vector.broadcast %ge3A : i32 to vector<16xi32>
      %ge3A_134 = arith.cmpi sge, %sub3A_129, %ge3A_133 : vector<16xi32>
      %or3A = arith.ori %lt3A_132, %ge3A_134 : vector<16xi1>
      %jit3A = arith.constant 5000 : i32
      %broadcast_in_dim3A = vector.broadcast %jit3A : i32 to vector<16xi32>
      %select_n3A = arith.select %or3A, %broadcast_in_dim3A, %sub3A_129 : vector<16xi1>, vector<16xi32>
      %swap3A = arith.index_cast %scan3A_124 : i32 to index
      %swap3A_135 = arith.constant 0 : index
      %swap3A_136 = tpu.vector_load %arg9[%swap3A, %swap3A_135] {strides = array<i32>} : memref<80x128xi32, #tpu.memory_space<vmem>>, vector<1x16xi32>,
      %swap3A_137 = vector.shape_cast %swap3A_136 : vector<1x16xi32> to vector<16xi32>
      %swap3A_138 = vector.shape_cast %select_n3A : vector<16xi32> to vector<1x16xi32>
      tpu.vector_store %arg9[%swap3A, %swap3A_135], %swap3A_138 {strides = array<i32>} : memref<80x128xi32, #tpu.memory_space<vmem>>, vector<1x16xi32>,
      %get3A_139 = arith.index_cast %scan3A_124 : i32 to index
      %get3A_140 = arith.constant 16 : index
      %get3A_141 = tpu.vector_load %arg9[%get3A_139, %get3A_140] {strides = array<i32>} : memref<80x128xi32, #tpu.memory_space<vmem>>, vector<1x16xi32>,
      %get3A_142 = vector.shape_cast %get3A_141 : vector<1x16xi32> to vector<16xi32>
      %sub3A_143 = vector.broadcast %mul3A_0 : i32 to vector<16xi32>
      %sub3A_144 = arith.subi %get3A_142, %sub3A_143 : vector<16xi32>
      %lt3A_145 = arith.constant 0 : i32
      %lt3A_146 = vector.broadcast %lt3A_145 : i32 to vector<16xi32>
      %lt3A_147 = arith.cmpi slt, %sub3A_144, %lt3A_146 : vector<16xi32>
      %ge3A_148 = arith.constant 5000 : i32
      %ge3A_149 = vector.broadcast %ge3A_148 : i32 to vector<16xi32>
      %ge3A_150 = arith.cmpi sge, %sub3A_144, %ge3A_149 : vector<16xi32>
      %or3A_151 = arith.ori %lt3A_147, %ge3A_150 : vector<16xi1>
      %jit3A_152 = arith.constant 5000 : i32
      %broadcast_in_dim3A_153 = vector.broadcast %jit3A_152 : i32 to vector<16xi32>
      %select_n3A_154 = arith.select %or3A_151, %broadcast_in_dim3A_153, %sub3A_144 : vector<16xi1>, vector<16xi32>
      %swap3A_155 = arith.index_cast %scan3A_124 : i32 to index
      %swap3A_156 = arith.constant 16 : index
      %swap3A_157 = tpu.vector_load %arg9[%swap3A_155, %swap3A_156] {strides = array<i32>} : memref<80x128xi32, #tpu.memory_space<vmem>>, vector<1x16xi32>,
      %swap3A_158 = vector.shape_cast %swap3A_157 : vector<1x16xi32> to vector<16xi32>
      %swap3A_159 = vector.shape_cast %select_n3A_154 : vector<16xi32> to vector<1x16xi32>
      tpu.vector_store %arg9[%swap3A_155, %swap3A_156], %swap3A_159 {strides = array<i32>} : memref<80x128xi32, #tpu.memory_space<vmem>>, vector<1x16xi32>,
      %get3A_160 = arith.index_cast %scan3A_124 : i32 to index
      %get3A_161 = arith.constant 32 : index
      %get3A_162 = tpu.vector_load %arg9[%get3A_160, %get3A_161] {strides = array<i32>} : memref<80x128xi32, #tpu.memory_space<vmem>>, vector<1x16xi32>,
      %get3A_163 = vector.shape_cast %get3A_162 : vector<1x16xi32> to vector<16xi32>
      %sub3A_164 = vector.broadcast %mul3A_0 : i32 to vector<16xi32>
      %sub3A_165 = arith.subi %get3A_163, %sub3A_164 : vector<16xi32>
      %lt3A_166 = arith.constant 0 : i32
      %lt3A_167 = vector.broadcast %lt3A_166 : i32 to vector<16xi32>
      %lt3A_168 = arith.cmpi slt, %sub3A_165, %lt3A_167 : vector<16xi32>
      %ge3A_169 = arith.constant 5000 : i32
      %ge3A_170 = vector.broadcast %ge3A_169 : i32 to vector<16xi32>
      %ge3A_171 = arith.cmpi sge, %sub3A_165, %ge3A_170 : vector<16xi32>
      %or3A_172 = arith.ori %lt3A_168, %ge3A_171 : vector<16xi1>
      %jit3A_173 = arith.constant 5000 : i32
      %broadcast_in_dim3A_174 = vector.broadcast %jit3A_173 : i32 to vector<16xi32>
      %select_n3A_175 = arith.select %or3A_172, %broadcast_in_dim3A_174, %sub3A_165 : vector<16xi1>, vector<16xi32>
      %swap3A_176 = arith.index_cast %scan3A_124 : i32 to index
      %swap3A_177 = arith.constant 32 : index
      %swap3A_178 = tpu.vector_load %arg9[%swap3A_176, %swap3A_177] {strides = array<i32>} : memref<80x128xi32, #tpu.memory_space<vmem>>, vector<1x16xi32>,
      %swap3A_179 = vector.shape_cast %swap3A_178 : vector<1x16xi32> to vector<16xi32>
      %swap3A_180 = vector.shape_cast %select_n3A_175 : vector<16xi32> to vector<1x16xi32>
      tpu.vector_store %arg9[%swap3A_176, %swap3A_177], %swap3A_180 {strides = array<i32>} : memref<80x128xi32, #tpu.memory_space<vmem>>, vector<1x16xi32>,
      %get3A_181 = arith.index_cast %scan3A_124 : i32 to index
      %get3A_182 = arith.constant 48 : index
      %get3A_183 = tpu.vector_load %arg9[%get3A_181, %get3A_182] {strides = array<i32>} : memref<80x128xi32, #tpu.memory_space<vmem>>, vector<1x16xi32>,
      %get3A_184 = vector.shape_cast %get3A_183 : vector<1x16xi32> to vector<16xi32>
      %sub3A_185 = vector.broadcast %mul3A_0 : i32 to vector<16xi32>
      %sub3A_186 = arith.subi %get3A_184, %sub3A_185 : vector<16xi32>
      %lt3A_187 = arith.constant 0 : i32
      %lt3A_188 = vector.broadcast %lt3A_187 : i32 to vector<16xi32>
      %lt3A_189 = arith.cmpi slt, %sub3A_186, %lt3A_188 : vector<16xi32>
      %ge3A_190 = arith.constant 5000 : i32
      %ge3A_191 = vector.broadcast %ge3A_190 : i32 to vector<16xi32>
      %ge3A_192 = arith.cmpi sge, %sub3A_186, %ge3A_191 : vector<16xi32>
      %or3A_193 = arith.ori %lt3A_189, %ge3A_192 : vector<16xi1>
      %jit3A_194 = arith.constant 5000 : i32
      %broadcast_in_dim3A_195 = vector.broadcast %jit3A_194 : i32 to vector<16xi32>
      %select_n3A_196 = arith.select %or3A_193, %broadcast_in_dim3A_195, %sub3A_186 : vector<16xi1>, vector<16xi32>
      %swap3A_197 = arith.index_cast %scan3A_124 : i32 to index
      %swap3A_198 = arith.constant 48 : index
      %swap3A_199 = tpu.vector_load %arg9[%swap3A_197, %swap3A_198] {strides = array<i32>} : memref<80x128xi32, #tpu.memory_space<vmem>>, vector<1x16xi32>,
      %swap3A_200 = vector.shape_cast %swap3A_199 : vector<1x16xi32> to vector<16xi32>
      %swap3A_201 = vector.shape_cast %select_n3A_196 : vector<16xi32> to vector<1x16xi32>
      tpu.vector_store %arg9[%swap3A_197, %swap3A_198], %swap3A_201 {strides = array<i32>} : memref<80x128xi32, #tpu.memory_space<vmem>>, vector<1x16xi32>,
      %get3A_202 = arith.index_cast %scan3A_124 : i32 to index
      %get3A_203 = arith.constant 64 : index
      %get3A_204 = tpu.vector_load %arg9[%get3A_202, %get3A_203] {strides = array<i32>} : memref<80x128xi32, #tpu.memory_space<vmem>>, vector<1x16xi32>,
      %get3A_205 = vector.shape_cast %get3A_204 : vector<1x16xi32> to vector<16xi32>
      %sub3A_206 = vector.broadcast %mul3A_0 : i32 to vector<16xi32>
      %sub3A_207 = arith.subi %get3A_205, %sub3A_206 : vector<16xi32>
      %lt3A_208 = arith.constant 0 : i32
      %lt3A_209 = vector.broadcast %lt3A_208 : i32 to vector<16xi32>
      %lt3A_210 = arith.cmpi slt, %sub3A_207, %lt3A_209 : vector<16xi32>
      %ge3A_211 = arith.constant 5000 : i32
      %ge3A_212 = vector.broadcast %ge3A_211 : i32 to vector<16xi32>
      %ge3A_213 = arith.cmpi sge, %sub3A_207, %ge3A_212 : vector<16xi32>
      %or3A_214 = arith.ori %lt3A_210, %ge3A_213 : vector<16xi1>
      %jit3A_215 = arith.constant 5000 : i32
      %broadcast_in_dim3A_216 = vector.broadcast %jit3A_215 : i32 to vector<16xi32>
      %select_n3A_217 = arith.select %or3A_214, %broadcast_in_dim3A_216, %sub3A_207 : vector<16xi1>, vector<16xi32>
      %swap3A_218 = arith.index_cast %scan3A_124 : i32 to index
      %swap3A_219 = arith.constant 64 : index
      %swap3A_220 = tpu.vector_load %arg9[%swap3A_218, %swap3A_219] {strides = array<i32>} : memref<80x128xi32, #tpu.memory_space<vmem>>, vector<1x16xi32>,
      %swap3A_221 = vector.shape_cast %swap3A_220 : vector<1x16xi32> to vector<16xi32>
      %swap3A_222 = vector.shape_cast %select_n3A_217 : vector<16xi32> to vector<1x16xi32>
      tpu.vector_store %arg9[%swap3A_218, %swap3A_219], %swap3A_222 {strides = array<i32>} : memref<80x128xi32, #tpu.memory_space<vmem>>, vector<1x16xi32>,
      %get3A_223 = arith.index_cast %scan3A_124 : i32 to index
      %get3A_224 = arith.constant 80 : index
      %get3A_225 = tpu.vector_load %arg9[%get3A_223, %get3A_224] {strides = array<i32>} : memref<80x128xi32, #tpu.memory_space<vmem>>, vector<1x16xi32>,
      %get3A_226 = vector.shape_cast %get3A_225 : vector<1x16xi32> to vector<16xi32>
      %sub3A_227 = vector.broadcast %mul3A_0 : i32 to vector<16xi32>
      %sub3A_228 = arith.subi %get3A_226, %sub3A_227 : vector<16xi32>
      %lt3A_229 = arith.constant 0 : i32
      %lt3A_230 = vector.broadcast %lt3A_229 : i32 to vector<16xi32>
      %lt3A_231 = arith.cmpi slt, %sub3A_228, %lt3A_230 : vector<16xi32>
      %ge3A_232 = arith.constant 5000 : i32
      %ge3A_233 = vector.broadcast %ge3A_232 : i32 to vector<16xi32>
      %ge3A_234 = arith.cmpi sge, %sub3A_228, %ge3A_233 : vector<16xi32>
      %or3A_235 = arith.ori %lt3A_231, %ge3A_234 : vector<16xi1>
      %jit3A_236 = arith.constant 5000 : i32
      %broadcast_in_dim3A_237 = vector.broadcast %jit3A_236 : i32 to vector<16xi32>
      %select_n3A_238 = arith.select %or3A_235, %broadcast_in_dim3A_237, %sub3A_228 : vector<16xi1>, vector<16xi32>
      %swap3A_239 = arith.index_cast %scan3A_124 : i32 to index
      %swap3A_240 = arith.constant 80 : index
      %swap3A_241 = tpu.vector_load %arg9[%swap3A_239, %swap3A_240] {strides = array<i32>} : memref<80x128xi32, #tpu.memory_space<vmem>>, vector<1x16xi32>,
      %swap3A_242 = vector.shape_cast %swap3A_241 : vector<1x16xi32> to vector<16xi32>
      %swap3A_243 = vector.shape_cast %select_n3A_238 : vector<16xi32> to vector<1x16xi32>
      tpu.vector_store %arg9[%swap3A_239, %swap3A_240], %swap3A_243 {strides = array<i32>} : memref<80x128xi32, #tpu.memory_space<vmem>>, vector<1x16xi32>,
      %get3A_244 = arith.index_cast %scan3A_124 : i32 to index
      %get3A_245 = arith.constant 96 : index
      %get3A_246 = tpu.vector_load %arg9[%get3A_244, %get3A_245] {strides = array<i32>} : memref<80x128xi32, #tpu.memory_space<vmem>>, vector<1x16xi32>,
      %get3A_247 = vector.shape_cast %get3A_246 : vector<1x16xi32> to vector<16xi32>
      %sub3A_248 = vector.broadcast %mul3A_0 : i32 to vector<16xi32>
      %sub3A_249 = arith.subi %get3A_247, %sub3A_248 : vector<16xi32>
      %lt3A_250 = arith.constant 0 : i32
      %lt3A_251 = vector.broadcast %lt3A_250 : i32 to vector<16xi32>
      %lt3A_252 = arith.cmpi slt, %sub3A_249, %lt3A_251 : vector<16xi32>
      %ge3A_253 = arith.constant 5000 : i32
      %ge3A_254 = vector.broadcast %ge3A_253 : i32 to vector<16xi32>
      %ge3A_255 = arith.cmpi sge, %sub3A_249, %ge3A_254 : vector<16xi32>
      %or3A_256 = arith.ori %lt3A_252, %ge3A_255 : vector<16xi1>
      %jit3A_257 = arith.constant 5000 : i32
      %broadcast_in_dim3A_258 = vector.broadcast %jit3A_257 : i32 to vector<16xi32>
      %select_n3A_259 = arith.select %or3A_256, %broadcast_in_dim3A_258, %sub3A_249 : vector<16xi1>, vector<16xi32>
      %swap3A_260 = arith.index_cast %scan3A_124 : i32 to index
      %swap3A_261 = arith.constant 96 : index
      %swap3A_262 = tpu.vector_load %arg9[%swap3A_260, %swap3A_261] {strides = array<i32>} : memref<80x128xi32, #tpu.memory_space<vmem>>, vector<1x16xi32>,
      %swap3A_263 = vector.shape_cast %swap3A_262 : vector<1x16xi32> to vector<16xi32>
      %swap3A_264 = vector.shape_cast %select_n3A_259 : vector<16xi32> to vector<1x16xi32>
      tpu.vector_store %arg9[%swap3A_260, %swap3A_261], %swap3A_264 {strides = array<i32>} : memref<80x128xi32, #tpu.memory_space<vmem>>, vector<1x16xi32>,
      %get3A_265 = arith.index_cast %scan3A_124 : i32 to index
      %get3A_266 = arith.constant 112 : index
      %get3A_267 = tpu.vector_load %arg9[%get3A_265, %get3A_266] {strides = array<i32>} : memref<80x128xi32, #tpu.memory_space<vmem>>, vector<1x16xi32>,
      %get3A_268 = vector.shape_cast %get3A_267 : vector<1x16xi32> to vector<16xi32>
      %sub3A_269 = vector.broadcast %mul3A_0 : i32 to vector<16xi32>
      %sub3A_270 = arith.subi %get3A_268, %sub3A_269 : vector<16xi32>
      %lt3A_271 = arith.constant 0 : i32
      %lt3A_272 = vector.broadcast %lt3A_271 : i32 to vector<16xi32>
      %lt3A_273 = arith.cmpi slt, %sub3A_270, %lt3A_272 : vector<16xi32>
      %ge3A_274 = arith.constant 5000 : i32
      %ge3A_275 = vector.broadcast %ge3A_274 : i32 to vector<16xi32>
      %ge3A_276 = arith.cmpi sge, %sub3A_270, %ge3A_275 : vector<16xi32>
      %or3A_277 = arith.ori %lt3A_273, %ge3A_276 : vector<16xi1>
      %jit3A_278 = arith.constant 5000 : i32
      %broadcast_in_dim3A_279 = vector.broadcast %jit3A_278 : i32 to vector<16xi32>
      %select_n3A_280 = arith.select %or3A_277, %broadcast_in_dim3A_279, %sub3A_270 : vector<16xi1>, vector<16xi32>
      %swap3A_281 = arith.index_cast %scan3A_124 : i32 to index
      %swap3A_282 = arith.constant 112 : index
      %swap3A_283 = tpu.vector_load %arg9[%swap3A_281, %swap3A_282] {strides = array<i32>} : memref<80x128xi32, #tpu.memory_space<vmem>>, vector<1x16xi32>,
      %swap3A_284 = vector.shape_cast %swap3A_283 : vector<1x16xi32> to vector<16xi32>
      %swap3A_285 = vector.shape_cast %select_n3A_280 : vector<16xi32> to vector<1x16xi32>
      tpu.vector_store %arg9[%swap3A_281, %swap3A_282], %swap3A_285 {strides = array<i32>} : memref<80x128xi32, #tpu.memory_space<vmem>>, vector<1x16xi32>,
      %scan3A_286 = arith.constant 0 : i32
      scf.yield %scan3A_286 : i32
    }
    %scan3A_21 = arith.constant 80 : i32
    %dma_start3A = arith.constant 0 : i32
    %dma_start3A_22 = arith.constant 0 : i32
    %dma_start3A_23 = tpu.memref_slice %arg8[%dma_start3A, %dma_start3A_22] : memref<80x128xi32, #tpu.memory_space<vmem>> -> memref<1x128xi32, #tpu.memory_space<vmem>>
    %dma_start3A_24 = tpu.memref_squeeze %dma_start3A_23 : memref<1x128xi32, #tpu.memory_space<vmem>> -> memref<128xi32, #tpu.memory_space<vmem>>
    %dma_start3A_25 = arith.constant 0 : i32
    %dma_start3A_26 = arith.constant 0 : i32
    %dma_start3A_27 = tpu.memref_slice %arg4[%dma_start3A_25, %dma_start3A_26] : memref<10000x128xf32, #tpu.memory_space<hbm>> -> memref<10000x128xf32, #tpu.memory_space<hbm>>
    tpu.enqueue_indirect_dma source(%dma_start3A_27 : memref<10000x128xf32, #tpu.memory_space<hbm>>) target(%arg10 : memref<128x128xf32, #tpu.memory_space<vmem>>) offsets(%dma_start3A_24 : memref<128xi32, #tpu.memory_space<vmem>>) semaphore(%arg15 : memref<!tpu.dma_semaphore, #tpu.memory_space<semaphore_mem>>)
    %dma_start3A_28 = arith.constant 1 : i32
    %dma_start3A_29 = arith.constant 0 : i32
    %dma_start3A_30 = tpu.memref_slice %arg8[%dma_start3A_28, %dma_start3A_29] : memref<80x128xi32, #tpu.memory_space<vmem>> -> memref<1x128xi32, #tpu.memory_space<vmem>>
    %dma_start3A_31 = tpu.memref_squeeze %dma_start3A_30 : memref<1x128xi32, #tpu.memory_space<vmem>> -> memref<128xi32, #tpu.memory_space<vmem>>
    %dma_start3A_32 = arith.constant 0 : i32
    %dma_start3A_33 = arith.constant 0 : i32
    %dma_start3A_34 = tpu.memref_slice %arg4[%dma_start3A_32, %dma_start3A_33] : memref<10000x128xf32, #tpu.memory_space<hbm>> -> memref<10000x128xf32, #tpu.memory_space<hbm>>
    tpu.enqueue_indirect_dma source(%dma_start3A_34 : memref<10000x128xf32, #tpu.memory_space<hbm>>) target(%arg11 : memref<128x128xf32, #tpu.memory_space<vmem>>) offsets(%dma_start3A_31 : memref<128xi32, #tpu.memory_space<vmem>>) semaphore(%arg16 : memref<!tpu.dma_semaphore, #tpu.memory_space<semaphore_mem>>)
    %dma_start3A_35 = arith.constant 2 : i32
    %dma_start3A_36 = arith.constant 0 : i32
    %dma_start3A_37 = tpu.memref_slice %arg8[%dma_start3A_35, %dma_start3A_36] : memref<80x128xi32, #tpu.memory_space<vmem>> -> memref<1x128xi32, #tpu.memory_space<vmem>>
    %dma_start3A_38 = tpu.memref_squeeze %dma_start3A_37 : memref<1x128xi32, #tpu.memory_space<vmem>> -> memref<128xi32, #tpu.memory_space<vmem>>
    %dma_start3A_39 = arith.constant 0 : i32
    %dma_start3A_40 = arith.constant 0 : i32
    %dma_start3A_41 = tpu.memref_slice %arg4[%dma_start3A_39, %dma_start3A_40] : memref<10000x128xf32, #tpu.memory_space<hbm>> -> memref<10000x128xf32, #tpu.memory_space<hbm>>
    tpu.enqueue_indirect_dma source(%dma_start3A_41 : memref<10000x128xf32, #tpu.memory_space<hbm>>) target(%arg12 : memref<128x128xf32, #tpu.memory_space<vmem>>) offsets(%dma_start3A_38 : memref<128xi32, #tpu.memory_space<vmem>>) semaphore(%arg17 : memref<!tpu.dma_semaphore, #tpu.memory_space<semaphore_mem>>)
    %dma_start3A_42 = arith.constant 3 : i32
    %dma_start3A_43 = arith.constant 0 : i32
    %dma_start3A_44 = tpu.memref_slice %arg8[%dma_start3A_42, %dma_start3A_43] : memref<80x128xi32, #tpu.memory_space<vmem>> -> memref<1x128xi32, #tpu.memory_space<vmem>>
    %dma_start3A_45 = tpu.memref_squeeze %dma_start3A_44 : memref<1x128xi32, #tpu.memory_space<vmem>> -> memref<128xi32, #tpu.memory_space<vmem>>
    %dma_start3A_46 = arith.constant 0 : i32
    %dma_start3A_47 = arith.constant 0 : i32
    %dma_start3A_48 = tpu.memref_slice %arg4[%dma_start3A_46, %dma_start3A_47] : memref<10000x128xf32, #tpu.memory_space<hbm>> -> memref<10000x128xf32, #tpu.memory_space<hbm>>
    tpu.enqueue_indirect_dma source(%dma_start3A_48 : memref<10000x128xf32, #tpu.memory_space<hbm>>) target(%arg13 : memref<128x128xf32, #tpu.memory_space<vmem>>) offsets(%dma_start3A_45 : memref<128xi32, #tpu.memory_space<vmem>>) semaphore(%arg18 : memref<!tpu.dma_semaphore, #tpu.memory_space<semaphore_mem>>)
    %scan3A_49 = arith.constant 0 : i32
    %scan3A_50 = arith.constant 0 : i32
    %scan3A_51 = arith.constant 20 : i32
    %scan3A_52 = arith.addi %scan3A_50, %scan3A_51 : i32
    %scan3A_53 = arith.constant 1 : i32
    %scan3A_54 = scf.for %scan3A_124 = %scan3A_50 to %scan3A_52 step %scan3A_53 iter_args(%scan3A_125 = %scan3A_49) -> (i32)  : i32 {
      %mul3A_126 = arith.constant 4 : i32
      %mul3A_127 = arith.muli %mul3A_126, %scan3A_124 : i32
      %add3A_128 = arith.constant 0 : i32
      %add3A_129 = arith.addi %mul3A_127, %add3A_128 : i32
      %dma_wait3A = arith.constant 0 : i32
      %dma_wait3A_130 = tpu.memref_slice %arg8[%add3A_129, %dma_wait3A] : memref<80x128xi32, #tpu.memory_space<vmem>> -> memref<1x128xi32, #tpu.memory_space<vmem>>
      %dma_wait3A_131 = tpu.memref_squeeze %dma_wait3A_130 : memref<1x128xi32, #tpu.memory_space<vmem>> -> memref<128xi32, #tpu.memory_space<vmem>>
      %dma_wait3A_132 = arith.constant 0 : i32
      %dma_wait3A_133 = arith.constant 0 : i32
      %dma_wait3A_134 = tpu.memref_slice %arg4[%dma_wait3A_132, %dma_wait3A_133] : memref<10000x128xf32, #tpu.memory_space<hbm>> -> memref<10000x128xf32, #tpu.memory_space<hbm>>
      tpu.wait_indirect_dma semaphore(%arg15 : memref<!tpu.dma_semaphore, #tpu.memory_space<semaphore_mem>>) src(%dma_wait3A_134 : memref<10000x128xf32, #tpu.memory_space<hbm>>) dst(%arg10 : memref<128x128xf32, #tpu.memory_space<vmem>>)
      "tpu.region"() ({
        %run_scoped3A = tpu.sem_alloc : memref<!tpu.dma_semaphore, #tpu.memory_space<semaphore_mem>>
        %dma_start3A_194 = arith.constant 0 : i32
        %dma_start3A_195 = tpu.memref_slice %arg9[%add3A_129, %dma_start3A_194] : memref<80x128xi32, #tpu.memory_space<vmem>> -> memref<1x128xi32, #tpu.memory_space<vmem>>
        %dma_start3A_196 = tpu.memref_squeeze %dma_start3A_195 : memref<1x128xi32, #tpu.memory_space<vmem>> -> memref<128xi32, #tpu.memory_space<vmem>>
        %dma_start3A_197 = arith.constant 0 : i32
        %dma_start3A_198 = arith.constant 0 : i32
        %dma_start3A_199 = tpu.memref_slice %arg14[%dma_start3A_197, %dma_start3A_198] : memref<5120x128xf32, #tpu.memory_space<vmem_shared>> -> memref<5120x128xf32, #tpu.memory_space<vmem_shared>>
        tpu.enqueue_indirect_dma source(%arg10 : memref<128x128xf32, #tpu.memory_space<vmem>>) target(%dma_start3A_199 : memref<5120x128xf32, #tpu.memory_space<vmem_shared>>) offsets(%dma_start3A_196 : memref<128xi32, #tpu.memory_space<vmem>>) semaphore(%run_scoped3A : memref<!tpu.dma_semaphore, #tpu.memory_space<semaphore_mem>>) {add = true}
        %dma_wait3A_200 = arith.constant 0 : i32
        %dma_wait3A_201 = tpu.memref_slice %arg9[%add3A_129, %dma_wait3A_200] : memref<80x128xi32, #tpu.memory_space<vmem>> -> memref<1x128xi32, #tpu.memory_space<vmem>>
        %dma_wait3A_202 = tpu.memref_squeeze %dma_wait3A_201 : memref<1x128xi32, #tpu.memory_space<vmem>> -> memref<128xi32, #tpu.memory_space<vmem>>
        %dma_wait3A_203 = arith.constant 0 : i32
        %dma_wait3A_204 = arith.constant 0 : i32
        %dma_wait3A_205 = tpu.memref_slice %arg14[%dma_wait3A_203, %dma_wait3A_204] : memref<5120x128xf32, #tpu.memory_space<vmem_shared>> -> memref<5120x128xf32, #tpu.memory_space<vmem_shared>>
        tpu.wait_indirect_dma semaphore(%run_scoped3A : memref<!tpu.dma_semaphore, #tpu.memory_space<semaphore_mem>>) src(%arg10 : memref<128x128xf32, #tpu.memory_space<vmem>>) dst(%dma_wait3A_205 : memref<5120x128xf32, #tpu.memory_space<vmem_shared>>)
        tpu.yield
      }) : () -> ()
      %add3A_135 = arith.constant 4 : i32
      %add3A_136 = arith.addi %add3A_129, %add3A_135 : i32
      %lt3A_137 = arith.constant 80 : i32
      %lt3A_138 = arith.cmpi slt, %add3A_136, %lt3A_137 : i32
      %convert_element_type3A_139 = arith.extui %lt3A_138 : i1 to i32
      %cond3A_140 = arith.constant 0 : i32
      %cond3A_141 = arith.cmpi ne, %convert_element_type3A_139, %cond3A_140 : i32
      scf.if %cond3A_141 {
        %add3A_194 = arith.constant 4 : i32
        %add3A_195 = arith.addi %add3A_129, %add3A_194 : i32
        %dma_start3A_196 = arith.constant 0 : i32
        %dma_start3A_197 = tpu.memref_slice %arg8[%add3A_195, %dma_start3A_196] : memref<80x128xi32, #tpu.memory_space<vmem>> -> memref<1x128xi32, #tpu.memory_space<vmem>>
        %dma_start3A_198 = tpu.memref_squeeze %dma_start3A_197 : memref<1x128xi32, #tpu.memory_space<vmem>> -> memref<128xi32, #tpu.memory_space<vmem>>
        %dma_start3A_199 = arith.constant 0 : i32
        %dma_start3A_200 = arith.constant 0 : i32
        %dma_start3A_201 = tpu.memref_slice %arg4[%dma_start3A_199, %dma_start3A_200] : memref<10000x128xf32, #tpu.memory_space<hbm>> -> memref<10000x128xf32, #tpu.memory_space<hbm>>
        tpu.enqueue_indirect_dma source(%dma_start3A_201 : memref<10000x128xf32, #tpu.memory_space<hbm>>) target(%arg10 : memref<128x128xf32, #tpu.memory_space<vmem>>) offsets(%dma_start3A_198 : memref<128xi32, #tpu.memory_space<vmem>>) semaphore(%arg15 : memref<!tpu.dma_semaphore, #tpu.memory_space<semaphore_mem>>)
      } else {
      }
      %mul3A_142 = arith.constant 4 : i32
      %mul3A_143 = arith.muli %mul3A_142, %scan3A_124 : i32
      %add3A_144 = arith.constant 1 : i32
      %add3A_145 = arith.addi %mul3A_143, %add3A_144 : i32
      %dma_wait3A_146 = arith.constant 0 : i32
      %dma_wait3A_147 = tpu.memref_slice %arg8[%add3A_145, %dma_wait3A_146] : memref<80x128xi32, #tpu.memory_space<vmem>> -> memref<1x128xi32, #tpu.memory_space<vmem>>
      %dma_wait3A_148 = tpu.memref_squeeze %dma_wait3A_147 : memref<1x128xi32, #tpu.memory_space<vmem>> -> memref<128xi32, #tpu.memory_space<vmem>>
      %dma_wait3A_149 = arith.constant 0 : i32
      %dma_wait3A_150 = arith.constant 0 : i32
      %dma_wait3A_151 = tpu.memref_slice %arg4[%dma_wait3A_149, %dma_wait3A_150] : memref<10000x128xf32, #tpu.memory_space<hbm>> -> memref<10000x128xf32, #tpu.memory_space<hbm>>
      tpu.wait_indirect_dma semaphore(%arg16 : memref<!tpu.dma_semaphore, #tpu.memory_space<semaphore_mem>>) src(%dma_wait3A_151 : memref<10000x128xf32, #tpu.memory_space<hbm>>) dst(%arg11 : memref<128x128xf32, #tpu.memory_space<vmem>>)
      "tpu.region"() ({
        %run_scoped3A = tpu.sem_alloc : memref<!tpu.dma_semaphore, #tpu.memory_space<semaphore_mem>>
        %dma_start3A_194 = arith.constant 0 : i32
        %dma_start3A_195 = tpu.memref_slice %arg9[%add3A_145, %dma_start3A_194] : memref<80x128xi32, #tpu.memory_space<vmem>> -> memref<1x128xi32, #tpu.memory_space<vmem>>
        %dma_start3A_196 = tpu.memref_squeeze %dma_start3A_195 : memref<1x128xi32, #tpu.memory_space<vmem>> -> memref<128xi32, #tpu.memory_space<vmem>>
        %dma_start3A_197 = arith.constant 0 : i32
        %dma_start3A_198 = arith.constant 0 : i32
        %dma_start3A_199 = tpu.memref_slice %arg14[%dma_start3A_197, %dma_start3A_198] : memref<5120x128xf32, #tpu.memory_space<vmem_shared>> -> memref<5120x128xf32, #tpu.memory_space<vmem_shared>>
        tpu.enqueue_indirect_dma source(%arg11 : memref<128x128xf32, #tpu.memory_space<vmem>>) target(%dma_start3A_199 : memref<5120x128xf32, #tpu.memory_space<vmem_shared>>) offsets(%dma_start3A_196 : memref<128xi32, #tpu.memory_space<vmem>>) semaphore(%run_scoped3A : memref<!tpu.dma_semaphore, #tpu.memory_space<semaphore_mem>>) {add = true}
        %dma_wait3A_200 = arith.constant 0 : i32
        %dma_wait3A_201 = tpu.memref_slice %arg9[%add3A_145, %dma_wait3A_200] : memref<80x128xi32, #tpu.memory_space<vmem>> -> memref<1x128xi32, #tpu.memory_space<vmem>>
        %dma_wait3A_202 = tpu.memref_squeeze %dma_wait3A_201 : memref<1x128xi32, #tpu.memory_space<vmem>> -> memref<128xi32, #tpu.memory_space<vmem>>
        %dma_wait3A_203 = arith.constant 0 : i32
        %dma_wait3A_204 = arith.constant 0 : i32
        %dma_wait3A_205 = tpu.memref_slice %arg14[%dma_wait3A_203, %dma_wait3A_204] : memref<5120x128xf32, #tpu.memory_space<vmem_shared>> -> memref<5120x128xf32, #tpu.memory_space<vmem_shared>>
        tpu.wait_indirect_dma semaphore(%run_scoped3A : memref<!tpu.dma_semaphore, #tpu.memory_space<semaphore_mem>>) src(%arg11 : memref<128x128xf32, #tpu.memory_space<vmem>>) dst(%dma_wait3A_205 : memref<5120x128xf32, #tpu.memory_space<vmem_shared>>)
        tpu.yield
      }) : () -> ()
      %add3A_152 = arith.constant 4 : i32
      %add3A_153 = arith.addi %add3A_145, %add3A_152 : i32
      %lt3A_154 = arith.constant 80 : i32
      %lt3A_155 = arith.cmpi slt, %add3A_153, %lt3A_154 : i32
      %convert_element_type3A_156 = arith.extui %lt3A_155 : i1 to i32
      %cond3A_157 = arith.constant 0 : i32
      %cond3A_158 = arith.cmpi ne, %convert_element_type3A_156, %cond3A_157 : i32
      scf.if %cond3A_158 {
        %add3A_194 = arith.constant 4 : i32
        %add3A_195 = arith.addi %add3A_145, %add3A_194 : i32
        %dma_start3A_196 = arith.constant 0 : i32
        %dma_start3A_197 = tpu.memref_slice %arg8[%add3A_195, %dma_start3A_196] : memref<80x128xi32, #tpu.memory_space<vmem>> -> memref<1x128xi32, #tpu.memory_space<vmem>>
        %dma_start3A_198 = tpu.memref_squeeze %dma_start3A_197 : memref<1x128xi32, #tpu.memory_space<vmem>> -> memref<128xi32, #tpu.memory_space<vmem>>
        %dma_start3A_199 = arith.constant 0 : i32
        %dma_start3A_200 = arith.constant 0 : i32
        %dma_start3A_201 = tpu.memref_slice %arg4[%dma_start3A_199, %dma_start3A_200] : memref<10000x128xf32, #tpu.memory_space<hbm>> -> memref<10000x128xf32, #tpu.memory_space<hbm>>
        tpu.enqueue_indirect_dma source(%dma_start3A_201 : memref<10000x128xf32, #tpu.memory_space<hbm>>) target(%arg11 : memref<128x128xf32, #tpu.memory_space<vmem>>) offsets(%dma_start3A_198 : memref<128xi32, #tpu.memory_space<vmem>>) semaphore(%arg16 : memref<!tpu.dma_semaphore, #tpu.memory_space<semaphore_mem>>)
      } else {
      }
      %mul3A_159 = arith.constant 4 : i32
      %mul3A_160 = arith.muli %mul3A_159, %scan3A_124 : i32
      %add3A_161 = arith.constant 2 : i32
      %add3A_162 = arith.addi %mul3A_160, %add3A_161 : i32
      %dma_wait3A_163 = arith.constant 0 : i32
      %dma_wait3A_164 = tpu.memref_slice %arg8[%add3A_162, %dma_wait3A_163] : memref<80x128xi32, #tpu.memory_space<vmem>> -> memref<1x128xi32, #tpu.memory_space<vmem>>
      %dma_wait3A_165 = tpu.memref_squeeze %dma_wait3A_164 : memref<1x128xi32, #tpu.memory_space<vmem>> -> memref<128xi32, #tpu.memory_space<vmem>>
      %dma_wait3A_166 = arith.constant 0 : i32
      %dma_wait3A_167 = arith.constant 0 : i32
      %dma_wait3A_168 = tpu.memref_slice %arg4[%dma_wait3A_166, %dma_wait3A_167] : memref<10000x128xf32, #tpu.memory_space<hbm>> -> memref<10000x128xf32, #tpu.memory_space<hbm>>
      tpu.wait_indirect_dma semaphore(%arg17 : memref<!tpu.dma_semaphore, #tpu.memory_space<semaphore_mem>>) src(%dma_wait3A_168 : memref<10000x128xf32, #tpu.memory_space<hbm>>) dst(%arg12 : memref<128x128xf32, #tpu.memory_space<vmem>>)
      "tpu.region"() ({
        %run_scoped3A = tpu.sem_alloc : memref<!tpu.dma_semaphore, #tpu.memory_space<semaphore_mem>>
        %dma_start3A_194 = arith.constant 0 : i32
        %dma_start3A_195 = tpu.memref_slice %arg9[%add3A_162, %dma_start3A_194] : memref<80x128xi32, #tpu.memory_space<vmem>> -> memref<1x128xi32, #tpu.memory_space<vmem>>
        %dma_start3A_196 = tpu.memref_squeeze %dma_start3A_195 : memref<1x128xi32, #tpu.memory_space<vmem>> -> memref<128xi32, #tpu.memory_space<vmem>>
        %dma_start3A_197 = arith.constant 0 : i32
        %dma_start3A_198 = arith.constant 0 : i32
        %dma_start3A_199 = tpu.memref_slice %arg14[%dma_start3A_197, %dma_start3A_198] : memref<5120x128xf32, #tpu.memory_space<vmem_shared>> -> memref<5120x128xf32, #tpu.memory_space<vmem_shared>>
        tpu.enqueue_indirect_dma source(%arg12 : memref<128x128xf32, #tpu.memory_space<vmem>>) target(%dma_start3A_199 : memref<5120x128xf32, #tpu.memory_space<vmem_shared>>) offsets(%dma_start3A_196 : memref<128xi32, #tpu.memory_space<vmem>>) semaphore(%run_scoped3A : memref<!tpu.dma_semaphore, #tpu.memory_space<semaphore_mem>>) {add = true}
        %dma_wait3A_200 = arith.constant 0 : i32
        %dma_wait3A_201 = tpu.memref_slice %arg9[%add3A_162, %dma_wait3A_200] : memref<80x128xi32, #tpu.memory_space<vmem>> -> memref<1x128xi32, #tpu.memory_space<vmem>>
        %dma_wait3A_202 = tpu.memref_squeeze %dma_wait3A_201 : memref<1x128xi32, #tpu.memory_space<vmem>> -> memref<128xi32, #tpu.memory_space<vmem>>
        %dma_wait3A_203 = arith.constant 0 : i32
        %dma_wait3A_204 = arith.constant 0 : i32
        %dma_wait3A_205 = tpu.memref_slice %arg14[%dma_wait3A_203, %dma_wait3A_204] : memref<5120x128xf32, #tpu.memory_space<vmem_shared>> -> memref<5120x128xf32, #tpu.memory_space<vmem_shared>>
        tpu.wait_indirect_dma semaphore(%run_scoped3A : memref<!tpu.dma_semaphore, #tpu.memory_space<semaphore_mem>>) src(%arg12 : memref<128x128xf32, #tpu.memory_space<vmem>>) dst(%dma_wait3A_205 : memref<5120x128xf32, #tpu.memory_space<vmem_shared>>)
        tpu.yield
      }) : () -> ()
      %add3A_169 = arith.constant 4 : i32
      %add3A_170 = arith.addi %add3A_162, %add3A_169 : i32
      %lt3A_171 = arith.constant 80 : i32
      %lt3A_172 = arith.cmpi slt, %add3A_170, %lt3A_171 : i32
      %convert_element_type3A_173 = arith.extui %lt3A_172 : i1 to i32
      %cond3A_174 = arith.constant 0 : i32
      %cond3A_175 = arith.cmpi ne, %convert_element_type3A_173, %cond3A_174 : i32
      scf.if %cond3A_175 {
        %add3A_194 = arith.constant 4 : i32
        %add3A_195 = arith.addi %add3A_162, %add3A_194 : i32
        %dma_start3A_196 = arith.constant 0 : i32
        %dma_start3A_197 = tpu.memref_slice %arg8[%add3A_195, %dma_start3A_196] : memref<80x128xi32, #tpu.memory_space<vmem>> -> memref<1x128xi32, #tpu.memory_space<vmem>>
        %dma_start3A_198 = tpu.memref_squeeze %dma_start3A_197 : memref<1x128xi32, #tpu.memory_space<vmem>> -> memref<128xi32, #tpu.memory_space<vmem>>
        %dma_start3A_199 = arith.constant 0 : i32
        %dma_start3A_200 = arith.constant 0 : i32
        %dma_start3A_201 = tpu.memref_slice %arg4[%dma_start3A_199, %dma_start3A_200] : memref<10000x128xf32, #tpu.memory_space<hbm>> -> memref<10000x128xf32, #tpu.memory_space<hbm>>
        tpu.enqueue_indirect_dma source(%dma_start3A_201 : memref<10000x128xf32, #tpu.memory_space<hbm>>) target(%arg12 : memref<128x128xf32, #tpu.memory_space<vmem>>) offsets(%dma_start3A_198 : memref<128xi32, #tpu.memory_space<vmem>>) semaphore(%arg17 : memref<!tpu.dma_semaphore, #tpu.memory_space<semaphore_mem>>)
      } else {
      }
      %mul3A_176 = arith.constant 4 : i32
      %mul3A_177 = arith.muli %mul3A_176, %scan3A_124 : i32
      %add3A_178 = arith.constant 3 : i32
      %add3A_179 = arith.addi %mul3A_177, %add3A_178 : i32
      %dma_wait3A_180 = arith.constant 0 : i32
      %dma_wait3A_181 = tpu.memref_slice %arg8[%add3A_179, %dma_wait3A_180] : memref<80x128xi32, #tpu.memory_space<vmem>> -> memref<1x128xi32, #tpu.memory_space<vmem>>
      %dma_wait3A_182 = tpu.memref_squeeze %dma_wait3A_181 : memref<1x128xi32, #tpu.memory_space<vmem>> -> memref<128xi32, #tpu.memory_space<vmem>>
      %dma_wait3A_183 = arith.constant 0 : i32
      %dma_wait3A_184 = arith.constant 0 : i32
      %dma_wait3A_185 = tpu.memref_slice %arg4[%dma_wait3A_183, %dma_wait3A_184] : memref<10000x128xf32, #tpu.memory_space<hbm>> -> memref<10000x128xf32, #tpu.memory_space<hbm>>
      tpu.wait_indirect_dma semaphore(%arg18 : memref<!tpu.dma_semaphore, #tpu.memory_space<semaphore_mem>>) src(%dma_wait3A_185 : memref<10000x128xf32, #tpu.memory_space<hbm>>) dst(%arg13 : memref<128x128xf32, #tpu.memory_space<vmem>>)
      "tpu.region"() ({
        %run_scoped3A = tpu.sem_alloc : memref<!tpu.dma_semaphore, #tpu.memory_space<semaphore_mem>>
        %dma_start3A_194 = arith.constant 0 : i32
        %dma_start3A_195 = tpu.memref_slice %arg9[%add3A_179, %dma_start3A_194] : memref<80x128xi32, #tpu.memory_space<vmem>> -> memref<1x128xi32, #tpu.memory_space<vmem>>
        %dma_start3A_196 = tpu.memref_squeeze %dma_start3A_195 : memref<1x128xi32, #tpu.memory_space<vmem>> -> memref<128xi32, #tpu.memory_space<vmem>>
        %dma_start3A_197 = arith.constant 0 : i32
        %dma_start3A_198 = arith.constant 0 : i32
        %dma_start3A_199 = tpu.memref_slice %arg14[%dma_start3A_197, %dma_start3A_198] : memref<5120x128xf32, #tpu.memory_space<vmem_shared>> -> memref<5120x128xf32, #tpu.memory_space<vmem_shared>>
        tpu.enqueue_indirect_dma source(%arg13 : memref<128x128xf32, #tpu.memory_space<vmem>>) target(%dma_start3A_199 : memref<5120x128xf32, #tpu.memory_space<vmem_shared>>) offsets(%dma_start3A_196 : memref<128xi32, #tpu.memory_space<vmem>>) semaphore(%run_scoped3A : memref<!tpu.dma_semaphore, #tpu.memory_space<semaphore_mem>>) {add = true}
        %dma_wait3A_200 = arith.constant 0 : i32
        %dma_wait3A_201 = tpu.memref_slice %arg9[%add3A_179, %dma_wait3A_200] : memref<80x128xi32, #tpu.memory_space<vmem>> -> memref<1x128xi32, #tpu.memory_space<vmem>>
        %dma_wait3A_202 = tpu.memref_squeeze %dma_wait3A_201 : memref<1x128xi32, #tpu.memory_space<vmem>> -> memref<128xi32, #tpu.memory_space<vmem>>
        %dma_wait3A_203 = arith.constant 0 : i32
        %dma_wait3A_204 = arith.constant 0 : i32
        %dma_wait3A_205 = tpu.memref_slice %arg14[%dma_wait3A_203, %dma_wait3A_204] : memref<5120x128xf32, #tpu.memory_space<vmem_shared>> -> memref<5120x128xf32, #tpu.memory_space<vmem_shared>>
        tpu.wait_indirect_dma semaphore(%run_scoped3A : memref<!tpu.dma_semaphore, #tpu.memory_space<semaphore_mem>>) src(%arg13 : memref<128x128xf32, #tpu.memory_space<vmem>>) dst(%dma_wait3A_205 : memref<5120x128xf32, #tpu.memory_space<vmem_shared>>)
        tpu.yield
      }) : () -> ()
      %add3A_186 = arith.constant 4 : i32
      %add3A_187 = arith.addi %add3A_179, %add3A_186 : i32
      %lt3A_188 = arith.constant 80 : i32
      %lt3A_189 = arith.cmpi slt, %add3A_187, %lt3A_188 : i32
      %convert_element_type3A_190 = arith.extui %lt3A_189 : i1 to i32
      %cond3A_191 = arith.constant 0 : i32
      %cond3A_192 = arith.cmpi ne, %convert_element_type3A_190, %cond3A_191 : i32
      scf.if %cond3A_192 {
        %add3A_194 = arith.constant 4 : i32
        %add3A_195 = arith.addi %add3A_179, %add3A_194 : i32
        %dma_start3A_196 = arith.constant 0 : i32
        %dma_start3A_197 = tpu.memref_slice %arg8[%add3A_195, %dma_start3A_196] : memref<80x128xi32, #tpu.memory_space<vmem>> -> memref<1x128xi32, #tpu.memory_space<vmem>>
        %dma_start3A_198 = tpu.memref_squeeze %dma_start3A_197 : memref<1x128xi32, #tpu.memory_space<vmem>> -> memref<128xi32, #tpu.memory_space<vmem>>
        %dma_start3A_199 = arith.constant 0 : i32
        %dma_start3A_200 = arith.constant 0 : i32
        %dma_start3A_201 = tpu.memref_slice %arg4[%dma_start3A_199, %dma_start3A_200] : memref<10000x128xf32, #tpu.memory_space<hbm>> -> memref<10000x128xf32, #tpu.memory_space<hbm>>
        tpu.enqueue_indirect_dma source(%dma_start3A_201 : memref<10000x128xf32, #tpu.memory_space<hbm>>) target(%arg13 : memref<128x128xf32, #tpu.memory_space<vmem>>) offsets(%dma_start3A_198 : memref<128xi32, #tpu.memory_space<vmem>>) semaphore(%arg18 : memref<!tpu.dma_semaphore, #tpu.memory_space<semaphore_mem>>)
      } else {
      }
      %scan3A_193 = arith.constant 0 : i32
      scf.yield %scan3A_193 : i32
    }
    %scan3A_55 = arith.constant 20 : i32
    %barrier3A_56 = arith.constant 0 : index
    tpu.barrier barrier_id(%barrier3A_56)
    %lt3A = arith.constant 15 : i32
    %lt3A_57 = arith.cmpi slt, %arg1, %lt3A : i32
    %convert_element_type3A = arith.extui %lt3A_57 : i1 to i32
    %cond3A = arith.constant 0 : i32
    %cond3A_58 = arith.cmpi ne, %convert_element_type3A, %cond3A : i32
    scf.if %cond3A_58 {
      %mul3A_124 = arith.constant 320 : i32
      %mul3A_125 = arith.muli %arg1, %mul3A_124 : i32
      %multiple_of3A_126 = tpu.assume_multiple %mul3A_125, 8 : i32
      %mul3A_127 = arith.constant 320 : i32
      %mul3A_128 = arith.muli %arg1, %mul3A_127 : i32
      %add3A_129 = arith.addi %mul3A_0, %mul3A_128 : i32
      %multiple_of3A_130 = tpu.assume_multiple %add3A_129, 8 : i32
      "tpu.region"() ({
        %run_scoped3A = tpu.sem_alloc : memref<!tpu.dma_semaphore, #tpu.memory_space<semaphore_mem>>
        %dma_start3A_131 = arith.constant 0 : i32
        %dma_start3A_132 = tpu.memref_slice %arg6[%multiple_of3A_130, %dma_start3A_131] : memref<10000x128xf32, #tpu.memory_space<hbm>> -> memref<320x128xf32, #tpu.memory_space<hbm>>
        %dma_start3A_133 = arith.constant 0 : i32
        %dma_start3A_134 = tpu.memref_slice %arg14[%multiple_of3A_126, %dma_start3A_133] : memref<5120x128xf32, #tpu.memory_space<vmem_shared>> -> memref<320x128xf32, #tpu.memory_space<vmem_shared>>
        tpu.enqueue_dma source(%dma_start3A_134 : memref<320x128xf32, #tpu.memory_space<vmem_shared>>) target(%dma_start3A_132 : memref<320x128xf32, #tpu.memory_space<hbm>>) target_semaphore(%run_scoped3A : memref<!tpu.dma_semaphore, #tpu.memory_space<semaphore_mem>>)
        %dma_wait3A = arith.constant 0 : i32
        %dma_wait3A_135 = tpu.memref_slice %arg6[%multiple_of3A_130, %dma_wait3A] : memref<10000x128xf32, #tpu.memory_space<hbm>> -> memref<320x128xf32, #tpu.memory_space<hbm>>
        %dma_wait3A_136 = arith.constant 0 : i32
        %dma_wait3A_137 = tpu.memref_slice %arg14[%multiple_of3A_126, %dma_wait3A_136] : memref<5120x128xf32, #tpu.memory_space<vmem_shared>> -> memref<320x128xf32, #tpu.memory_space<vmem_shared>>
        tpu.wait_dma2 semaphore(%run_scoped3A : memref<!tpu.dma_semaphore, #tpu.memory_space<semaphore_mem>>) src(%dma_wait3A_137 : memref<320x128xf32, #tpu.memory_space<vmem_shared>>) dst(%dma_wait3A_135 : memref<320x128xf32, #tpu.memory_space<hbm>>)
        tpu.yield
      }) : () -> ()
    } else {
    }
    %eq3A = arith.constant 15 : i32
    %eq3A_59 = arith.cmpi eq, %arg1, %eq3A : i32
    %convert_element_type3A_60 = arith.extui %eq3A_59 : i1 to i32
    %cond3A_61 = arith.constant 0 : i32
    %cond3A_62 = arith.cmpi ne, %convert_element_type3A_60, %cond3A_61 : i32
    scf.if %cond3A_62 {
      %add3A_124 = arith.constant 4800 : i32
      %add3A_125 = arith.addi %mul3A_0, %add3A_124 : i32
      %multiple_of3A_126 = tpu.assume_multiple %add3A_125, 8 : i32
      "tpu.region"() ({
        %run_scoped3A = tpu.sem_alloc : memref<!tpu.dma_semaphore, #tpu.memory_space<semaphore_mem>>
        %dma_start3A_127 = arith.constant 0 : i32
        %dma_start3A_128 = tpu.memref_slice %arg6[%multiple_of3A_126, %dma_start3A_127] : memref<10000x128xf32, #tpu.memory_space<hbm>> -> memref<200x128xf32, #tpu.memory_space<hbm>>
        %dma_start3A_129 = arith.constant 4800 : i32
        %dma_start3A_130 = arith.constant 0 : i32
        %dma_start3A_131 = tpu.memref_slice %arg14[%dma_start3A_129, %dma_start3A_130] : memref<5120x128xf32, #tpu.memory_space<vmem_shared>> -> memref<200x128xf32, #tpu.memory_space<vmem_shared>>
        tpu.enqueue_dma source(%dma_start3A_131 : memref<200x128xf32, #tpu.memory_space<vmem_shared>>) target(%dma_start3A_128 : memref<200x128xf32, #tpu.memory_space<hbm>>) target_semaphore(%run_scoped3A : memref<!tpu.dma_semaphore, #tpu.memory_space<semaphore_mem>>)
        %dma_wait3A = arith.constant 0 : i32
        %dma_wait3A_132 = tpu.memref_slice %arg6[%multiple_of3A_126, %dma_wait3A] : memref<10000x128xf32, #tpu.memory_space<hbm>> -> memref<200x128xf32, #tpu.memory_space<hbm>>
        %dma_wait3A_133 = arith.constant 4800 : i32
        %dma_wait3A_134 = arith.constant 0 : i32
        %dma_wait3A_135 = tpu.memref_slice %arg14[%dma_wait3A_133, %dma_wait3A_134] : memref<5120x128xf32, #tpu.memory_space<vmem_shared>> -> memref<200x128xf32, #tpu.memory_space<vmem_shared>>
        tpu.wait_dma2 semaphore(%run_scoped3A : memref<!tpu.dma_semaphore, #tpu.memory_space<semaphore_mem>>) src(%dma_wait3A_135 : memref<200x128xf32, #tpu.memory_space<vmem_shared>>) dst(%dma_wait3A_132 : memref<200x128xf32, #tpu.memory_space<hbm>>)
        tpu.yield
      }) : () -> ()
    } else {
    }
    %scan3A_63 = arith.constant 0 : i32
    %scan3A_64 = arith.constant 0 : i32
    %scan3A_65 = arith.constant 128 : i32
    %scan3A_66 = arith.addi %scan3A_64, %scan3A_65 : i32
    %scan3A_67 = arith.constant 1 : i32
    %scan3A_68 = scf.for %scan3A_124 = %scan3A_64 to %scan3A_66 step %scan3A_67 iter_args(%scan3A_125 = %scan3A_63) -> (i32)  : i32 {
      %broadcast_in_dim3A = arith.constant 0.000000e+00 : f32
      %broadcast_in_dim3A_126 = vector.broadcast %broadcast_in_dim3A : f32 to vector<16xf32>
      %swap3A = arith.index_cast %scan3A_124 : i32 to index
      %swap3A_127 = arith.constant 0 : index
      %swap3A_128 = tpu.vector_load %arg10[%swap3A, %swap3A_127] {strides = array<i32>} : memref<128x128xf32, #tpu.memory_space<vmem>>, vector<1x16xf32>,
      %swap3A_129 = vector.shape_cast %swap3A_128 : vector<1x16xf32> to vector<16xf32>
      %swap3A_130 = vector.shape_cast %broadcast_in_dim3A_126 : vector<16xf32> to vector<1x16xf32>
      tpu.vector_store %arg10[%swap3A, %swap3A_127], %swap3A_130 {strides = array<i32>} : memref<128x128xf32, #tpu.memory_space<vmem>>, vector<1x16xf32>,
      %broadcast_in_dim3A_131 = arith.constant 0.000000e+00 : f32
      %broadcast_in_dim3A_132 = vector.broadcast %broadcast_in_dim3A_131 : f32 to vector<16xf32>
      %swap3A_133 = arith.index_cast %scan3A_124 : i32 to index
      %swap3A_134 = arith.constant 16 : index
      %swap3A_135 = tpu.vector_load %arg10[%swap3A_133, %swap3A_134] {strides = array<i32>} : memref<128x128xf32, #tpu.memory_space<vmem>>, vector<1x16xf32>,
      %swap3A_136 = vector.shape_cast %swap3A_135 : vector<1x16xf32> to vector<16xf32>
      %swap3A_137 = vector.shape_cast %broadcast_in_dim3A_132 : vector<16xf32> to vector<1x16xf32>
      tpu.vector_store %arg10[%swap3A_133, %swap3A_134], %swap3A_137 {strides = array<i32>} : memref<128x128xf32, #tpu.memory_space<vmem>>, vector<1x16xf32>,
      %broadcast_in_dim3A_138 = arith.constant 0.000000e+00 : f32
      %broadcast_in_dim3A_139 = vector.broadcast %broadcast_in_dim3A_138 : f32 to vector<16xf32>
      %swap3A_140 = arith.index_cast %scan3A_124 : i32 to index
      %swap3A_141 = arith.constant 32 : index
      %swap3A_142 = tpu.vector_load %arg10[%swap3A_140, %swap3A_141] {strides = array<i32>} : memref<128x128xf32, #tpu.memory_space<vmem>>, vector<1x16xf32>,
      %swap3A_143 = vector.shape_cast %swap3A_142 : vector<1x16xf32> to vector<16xf32>
      %swap3A_144 = vector.shape_cast %broadcast_in_dim3A_139 : vector<16xf32> to vector<1x16xf32>
      tpu.vector_store %arg10[%swap3A_140, %swap3A_141], %swap3A_144 {strides = array<i32>} : memref<128x128xf32, #tpu.memory_space<vmem>>, vector<1x16xf32>,
      %broadcast_in_dim3A_145 = arith.constant 0.000000e+00 : f32
      %broadcast_in_dim3A_146 = vector.broadcast %broadcast_in_dim3A_145 : f32 to vector<16xf32>
      %swap3A_147 = arith.index_cast %scan3A_124 : i32 to index
      %swap3A_148 = arith.constant 48 : index
      %swap3A_149 = tpu.vector_load %arg10[%swap3A_147, %swap3A_148] {strides = array<i32>} : memref<128x128xf32, #tpu.memory_space<vmem>>, vector<1x16xf32>,
      %swap3A_150 = vector.shape_cast %swap3A_149 : vector<1x16xf32> to vector<16xf32>
      %swap3A_151 = vector.shape_cast %broadcast_in_dim3A_146 : vector<16xf32> to vector<1x16xf32>
      tpu.vector_store %arg10[%swap3A_147, %swap3A_148], %swap3A_151 {strides = array<i32>} : memref<128x128xf32, #tpu.memory_space<vmem>>, vector<1x16xf32>,
      %broadcast_in_dim3A_152 = arith.constant 0.000000e+00 : f32
      %broadcast_in_dim3A_153 = vector.broadcast %broadcast_in_dim3A_152 : f32 to vector<16xf32>
      %swap3A_154 = arith.index_cast %scan3A_124 : i32 to index
      %swap3A_155 = arith.constant 64 : index
      %swap3A_156 = tpu.vector_load %arg10[%swap3A_154, %swap3A_155] {strides = array<i32>} : memref<128x128xf32, #tpu.memory_space<vmem>>, vector<1x16xf32>,
      %swap3A_157 = vector.shape_cast %swap3A_156 : vector<1x16xf32> to vector<16xf32>
      %swap3A_158 = vector.shape_cast %broadcast_in_dim3A_153 : vector<16xf32> to vector<1x16xf32>
      tpu.vector_store %arg10[%swap3A_154, %swap3A_155], %swap3A_158 {strides = array<i32>} : memref<128x128xf32, #tpu.memory_space<vmem>>, vector<1x16xf32>,
      %broadcast_in_dim3A_159 = arith.constant 0.000000e+00 : f32
      %broadcast_in_dim3A_160 = vector.broadcast %broadcast_in_dim3A_159 : f32 to vector<16xf32>
      %swap3A_161 = arith.index_cast %scan3A_124 : i32 to index
      %swap3A_162 = arith.constant 80 : index
      %swap3A_163 = tpu.vector_load %arg10[%swap3A_161, %swap3A_162] {strides = array<i32>} : memref<128x128xf32, #tpu.memory_space<vmem>>, vector<1x16xf32>,
      %swap3A_164 = vector.shape_cast %swap3A_163 : vector<1x16xf32> to vector<16xf32>
      %swap3A_165 = vector.shape_cast %broadcast_in_dim3A_160 : vector<16xf32> to vector<1x16xf32>
      tpu.vector_store %arg10[%swap3A_161, %swap3A_162], %swap3A_165 {strides = array<i32>} : memref<128x128xf32, #tpu.memory_space<vmem>>, vector<1x16xf32>,
      %broadcast_in_dim3A_166 = arith.constant 0.000000e+00 : f32
      %broadcast_in_dim3A_167 = vector.broadcast %broadcast_in_dim3A_166 : f32 to vector<16xf32>
      %swap3A_168 = arith.index_cast %scan3A_124 : i32 to index
      %swap3A_169 = arith.constant 96 : index
      %swap3A_170 = tpu.vector_load %arg10[%swap3A_168, %swap3A_169] {strides = array<i32>} : memref<128x128xf32, #tpu.memory_space<vmem>>, vector<1x16xf32>,
      %swap3A_171 = vector.shape_cast %swap3A_170 : vector<1x16xf32> to vector<16xf32>
      %swap3A_172 = vector.shape_cast %broadcast_in_dim3A_167 : vector<16xf32> to vector<1x16xf32>
      tpu.vector_store %arg10[%swap3A_168, %swap3A_169], %swap3A_172 {strides = array<i32>} : memref<128x128xf32, #tpu.memory_space<vmem>>, vector<1x16xf32>,
      %broadcast_in_dim3A_173 = arith.constant 0.000000e+00 : f32
      %broadcast_in_dim3A_174 = vector.broadcast %broadcast_in_dim3A_173 : f32 to vector<16xf32>
      %swap3A_175 = arith.index_cast %scan3A_124 : i32 to index
      %swap3A_176 = arith.constant 112 : index
      %swap3A_177 = tpu.vector_load %arg10[%swap3A_175, %swap3A_176] {strides = array<i32>} : memref<128x128xf32, #tpu.memory_space<vmem>>, vector<1x16xf32>,
      %swap3A_178 = vector.shape_cast %swap3A_177 : vector<1x16xf32> to vector<16xf32>
      %swap3A_179 = vector.shape_cast %broadcast_in_dim3A_174 : vector<16xf32> to vector<1x16xf32>
      tpu.vector_store %arg10[%swap3A_175, %swap3A_176], %swap3A_179 {strides = array<i32>} : memref<128x128xf32, #tpu.memory_space<vmem>>, vector<1x16xf32>,
      %scan3A_180 = arith.constant 0 : i32
      scf.yield %scan3A_180 : i32
    }
    %scan3A_69 = arith.constant 128 : i32
    %mul3A_70 = arith.constant 320 : i32
    %mul3A_71 = arith.muli %arg1, %mul3A_70 : i32
    %multiple_of3A_72 = tpu.assume_multiple %mul3A_71, 8 : i32
    "tpu.region"() ({
      %run_scoped3A = tpu.sem_alloc : memref<!tpu.dma_semaphore, #tpu.memory_space<semaphore_mem>>
      %dma_start3A_124 = arith.constant 0 : i32
      %dma_start3A_125 = tpu.memref_slice %arg14[%multiple_of3A_72, %dma_start3A_124] : memref<5120x128xf32, #tpu.memory_space<vmem_shared>> -> memref<128x128xf32, #tpu.memory_space<vmem_shared>>
      %dma_start3A_126 = arith.constant 0 : i32
      %dma_start3A_127 = tpu.memref_slice %arg14[%multiple_of3A_72, %dma_start3A_126] : memref<5120x128xf32, #tpu.memory_space<vmem_shared>> -> memref<128x128xf32, #tpu.memory_space<vmem_shared>>
      tpu.enqueue_dma source(%arg10 : memref<128x128xf32, #tpu.memory_space<vmem>>) target(%dma_start3A_127 : memref<128x128xf32, #tpu.memory_space<vmem_shared>>) target_semaphore(%run_scoped3A : memref<!tpu.dma_semaphore, #tpu.memory_space<semaphore_mem>>)
      %dma_wait3A = arith.constant 0 : i32
      %dma_wait3A_128 = tpu.memref_slice %arg14[%multiple_of3A_72, %dma_wait3A] : memref<5120x128xf32, #tpu.memory_space<vmem_shared>> -> memref<128x128xf32, #tpu.memory_space<vmem_shared>>
      %dma_wait3A_129 = arith.constant 0 : i32
      %dma_wait3A_130 = tpu.memref_slice %arg14[%multiple_of3A_72, %dma_wait3A_129] : memref<5120x128xf32, #tpu.memory_space<vmem_shared>> -> memref<128x128xf32, #tpu.memory_space<vmem_shared>>
      tpu.wait_dma2 semaphore(%run_scoped3A : memref<!tpu.dma_semaphore, #tpu.memory_space<semaphore_mem>>) src(%arg10 : memref<128x128xf32, #tpu.memory_space<vmem>>) dst(%dma_wait3A_130 : memref<128x128xf32, #tpu.memory_space<vmem_shared>>)
      tpu.yield
    }) : () -> ()
    %add3A_73 = arith.constant 128 : i32
    %add3A_74 = arith.addi %multiple_of3A_72, %add3A_73 : i32
    "tpu.region"() ({
      %run_scoped3A = tpu.sem_alloc : memref<!tpu.dma_semaphore, #tpu.memory_space<semaphore_mem>>
      %dma_start3A_124 = arith.constant 0 : i32
      %dma_start3A_125 = tpu.memref_slice %arg14[%add3A_74, %dma_start3A_124] : memref<5120x128xf32, #tpu.memory_space<vmem_shared>> -> memref<128x128xf32, #tpu.memory_space<vmem_shared>>
      %dma_start3A_126 = arith.constant 0 : i32
      %dma_start3A_127 = tpu.memref_slice %arg14[%add3A_74, %dma_start3A_126] : memref<5120x128xf32, #tpu.memory_space<vmem_shared>> -> memref<128x128xf32, #tpu.memory_space<vmem_shared>>
      tpu.enqueue_dma source(%arg10 : memref<128x128xf32, #tpu.memory_space<vmem>>) target(%dma_start3A_127 : memref<128x128xf32, #tpu.memory_space<vmem_shared>>) target_semaphore(%run_scoped3A : memref<!tpu.dma_semaphore, #tpu.memory_space<semaphore_mem>>)
      %dma_wait3A = arith.constant 0 : i32
      %dma_wait3A_128 = tpu.memref_slice %arg14[%add3A_74, %dma_wait3A] : memref<5120x128xf32, #tpu.memory_space<vmem_shared>> -> memref<128x128xf32, #tpu.memory_space<vmem_shared>>
      %dma_wait3A_129 = arith.constant 0 : i32
      %dma_wait3A_130 = tpu.memref_slice %arg14[%add3A_74, %dma_wait3A_129] : memref<5120x128xf32, #tpu.memory_space<vmem_shared>> -> memref<128x128xf32, #tpu.memory_space<vmem_shared>>
      tpu.wait_dma2 semaphore(%run_scoped3A : memref<!tpu.dma_semaphore, #tpu.memory_space<semaphore_mem>>) src(%arg10 : memref<128x128xf32, #tpu.memory_space<vmem>>) dst(%dma_wait3A_130 : memref<128x128xf32, #tpu.memory_space<vmem_shared>>)
      tpu.yield
    }) : () -> ()
    %add3A_75 = arith.constant 256 : i32
    %add3A_76 = arith.addi %multiple_of3A_72, %add3A_75 : i32
    "tpu.region"() ({
      %run_scoped3A = tpu.sem_alloc : memref<!tpu.dma_semaphore, #tpu.memory_space<semaphore_mem>>
      %dma_start3A_124 = arith.constant 0 : i32
      %dma_start3A_125 = arith.constant 0 : i32
      %dma_start3A_126 = tpu.memref_slice %arg10[%dma_start3A_124, %dma_start3A_125] : memref<128x128xf32, #tpu.memory_space<vmem>> -> memref<64x128xf32, #tpu.memory_space<vmem>>
      %dma_start3A_127 = arith.constant 0 : i32
      %dma_start3A_128 = tpu.memref_slice %arg14[%add3A_76, %dma_start3A_127] : memref<5120x128xf32, #tpu.memory_space<vmem_shared>> -> memref<64x128xf32, #tpu.memory_space<vmem_shared>>
      %dma_start3A_129 = arith.constant 0 : i32
      %dma_start3A_130 = tpu.memref_slice %arg14[%add3A_76, %dma_start3A_129] : memref<5120x128xf32, #tpu.memory_space<vmem_shared>> -> memref<64x128xf32, #tpu.memory_space<vmem_shared>>
      %dma_start3A_131 = arith.constant 0 : i32
      %dma_start3A_132 = arith.constant 0 : i32
      %dma_start3A_133 = tpu.memref_slice %arg10[%dma_start3A_131, %dma_start3A_132] : memref<128x128xf32, #tpu.memory_space<vmem>> -> memref<64x128xf32, #tpu.memory_space<vmem>>
      tpu.enqueue_dma source(%dma_start3A_133 : memref<64x128xf32, #tpu.memory_space<vmem>>) target(%dma_start3A_130 : memref<64x128xf32, #tpu.memory_space<vmem_shared>>) target_semaphore(%run_scoped3A : memref<!tpu.dma_semaphore, #tpu.memory_space<semaphore_mem>>)
      %dma_wait3A = arith.constant 0 : i32
      %dma_wait3A_134 = arith.constant 0 : i32
      %dma_wait3A_135 = tpu.memref_slice %arg10[%dma_wait3A, %dma_wait3A_134] : memref<128x128xf32, #tpu.memory_space<vmem>> -> memref<64x128xf32, #tpu.memory_space<vmem>>
      %dma_wait3A_136 = arith.constant 0 : i32
      %dma_wait3A_137 = tpu.memref_slice %arg14[%add3A_76, %dma_wait3A_136] : memref<5120x128xf32, #tpu.memory_space<vmem_shared>> -> memref<64x128xf32, #tpu.memory_space<vmem_shared>>
      %dma_wait3A_138 = arith.constant 0 : i32
      %dma_wait3A_139 = tpu.memref_slice %arg14[%add3A_76, %dma_wait3A_138] : memref<5120x128xf32, #tpu.memory_space<vmem_shared>> -> memref<64x128xf32, #tpu.memory_space<vmem_shared>>
      %dma_wait3A_140 = arith.constant 0 : i32
      %dma_wait3A_141 = arith.constant 0 : i32
      %dma_wait3A_142 = tpu.memref_slice %arg10[%dma_wait3A_140, %dma_wait3A_141] : memref<128x128xf32, #tpu.memory_space<vmem>> -> memref<64x128xf32, #tpu.memory_space<vmem>>
      tpu.wait_dma2 semaphore(%run_scoped3A : memref<!tpu.dma_semaphore, #tpu.memory_space<semaphore_mem>>) src(%dma_wait3A_142 : memref<64x128xf32, #tpu.memory_space<vmem>>) dst(%dma_wait3A_139 : memref<64x128xf32, #tpu.memory_space<vmem_shared>>)
      tpu.yield
    }) : () -> ()
    %barrier3A_77 = arith.constant 0 : index
    tpu.barrier barrier_id(%barrier3A_77)
    %dma_start3A_78 = arith.constant 0 : i32
    %dma_start3A_79 = arith.constant 0 : i32
    %dma_start3A_80 = tpu.memref_slice %arg8[%dma_start3A_78, %dma_start3A_79] : memref<80x128xi32, #tpu.memory_space<vmem>> -> memref<1x128xi32, #tpu.memory_space<vmem>>
    %dma_start3A_81 = tpu.memref_squeeze %dma_start3A_80 : memref<1x128xi32, #tpu.memory_space<vmem>> -> memref<128xi32, #tpu.memory_space<vmem>>
    %dma_start3A_82 = arith.constant 0 : i32
    %dma_start3A_83 = arith.constant 0 : i32
    %dma_start3A_84 = tpu.memref_slice %arg5[%dma_start3A_82, %dma_start3A_83] : memref<10000x128xf32, #tpu.memory_space<hbm>> -> memref<10000x128xf32, #tpu.memory_space<hbm>>
    tpu.enqueue_indirect_dma source(%dma_start3A_84 : memref<10000x128xf32, #tpu.memory_space<hbm>>) target(%arg10 : memref<128x128xf32, #tpu.memory_space<vmem>>) offsets(%dma_start3A_81 : memref<128xi32, #tpu.memory_space<vmem>>) semaphore(%arg15 : memref<!tpu.dma_semaphore, #tpu.memory_space<semaphore_mem>>)
    %dma_start3A_85 = arith.constant 1 : i32
    %dma_start3A_86 = arith.constant 0 : i32
    %dma_start3A_87 = tpu.memref_slice %arg8[%dma_start3A_85, %dma_start3A_86] : memref<80x128xi32, #tpu.memory_space<vmem>> -> memref<1x128xi32, #tpu.memory_space<vmem>>
    %dma_start3A_88 = tpu.memref_squeeze %dma_start3A_87 : memref<1x128xi32, #tpu.memory_space<vmem>> -> memref<128xi32, #tpu.memory_space<vmem>>
    %dma_start3A_89 = arith.constant 0 : i32
    %dma_start3A_90 = arith.constant 0 : i32
    %dma_start3A_91 = tpu.memref_slice %arg5[%dma_start3A_89, %dma_start3A_90] : memref<10000x128xf32, #tpu.memory_space<hbm>> -> memref<10000x128xf32, #tpu.memory_space<hbm>>
    tpu.enqueue_indirect_dma source(%dma_start3A_91 : memref<10000x128xf32, #tpu.memory_space<hbm>>) target(%arg11 : memref<128x128xf32, #tpu.memory_space<vmem>>) offsets(%dma_start3A_88 : memref<128xi32, #tpu.memory_space<vmem>>) semaphore(%arg16 : memref<!tpu.dma_semaphore, #tpu.memory_space<semaphore_mem>>)
    %dma_start3A_92 = arith.constant 2 : i32
    %dma_start3A_93 = arith.constant 0 : i32
    %dma_start3A_94 = tpu.memref_slice %arg8[%dma_start3A_92, %dma_start3A_93] : memref<80x128xi32, #tpu.memory_space<vmem>> -> memref<1x128xi32, #tpu.memory_space<vmem>>
    %dma_start3A_95 = tpu.memref_squeeze %dma_start3A_94 : memref<1x128xi32, #tpu.memory_space<vmem>> -> memref<128xi32, #tpu.memory_space<vmem>>
    %dma_start3A_96 = arith.constant 0 : i32
    %dma_start3A_97 = arith.constant 0 : i32
    %dma_start3A_98 = tpu.memref_slice %arg5[%dma_start3A_96, %dma_start3A_97] : memref<10000x128xf32, #tpu.memory_space<hbm>> -> memref<10000x128xf32, #tpu.memory_space<hbm>>
    tpu.enqueue_indirect_dma source(%dma_start3A_98 : memref<10000x128xf32, #tpu.memory_space<hbm>>) target(%arg12 : memref<128x128xf32, #tpu.memory_space<vmem>>) offsets(%dma_start3A_95 : memref<128xi32, #tpu.memory_space<vmem>>) semaphore(%arg17 : memref<!tpu.dma_semaphore, #tpu.memory_space<semaphore_mem>>)
    %dma_start3A_99 = arith.constant 3 : i32
    %dma_start3A_100 = arith.constant 0 : i32
    %dma_start3A_101 = tpu.memref_slice %arg8[%dma_start3A_99, %dma_start3A_100] : memref<80x128xi32, #tpu.memory_space<vmem>> -> memref<1x128xi32, #tpu.memory_space<vmem>>
    %dma_start3A_102 = tpu.memref_squeeze %dma_start3A_101 : memref<1x128xi32, #tpu.memory_space<vmem>> -> memref<128xi32, #tpu.memory_space<vmem>>
    %dma_start3A_103 = arith.constant 0 : i32
    %dma_start3A_104 = arith.constant 0 : i32
    %dma_start3A_105 = tpu.memref_slice %arg5[%dma_start3A_103, %dma_start3A_104] : memref<10000x128xf32, #tpu.memory_space<hbm>> -> memref<10000x128xf32, #tpu.memory_space<hbm>>
    tpu.enqueue_indirect_dma source(%dma_start3A_105 : memref<10000x128xf32, #tpu.memory_space<hbm>>) target(%arg13 : memref<128x128xf32, #tpu.memory_space<vmem>>) offsets(%dma_start3A_102 : memref<128xi32, #tpu.memory_space<vmem>>) semaphore(%arg18 : memref<!tpu.dma_semaphore, #tpu.memory_space<semaphore_mem>>)
    %scan3A_106 = arith.constant 0 : i32
    %scan3A_107 = arith.constant 0 : i32
    %scan3A_108 = arith.constant 20 : i32
    %scan3A_109 = arith.addi %scan3A_107, %scan3A_108 : i32
    %scan3A_110 = arith.constant 1 : i32
    %scan3A_111 = scf.for %scan3A_124 = %scan3A_107 to %scan3A_109 step %scan3A_110 iter_args(%scan3A_125 = %scan3A_106) -> (i32)  : i32 {
      %mul3A_126 = arith.constant 4 : i32
      %mul3A_127 = arith.muli %mul3A_126, %scan3A_124 : i32
      %add3A_128 = arith.constant 0 : i32
      %add3A_129 = arith.addi %mul3A_127, %add3A_128 : i32
      %dma_wait3A = arith.constant 0 : i32
      %dma_wait3A_130 = tpu.memref_slice %arg8[%add3A_129, %dma_wait3A] : memref<80x128xi32, #tpu.memory_space<vmem>> -> memref<1x128xi32, #tpu.memory_space<vmem>>
      %dma_wait3A_131 = tpu.memref_squeeze %dma_wait3A_130 : memref<1x128xi32, #tpu.memory_space<vmem>> -> memref<128xi32, #tpu.memory_space<vmem>>
      %dma_wait3A_132 = arith.constant 0 : i32
      %dma_wait3A_133 = arith.constant 0 : i32
      %dma_wait3A_134 = tpu.memref_slice %arg5[%dma_wait3A_132, %dma_wait3A_133] : memref<10000x128xf32, #tpu.memory_space<hbm>> -> memref<10000x128xf32, #tpu.memory_space<hbm>>
      tpu.wait_indirect_dma semaphore(%arg15 : memref<!tpu.dma_semaphore, #tpu.memory_space<semaphore_mem>>) src(%dma_wait3A_134 : memref<10000x128xf32, #tpu.memory_space<hbm>>) dst(%arg10 : memref<128x128xf32, #tpu.memory_space<vmem>>)
      "tpu.region"() ({
        %run_scoped3A = tpu.sem_alloc : memref<!tpu.dma_semaphore, #tpu.memory_space<semaphore_mem>>
        %dma_start3A_194 = arith.constant 0 : i32
        %dma_start3A_195 = tpu.memref_slice %arg9[%add3A_129, %dma_start3A_194] : memref<80x128xi32, #tpu.memory_space<vmem>> -> memref<1x128xi32, #tpu.memory_space<vmem>>
        %dma_start3A_196 = tpu.memref_squeeze %dma_start3A_195 : memref<1x128xi32, #tpu.memory_space<vmem>> -> memref<128xi32, #tpu.memory_space<vmem>>
        %dma_start3A_197 = arith.constant 0 : i32
        %dma_start3A_198 = arith.constant 0 : i32
        %dma_start3A_199 = tpu.memref_slice %arg14[%dma_start3A_197, %dma_start3A_198] : memref<5120x128xf32, #tpu.memory_space<vmem_shared>> -> memref<5120x128xf32, #tpu.memory_space<vmem_shared>>
        tpu.enqueue_indirect_dma source(%arg10 : memref<128x128xf32, #tpu.memory_space<vmem>>) target(%dma_start3A_199 : memref<5120x128xf32, #tpu.memory_space<vmem_shared>>) offsets(%dma_start3A_196 : memref<128xi32, #tpu.memory_space<vmem>>) semaphore(%run_scoped3A : memref<!tpu.dma_semaphore, #tpu.memory_space<semaphore_mem>>) {add = true}
        %dma_wait3A_200 = arith.constant 0 : i32
        %dma_wait3A_201 = tpu.memref_slice %arg9[%add3A_129, %dma_wait3A_200] : memref<80x128xi32, #tpu.memory_space<vmem>> -> memref<1x128xi32, #tpu.memory_space<vmem>>
        %dma_wait3A_202 = tpu.memref_squeeze %dma_wait3A_201 : memref<1x128xi32, #tpu.memory_space<vmem>> -> memref<128xi32, #tpu.memory_space<vmem>>
        %dma_wait3A_203 = arith.constant 0 : i32
        %dma_wait3A_204 = arith.constant 0 : i32
        %dma_wait3A_205 = tpu.memref_slice %arg14[%dma_wait3A_203, %dma_wait3A_204] : memref<5120x128xf32, #tpu.memory_space<vmem_shared>> -> memref<5120x128xf32, #tpu.memory_space<vmem_shared>>
        tpu.wait_indirect_dma semaphore(%run_scoped3A : memref<!tpu.dma_semaphore, #tpu.memory_space<semaphore_mem>>) src(%arg10 : memref<128x128xf32, #tpu.memory_space<vmem>>) dst(%dma_wait3A_205 : memref<5120x128xf32, #tpu.memory_space<vmem_shared>>)
        tpu.yield
      }) : () -> ()
      %add3A_135 = arith.constant 4 : i32
      %add3A_136 = arith.addi %add3A_129, %add3A_135 : i32
      %lt3A_137 = arith.constant 80 : i32
      %lt3A_138 = arith.cmpi slt, %add3A_136, %lt3A_137 : i32
      %convert_element_type3A_139 = arith.extui %lt3A_138 : i1 to i32
      %cond3A_140 = arith.constant 0 : i32
      %cond3A_141 = arith.cmpi ne, %convert_element_type3A_139, %cond3A_140 : i32
      scf.if %cond3A_141 {
        %add3A_194 = arith.constant 4 : i32
        %add3A_195 = arith.addi %add3A_129, %add3A_194 : i32
        %dma_start3A_196 = arith.constant 0 : i32
        %dma_start3A_197 = tpu.memref_slice %arg8[%add3A_195, %dma_start3A_196] : memref<80x128xi32, #tpu.memory_space<vmem>> -> memref<1x128xi32, #tpu.memory_space<vmem>>
        %dma_start3A_198 = tpu.memref_squeeze %dma_start3A_197 : memref<1x128xi32, #tpu.memory_space<vmem>> -> memref<128xi32, #tpu.memory_space<vmem>>
        %dma_start3A_199 = arith.constant 0 : i32
        %dma_start3A_200 = arith.constant 0 : i32
        %dma_start3A_201 = tpu.memref_slice %arg5[%dma_start3A_199, %dma_start3A_200] : memref<10000x128xf32, #tpu.memory_space<hbm>> -> memref<10000x128xf32, #tpu.memory_space<hbm>>
        tpu.enqueue_indirect_dma source(%dma_start3A_201 : memref<10000x128xf32, #tpu.memory_space<hbm>>) target(%arg10 : memref<128x128xf32, #tpu.memory_space<vmem>>) offsets(%dma_start3A_198 : memref<128xi32, #tpu.memory_space<vmem>>) semaphore(%arg15 : memref<!tpu.dma_semaphore, #tpu.memory_space<semaphore_mem>>)
      } else {
      }
      %mul3A_142 = arith.constant 4 : i32
      %mul3A_143 = arith.muli %mul3A_142, %scan3A_124 : i32
      %add3A_144 = arith.constant 1 : i32
      %add3A_145 = arith.addi %mul3A_143, %add3A_144 : i32
      %dma_wait3A_146 = arith.constant 0 : i32
      %dma_wait3A_147 = tpu.memref_slice %arg8[%add3A_145, %dma_wait3A_146] : memref<80x128xi32, #tpu.memory_space<vmem>> -> memref<1x128xi32, #tpu.memory_space<vmem>>
      %dma_wait3A_148 = tpu.memref_squeeze %dma_wait3A_147 : memref<1x128xi32, #tpu.memory_space<vmem>> -> memref<128xi32, #tpu.memory_space<vmem>>
      %dma_wait3A_149 = arith.constant 0 : i32
      %dma_wait3A_150 = arith.constant 0 : i32
      %dma_wait3A_151 = tpu.memref_slice %arg5[%dma_wait3A_149, %dma_wait3A_150] : memref<10000x128xf32, #tpu.memory_space<hbm>> -> memref<10000x128xf32, #tpu.memory_space<hbm>>
      tpu.wait_indirect_dma semaphore(%arg16 : memref<!tpu.dma_semaphore, #tpu.memory_space<semaphore_mem>>) src(%dma_wait3A_151 : memref<10000x128xf32, #tpu.memory_space<hbm>>) dst(%arg11 : memref<128x128xf32, #tpu.memory_space<vmem>>)
      "tpu.region"() ({
        %run_scoped3A = tpu.sem_alloc : memref<!tpu.dma_semaphore, #tpu.memory_space<semaphore_mem>>
        %dma_start3A_194 = arith.constant 0 : i32
        %dma_start3A_195 = tpu.memref_slice %arg9[%add3A_145, %dma_start3A_194] : memref<80x128xi32, #tpu.memory_space<vmem>> -> memref<1x128xi32, #tpu.memory_space<vmem>>
        %dma_start3A_196 = tpu.memref_squeeze %dma_start3A_195 : memref<1x128xi32, #tpu.memory_space<vmem>> -> memref<128xi32, #tpu.memory_space<vmem>>
        %dma_start3A_197 = arith.constant 0 : i32
        %dma_start3A_198 = arith.constant 0 : i32
        %dma_start3A_199 = tpu.memref_slice %arg14[%dma_start3A_197, %dma_start3A_198] : memref<5120x128xf32, #tpu.memory_space<vmem_shared>> -> memref<5120x128xf32, #tpu.memory_space<vmem_shared>>
        tpu.enqueue_indirect_dma source(%arg11 : memref<128x128xf32, #tpu.memory_space<vmem>>) target(%dma_start3A_199 : memref<5120x128xf32, #tpu.memory_space<vmem_shared>>) offsets(%dma_start3A_196 : memref<128xi32, #tpu.memory_space<vmem>>) semaphore(%run_scoped3A : memref<!tpu.dma_semaphore, #tpu.memory_space<semaphore_mem>>) {add = true}
        %dma_wait3A_200 = arith.constant 0 : i32
        %dma_wait3A_201 = tpu.memref_slice %arg9[%add3A_145, %dma_wait3A_200] : memref<80x128xi32, #tpu.memory_space<vmem>> -> memref<1x128xi32, #tpu.memory_space<vmem>>
        %dma_wait3A_202 = tpu.memref_squeeze %dma_wait3A_201 : memref<1x128xi32, #tpu.memory_space<vmem>> -> memref<128xi32, #tpu.memory_space<vmem>>
        %dma_wait3A_203 = arith.constant 0 : i32
        %dma_wait3A_204 = arith.constant 0 : i32
        %dma_wait3A_205 = tpu.memref_slice %arg14[%dma_wait3A_203, %dma_wait3A_204] : memref<5120x128xf32, #tpu.memory_space<vmem_shared>> -> memref<5120x128xf32, #tpu.memory_space<vmem_shared>>
        tpu.wait_indirect_dma semaphore(%run_scoped3A : memref<!tpu.dma_semaphore, #tpu.memory_space<semaphore_mem>>) src(%arg11 : memref<128x128xf32, #tpu.memory_space<vmem>>) dst(%dma_wait3A_205 : memref<5120x128xf32, #tpu.memory_space<vmem_shared>>)
        tpu.yield
      }) : () -> ()
      %add3A_152 = arith.constant 4 : i32
      %add3A_153 = arith.addi %add3A_145, %add3A_152 : i32
      %lt3A_154 = arith.constant 80 : i32
      %lt3A_155 = arith.cmpi slt, %add3A_153, %lt3A_154 : i32
      %convert_element_type3A_156 = arith.extui %lt3A_155 : i1 to i32
      %cond3A_157 = arith.constant 0 : i32
      %cond3A_158 = arith.cmpi ne, %convert_element_type3A_156, %cond3A_157 : i32
      scf.if %cond3A_158 {
        %add3A_194 = arith.constant 4 : i32
        %add3A_195 = arith.addi %add3A_145, %add3A_194 : i32
        %dma_start3A_196 = arith.constant 0 : i32
        %dma_start3A_197 = tpu.memref_slice %arg8[%add3A_195, %dma_start3A_196] : memref<80x128xi32, #tpu.memory_space<vmem>> -> memref<1x128xi32, #tpu.memory_space<vmem>>
        %dma_start3A_198 = tpu.memref_squeeze %dma_start3A_197 : memref<1x128xi32, #tpu.memory_space<vmem>> -> memref<128xi32, #tpu.memory_space<vmem>>
        %dma_start3A_199 = arith.constant 0 : i32
        %dma_start3A_200 = arith.constant 0 : i32
        %dma_start3A_201 = tpu.memref_slice %arg5[%dma_start3A_199, %dma_start3A_200] : memref<10000x128xf32, #tpu.memory_space<hbm>> -> memref<10000x128xf32, #tpu.memory_space<hbm>>
        tpu.enqueue_indirect_dma source(%dma_start3A_201 : memref<10000x128xf32, #tpu.memory_space<hbm>>) target(%arg11 : memref<128x128xf32, #tpu.memory_space<vmem>>) offsets(%dma_start3A_198 : memref<128xi32, #tpu.memory_space<vmem>>) semaphore(%arg16 : memref<!tpu.dma_semaphore, #tpu.memory_space<semaphore_mem>>)
      } else {
      }
      %mul3A_159 = arith.constant 4 : i32
      %mul3A_160 = arith.muli %mul3A_159, %scan3A_124 : i32
      %add3A_161 = arith.constant 2 : i32
      %add3A_162 = arith.addi %mul3A_160, %add3A_161 : i32
      %dma_wait3A_163 = arith.constant 0 : i32
      %dma_wait3A_164 = tpu.memref_slice %arg8[%add3A_162, %dma_wait3A_163] : memref<80x128xi32, #tpu.memory_space<vmem>> -> memref<1x128xi32, #tpu.memory_space<vmem>>
      %dma_wait3A_165 = tpu.memref_squeeze %dma_wait3A_164 : memref<1x128xi32, #tpu.memory_space<vmem>> -> memref<128xi32, #tpu.memory_space<vmem>>
      %dma_wait3A_166 = arith.constant 0 : i32
      %dma_wait3A_167 = arith.constant 0 : i32
      %dma_wait3A_168 = tpu.memref_slice %arg5[%dma_wait3A_166, %dma_wait3A_167] : memref<10000x128xf32, #tpu.memory_space<hbm>> -> memref<10000x128xf32, #tpu.memory_space<hbm>>
      tpu.wait_indirect_dma semaphore(%arg17 : memref<!tpu.dma_semaphore, #tpu.memory_space<semaphore_mem>>) src(%dma_wait3A_168 : memref<10000x128xf32, #tpu.memory_space<hbm>>) dst(%arg12 : memref<128x128xf32, #tpu.memory_space<vmem>>)
      "tpu.region"() ({
        %run_scoped3A = tpu.sem_alloc : memref<!tpu.dma_semaphore, #tpu.memory_space<semaphore_mem>>
        %dma_start3A_194 = arith.constant 0 : i32
        %dma_start3A_195 = tpu.memref_slice %arg9[%add3A_162, %dma_start3A_194] : memref<80x128xi32, #tpu.memory_space<vmem>> -> memref<1x128xi32, #tpu.memory_space<vmem>>
        %dma_start3A_196 = tpu.memref_squeeze %dma_start3A_195 : memref<1x128xi32, #tpu.memory_space<vmem>> -> memref<128xi32, #tpu.memory_space<vmem>>
        %dma_start3A_197 = arith.constant 0 : i32
        %dma_start3A_198 = arith.constant 0 : i32
        %dma_start3A_199 = tpu.memref_slice %arg14[%dma_start3A_197, %dma_start3A_198] : memref<5120x128xf32, #tpu.memory_space<vmem_shared>> -> memref<5120x128xf32, #tpu.memory_space<vmem_shared>>
        tpu.enqueue_indirect_dma source(%arg12 : memref<128x128xf32, #tpu.memory_space<vmem>>) target(%dma_start3A_199 : memref<5120x128xf32, #tpu.memory_space<vmem_shared>>) offsets(%dma_start3A_196 : memref<128xi32, #tpu.memory_space<vmem>>) semaphore(%run_scoped3A : memref<!tpu.dma_semaphore, #tpu.memory_space<semaphore_mem>>) {add = true}
        %dma_wait3A_200 = arith.constant 0 : i32
        %dma_wait3A_201 = tpu.memref_slice %arg9[%add3A_162, %dma_wait3A_200] : memref<80x128xi32, #tpu.memory_space<vmem>> -> memref<1x128xi32, #tpu.memory_space<vmem>>
        %dma_wait3A_202 = tpu.memref_squeeze %dma_wait3A_201 : memref<1x128xi32, #tpu.memory_space<vmem>> -> memref<128xi32, #tpu.memory_space<vmem>>
        %dma_wait3A_203 = arith.constant 0 : i32
        %dma_wait3A_204 = arith.constant 0 : i32
        %dma_wait3A_205 = tpu.memref_slice %arg14[%dma_wait3A_203, %dma_wait3A_204] : memref<5120x128xf32, #tpu.memory_space<vmem_shared>> -> memref<5120x128xf32, #tpu.memory_space<vmem_shared>>
        tpu.wait_indirect_dma semaphore(%run_scoped3A : memref<!tpu.dma_semaphore, #tpu.memory_space<semaphore_mem>>) src(%arg12 : memref<128x128xf32, #tpu.memory_space<vmem>>) dst(%dma_wait3A_205 : memref<5120x128xf32, #tpu.memory_space<vmem_shared>>)
        tpu.yield
      }) : () -> ()
      %add3A_169 = arith.constant 4 : i32
      %add3A_170 = arith.addi %add3A_162, %add3A_169 : i32
      %lt3A_171 = arith.constant 80 : i32
      %lt3A_172 = arith.cmpi slt, %add3A_170, %lt3A_171 : i32
      %convert_element_type3A_173 = arith.extui %lt3A_172 : i1 to i32
      %cond3A_174 = arith.constant 0 : i32
      %cond3A_175 = arith.cmpi ne, %convert_element_type3A_173, %cond3A_174 : i32
      scf.if %cond3A_175 {
        %add3A_194 = arith.constant 4 : i32
        %add3A_195 = arith.addi %add3A_162, %add3A_194 : i32
        %dma_start3A_196 = arith.constant 0 : i32
        %dma_start3A_197 = tpu.memref_slice %arg8[%add3A_195, %dma_start3A_196] : memref<80x128xi32, #tpu.memory_space<vmem>> -> memref<1x128xi32, #tpu.memory_space<vmem>>
        %dma_start3A_198 = tpu.memref_squeeze %dma_start3A_197 : memref<1x128xi32, #tpu.memory_space<vmem>> -> memref<128xi32, #tpu.memory_space<vmem>>
        %dma_start3A_199 = arith.constant 0 : i32
        %dma_start3A_200 = arith.constant 0 : i32
        %dma_start3A_201 = tpu.memref_slice %arg5[%dma_start3A_199, %dma_start3A_200] : memref<10000x128xf32, #tpu.memory_space<hbm>> -> memref<10000x128xf32, #tpu.memory_space<hbm>>
        tpu.enqueue_indirect_dma source(%dma_start3A_201 : memref<10000x128xf32, #tpu.memory_space<hbm>>) target(%arg12 : memref<128x128xf32, #tpu.memory_space<vmem>>) offsets(%dma_start3A_198 : memref<128xi32, #tpu.memory_space<vmem>>) semaphore(%arg17 : memref<!tpu.dma_semaphore, #tpu.memory_space<semaphore_mem>>)
      } else {
      }
      %mul3A_176 = arith.constant 4 : i32
      %mul3A_177 = arith.muli %mul3A_176, %scan3A_124 : i32
      %add3A_178 = arith.constant 3 : i32
      %add3A_179 = arith.addi %mul3A_177, %add3A_178 : i32
      %dma_wait3A_180 = arith.constant 0 : i32
      %dma_wait3A_181 = tpu.memref_slice %arg8[%add3A_179, %dma_wait3A_180] : memref<80x128xi32, #tpu.memory_space<vmem>> -> memref<1x128xi32, #tpu.memory_space<vmem>>
      %dma_wait3A_182 = tpu.memref_squeeze %dma_wait3A_181 : memref<1x128xi32, #tpu.memory_space<vmem>> -> memref<128xi32, #tpu.memory_space<vmem>>
      %dma_wait3A_183 = arith.constant 0 : i32
      %dma_wait3A_184 = arith.constant 0 : i32
      %dma_wait3A_185 = tpu.memref_slice %arg5[%dma_wait3A_183, %dma_wait3A_184] : memref<10000x128xf32, #tpu.memory_space<hbm>> -> memref<10000x128xf32, #tpu.memory_space<hbm>>
      tpu.wait_indirect_dma semaphore(%arg18 : memref<!tpu.dma_semaphore, #tpu.memory_space<semaphore_mem>>) src(%dma_wait3A_185 : memref<10000x128xf32, #tpu.memory_space<hbm>>) dst(%arg13 : memref<128x128xf32, #tpu.memory_space<vmem>>)
      "tpu.region"() ({
        %run_scoped3A = tpu.sem_alloc : memref<!tpu.dma_semaphore, #tpu.memory_space<semaphore_mem>>
        %dma_start3A_194 = arith.constant 0 : i32
        %dma_start3A_195 = tpu.memref_slice %arg9[%add3A_179, %dma_start3A_194] : memref<80x128xi32, #tpu.memory_space<vmem>> -> memref<1x128xi32, #tpu.memory_space<vmem>>
        %dma_start3A_196 = tpu.memref_squeeze %dma_start3A_195 : memref<1x128xi32, #tpu.memory_space<vmem>> -> memref<128xi32, #tpu.memory_space<vmem>>
        %dma_start3A_197 = arith.constant 0 : i32
        %dma_start3A_198 = arith.constant 0 : i32
        %dma_start3A_199 = tpu.memref_slice %arg14[%dma_start3A_197, %dma_start3A_198] : memref<5120x128xf32, #tpu.memory_space<vmem_shared>> -> memref<5120x128xf32, #tpu.memory_space<vmem_shared>>
        tpu.enqueue_indirect_dma source(%arg13 : memref<128x128xf32, #tpu.memory_space<vmem>>) target(%dma_start3A_199 : memref<5120x128xf32, #tpu.memory_space<vmem_shared>>) offsets(%dma_start3A_196 : memref<128xi32, #tpu.memory_space<vmem>>) semaphore(%run_scoped3A : memref<!tpu.dma_semaphore, #tpu.memory_space<semaphore_mem>>) {add = true}
        %dma_wait3A_200 = arith.constant 0 : i32
        %dma_wait3A_201 = tpu.memref_slice %arg9[%add3A_179, %dma_wait3A_200] : memref<80x128xi32, #tpu.memory_space<vmem>> -> memref<1x128xi32, #tpu.memory_space<vmem>>
        %dma_wait3A_202 = tpu.memref_squeeze %dma_wait3A_201 : memref<1x128xi32, #tpu.memory_space<vmem>> -> memref<128xi32, #tpu.memory_space<vmem>>
        %dma_wait3A_203 = arith.constant 0 : i32
        %dma_wait3A_204 = arith.constant 0 : i32
        %dma_wait3A_205 = tpu.memref_slice %arg14[%dma_wait3A_203, %dma_wait3A_204] : memref<5120x128xf32, #tpu.memory_space<vmem_shared>> -> memref<5120x128xf32, #tpu.memory_space<vmem_shared>>
        tpu.wait_indirect_dma semaphore(%run_scoped3A : memref<!tpu.dma_semaphore, #tpu.memory_space<semaphore_mem>>) src(%arg13 : memref<128x128xf32, #tpu.memory_space<vmem>>) dst(%dma_wait3A_205 : memref<5120x128xf32, #tpu.memory_space<vmem_shared>>)
        tpu.yield
      }) : () -> ()
      %add3A_186 = arith.constant 4 : i32
      %add3A_187 = arith.addi %add3A_179, %add3A_186 : i32
      %lt3A_188 = arith.constant 80 : i32
      %lt3A_189 = arith.cmpi slt, %add3A_187, %lt3A_188 : i32
      %convert_element_type3A_190 = arith.extui %lt3A_189 : i1 to i32
      %cond3A_191 = arith.constant 0 : i32
      %cond3A_192 = arith.cmpi ne, %convert_element_type3A_190, %cond3A_191 : i32
      scf.if %cond3A_192 {
        %add3A_194 = arith.constant 4 : i32
        %add3A_195 = arith.addi %add3A_179, %add3A_194 : i32
        %dma_start3A_196 = arith.constant 0 : i32
        %dma_start3A_197 = tpu.memref_slice %arg8[%add3A_195, %dma_start3A_196] : memref<80x128xi32, #tpu.memory_space<vmem>> -> memref<1x128xi32, #tpu.memory_space<vmem>>
        %dma_start3A_198 = tpu.memref_squeeze %dma_start3A_197 : memref<1x128xi32, #tpu.memory_space<vmem>> -> memref<128xi32, #tpu.memory_space<vmem>>
        %dma_start3A_199 = arith.constant 0 : i32
        %dma_start3A_200 = arith.constant 0 : i32
        %dma_start3A_201 = tpu.memref_slice %arg5[%dma_start3A_199, %dma_start3A_200] : memref<10000x128xf32, #tpu.memory_space<hbm>> -> memref<10000x128xf32, #tpu.memory_space<hbm>>
        tpu.enqueue_indirect_dma source(%dma_start3A_201 : memref<10000x128xf32, #tpu.memory_space<hbm>>) target(%arg13 : memref<128x128xf32, #tpu.memory_space<vmem>>) offsets(%dma_start3A_198 : memref<128xi32, #tpu.memory_space<vmem>>) semaphore(%arg18 : memref<!tpu.dma_semaphore, #tpu.memory_space<semaphore_mem>>)
      } else {
      }
      %scan3A_193 = arith.constant 0 : i32
      scf.yield %scan3A_193 : i32
    }
    %scan3A_112 = arith.constant 20 : i32
    %barrier3A_113 = arith.constant 0 : index
    tpu.barrier barrier_id(%barrier3A_113)
    %lt3A_114 = arith.constant 15 : i32
    %lt3A_115 = arith.cmpi slt, %arg1, %lt3A_114 : i32
    %convert_element_type3A_116 = arith.extui %lt3A_115 : i1 to i32
    %cond3A_117 = arith.constant 0 : i32
    %cond3A_118 = arith.cmpi ne, %convert_element_type3A_116, %cond3A_117 : i32
    scf.if %cond3A_118 {
      %mul3A_124 = arith.constant 320 : i32
      %mul3A_125 = arith.muli %arg1, %mul3A_124 : i32
      %multiple_of3A_126 = tpu.assume_multiple %mul3A_125, 8 : i32
      %mul3A_127 = arith.constant 320 : i32
      %mul3A_128 = arith.muli %arg1, %mul3A_127 : i32
      %add3A_129 = arith.addi %mul3A_0, %mul3A_128 : i32
      %multiple_of3A_130 = tpu.assume_multiple %add3A_129, 8 : i32
      "tpu.region"() ({
        %run_scoped3A = tpu.sem_alloc : memref<!tpu.dma_semaphore, #tpu.memory_space<semaphore_mem>>
        %dma_start3A_131 = arith.constant 0 : i32
        %dma_start3A_132 = tpu.memref_slice %arg7[%multiple_of3A_130, %dma_start3A_131] : memref<10000x128xf32, #tpu.memory_space<hbm>> -> memref<320x128xf32, #tpu.memory_space<hbm>>
        %dma_start3A_133 = arith.constant 0 : i32
        %dma_start3A_134 = tpu.memref_slice %arg14[%multiple_of3A_126, %dma_start3A_133] : memref<5120x128xf32, #tpu.memory_space<vmem_shared>> -> memref<320x128xf32, #tpu.memory_space<vmem_shared>>
        tpu.enqueue_dma source(%dma_start3A_134 : memref<320x128xf32, #tpu.memory_space<vmem_shared>>) target(%dma_start3A_132 : memref<320x128xf32, #tpu.memory_space<hbm>>) target_semaphore(%run_scoped3A : memref<!tpu.dma_semaphore, #tpu.memory_space<semaphore_mem>>)
        %dma_wait3A = arith.constant 0 : i32
        %dma_wait3A_135 = tpu.memref_slice %arg7[%multiple_of3A_130, %dma_wait3A] : memref<10000x128xf32, #tpu.memory_space<hbm>> -> memref<320x128xf32, #tpu.memory_space<hbm>>
        %dma_wait3A_136 = arith.constant 0 : i32
        %dma_wait3A_137 = tpu.memref_slice %arg14[%multiple_of3A_126, %dma_wait3A_136] : memref<5120x128xf32, #tpu.memory_space<vmem_shared>> -> memref<320x128xf32, #tpu.memory_space<vmem_shared>>
        tpu.wait_dma2 semaphore(%run_scoped3A : memref<!tpu.dma_semaphore, #tpu.memory_space<semaphore_mem>>) src(%dma_wait3A_137 : memref<320x128xf32, #tpu.memory_space<vmem_shared>>) dst(%dma_wait3A_135 : memref<320x128xf32, #tpu.memory_space<hbm>>)
        tpu.yield
      }) : () -> ()
    } else {
    }
    %eq3A_119 = arith.constant 15 : i32
    %eq3A_120 = arith.cmpi eq, %arg1, %eq3A_119 : i32
    %convert_element_type3A_121 = arith.extui %eq3A_120 : i1 to i32
    %cond3A_122 = arith.constant 0 : i32
    %cond3A_123 = arith.cmpi ne, %convert_element_type3A_121, %cond3A_122 : i32
    scf.if %cond3A_123 {
      %add3A_124 = arith.constant 4800 : i32
      %add3A_125 = arith.addi %mul3A_0, %add3A_124 : i32
      %multiple_of3A_126 = tpu.assume_multiple %add3A_125, 8 : i32
      "tpu.region"() ({
        %run_scoped3A = tpu.sem_alloc : memref<!tpu.dma_semaphore, #tpu.memory_space<semaphore_mem>>
        %dma_start3A_127 = arith.constant 0 : i32
        %dma_start3A_128 = tpu.memref_slice %arg7[%multiple_of3A_126, %dma_start3A_127] : memref<10000x128xf32, #tpu.memory_space<hbm>> -> memref<200x128xf32, #tpu.memory_space<hbm>>
        %dma_start3A_129 = arith.constant 4800 : i32
        %dma_start3A_130 = arith.constant 0 : i32
        %dma_start3A_131 = tpu.memref_slice %arg14[%dma_start3A_129, %dma_start3A_130] : memref<5120x128xf32, #tpu.memory_space<vmem_shared>> -> memref<200x128xf32, #tpu.memory_space<vmem_shared>>
        tpu.enqueue_dma source(%dma_start3A_131 : memref<200x128xf32, #tpu.memory_space<vmem_shared>>) target(%dma_start3A_128 : memref<200x128xf32, #tpu.memory_space<hbm>>) target_semaphore(%run_scoped3A : memref<!tpu.dma_semaphore, #tpu.memory_space<semaphore_mem>>)
        %dma_wait3A = arith.constant 0 : i32
        %dma_wait3A_132 = tpu.memref_slice %arg7[%multiple_of3A_126, %dma_wait3A] : memref<10000x128xf32, #tpu.memory_space<hbm>> -> memref<200x128xf32, #tpu.memory_space<hbm>>
        %dma_wait3A_133 = arith.constant 4800 : i32
        %dma_wait3A_134 = arith.constant 0 : i32
        %dma_wait3A_135 = tpu.memref_slice %arg14[%dma_wait3A_133, %dma_wait3A_134] : memref<5120x128xf32, #tpu.memory_space<vmem_shared>> -> memref<200x128xf32, #tpu.memory_space<vmem_shared>>
        tpu.wait_dma2 semaphore(%run_scoped3A : memref<!tpu.dma_semaphore, #tpu.memory_space<semaphore_mem>>) src(%dma_wait3A_135 : memref<200x128xf32, #tpu.memory_space<vmem_shared>>) dst(%dma_wait3A_132 : memref<200x128xf32, #tpu.memory_space<hbm>>)
        tpu.yield
      }) : () -> ()
    } else {
    }
    return
  }
}

module attributes {stable_mosaic.version = 14 : i64} {
  func.func @_prescale_body(%arg0: i32, %arg1: memref<1000x256xf32, #tpu.memory_space<vmem>>, %arg2: memref<1000x128xf32, #tpu.memory_space<vmem>>, %arg3: memref<1000x128xf32, #tpu.memory_space<vmem>>, %arg4: memref<1000x128xf32, #tpu.memory_space<vmem>>) attributes {dimension_semantics = [#tpu.dimension_semantics<arbitrary>], iteration_bounds = array<i64: 10>, scalar_prefetch = 0 : i64, scratch_operands = 0 : i64, tpu.core_type = #tpu.core_type<tc>, window_params = [{transform_indices = @transform_0, window_bounds = array<i64: 1000, 256>}, {transform_indices = @transform_1, window_bounds = array<i64: 1000, 128>}, {transform_indices = @transform_2, window_bounds = array<i64: 1000, 128>}, {transform_indices = @transform_3, window_bounds = array<i64: 1000, 128>}]} {
    %get3A = arith.constant 0 : index
    %get3A_0 = arith.constant 0 : index
    %get3A_1 = vector.load %arg2[%get3A, %get3A_0] : memref<1000x128xf32, #tpu.memory_space<vmem>>, vector<1000x1xf32>
    %add3A = arith.constant 1.000000e+00 : f32
    %add3A_2 = vector.broadcast %add3A : f32 to vector<1000x1xf32>
    %add3A_3 = arith.addf %add3A_2, %get3A_1 : vector<1000x1xf32>
    %rsqrt3A = math.rsqrt %add3A_3 : vector<1000x1xf32>
    %get3A_4 = arith.constant 0 : index
    %get3A_5 = arith.constant 0 : index
    %get3A_6 = vector.load %arg1[%get3A_4, %get3A_5] : memref<1000x256xf32, #tpu.memory_space<vmem>>, vector<1000x256xf32>
    %mul3A = vector.broadcast %rsqrt3A : vector<1000x1xf32> to vector<1000x256xf32>
    %mul3A_7 = arith.mulf %get3A_6, %mul3A : vector<1000x256xf32>
    %slice3A = vector.extract_strided_slice %mul3A_7 {offsets = [0, 0], sizes = [1000, 128], strides = [1, 1]} : vector<1000x256xf32> to vector<1000x128xf32>
    %swap3A = arith.constant 0 : index
    %swap3A_8 = arith.constant 0 : index
    %swap3A_9 = vector.load %arg3[%swap3A, %swap3A_8] : memref<1000x128xf32, #tpu.memory_space<vmem>>, vector<1000x128xf32>
    tpu.vector_store %arg3[%swap3A, %swap3A_8], %slice3A {strides = array<i32>} : memref<1000x128xf32, #tpu.memory_space<vmem>>, vector<1000x128xf32>,
    %slice3A_10 = vector.extract_strided_slice %mul3A_7 {offsets = [0, 128], sizes = [1000, 128], strides = [1, 1]} : vector<1000x256xf32> to vector<1000x128xf32>
    %swap3A_11 = arith.constant 0 : index
    %swap3A_12 = arith.constant 0 : index
    %swap3A_13 = vector.load %arg4[%swap3A_11, %swap3A_12] : memref<1000x128xf32, #tpu.memory_space<vmem>>, vector<1000x128xf32>
    tpu.vector_store %arg4[%swap3A_11, %swap3A_12], %slice3A_10 {strides = array<i32>} : memref<1000x128xf32, #tpu.memory_space<vmem>>, vector<1000x128xf32>,
    return
  }
  func.func @transform_0(%arg0: i32) -> (i32, i32) {
    %c0_i32 = arith.constant 0 : i32
    %c0_i32_0 = arith.constant 0 : i32
    return %arg0, %c0_i32 : i32, i32
  }
  func.func @transform_1(%arg0: i32) -> (i32, i32) {
    %c0_i32 = arith.constant 0 : i32
    %c0_i32_0 = arith.constant 0 : i32
    return %arg0, %c0_i32 : i32, i32
  }
  func.func @transform_2(%arg0: i32) -> (i32, i32) {
    %c0_i32 = arith.constant 0 : i32
    %c0_i32_0 = arith.constant 0 : i32
    return %arg0, %c0_i32 : i32, i32
  }
  func.func @transform_3(%arg0: i32) -> (i32, i32) {
    %c0_i32 = arith.constant 0 : i32
    %c0_i32_0 = arith.constant 0 : i32
    return %arg0, %c0_i32 : i32, i32
  }
}

module attributes {stable_mosaic.version = 14 : i64} {
  func.func @_dense_body(%arg0: i32, %arg1: memref<1000x128xf32, #tpu.memory_space<vmem>>, %arg2: memref<1000x128xf32, #tpu.memory_space<vmem>>, %arg3: memref<1000x128xf32, #tpu.memory_space<vmem>>, %arg4: memref<1000x128xf32, #tpu.memory_space<vmem>>, %arg5: memref<1000x128xf32, #tpu.memory_space<vmem>>, %arg6: memref<256x512xf32, #tpu.memory_space<vmem>>, %arg7: memref<1x512xf32, #tpu.memory_space<vmem>>, %arg8: memref<512x512xf32, #tpu.memory_space<vmem>>, %arg9: memref<1x512xf32, #tpu.memory_space<vmem>>, %arg10: memref<1536x512xf32, #tpu.memory_space<vmem>>, %arg11: memref<1x1536xf32, #tpu.memory_space<vmem>>, %arg12: memref<256x512xf32, #tpu.memory_space<vmem>>, %arg13: memref<1x256xf32, #tpu.memory_space<vmem>>, %arg14: memref<1000x256xf32, #tpu.memory_space<vmem>>) attributes {dimension_semantics = [#tpu.dimension_semantics<arbitrary>], iteration_bounds = array<i64: 10>, scalar_prefetch = 0 : i64, scratch_operands = 0 : i64, tpu.core_type = #tpu.core_type<tc>, window_params = [{transform_indices = @transform_0, window_bounds = array<i64: 1000, 128>}, {transform_indices = @transform_1, window_bounds = array<i64: 1000, 128>}, {transform_indices = @transform_2, window_bounds = array<i64: 1000, 128>}, {transform_indices = @transform_3, window_bounds = array<i64: 1000, 128>}, {transform_indices = @transform_4, window_bounds = array<i64: 1000, 128>}, {pipeline_mode = #tpu.pipeline_mode<synchronous>, transform_indices = @transform_5, window_bounds = array<i64: 256, 512>}, {pipeline_mode = #tpu.pipeline_mode<synchronous>, transform_indices = @transform_6, window_bounds = array<i64: 1, 512>}, {pipeline_mode = #tpu.pipeline_mode<synchronous>, transform_indices = @transform_7, window_bounds = array<i64: 512, 512>}, {pipeline_mode = #tpu.pipeline_mode<synchronous>, transform_indices = @transform_8, window_bounds = array<i64: 1, 512>}, {pipeline_mode = #tpu.pipeline_mode<synchronous>, transform_indices = @transform_9, window_bounds = array<i64: 1536, 512>}, {pipeline_mode = #tpu.pipeline_mode<synchronous>, transform_indices = @transform_10, window_bounds = array<i64: 1, 1536>}, {pipeline_mode = #tpu.pipeline_mode<synchronous>, transform_indices = @transform_11, window_bounds = array<i64: 256, 512>}, {pipeline_mode = #tpu.pipeline_mode<synchronous>, transform_indices = @transform_12, window_bounds = array<i64: 1, 256>}, {transform_indices = @transform_13, window_bounds = array<i64: 1000, 256>}]} {
    %get3A = arith.constant 0 : index
    %get3A_0 = arith.constant 0 : index
    %get3A_1 = vector.load %arg5[%get3A, %get3A_0] : memref<1000x128xf32, #tpu.memory_space<vmem>>, vector<1000x1xf32>
    %add3A = arith.constant 1.000000e+00 : f32
    %add3A_2 = vector.broadcast %add3A : f32 to vector<1000x1xf32>
    %add3A_3 = arith.addf %add3A_2, %get3A_1 : vector<1000x1xf32>
    %rsqrt3A = math.rsqrt %add3A_3 : vector<1000x1xf32>
    %get3A_4 = arith.constant 0 : index
    %get3A_5 = arith.constant 0 : index
    %get3A_6 = vector.load %arg1[%get3A_4, %get3A_5] : memref<1000x128xf32, #tpu.memory_space<vmem>>, vector<1000x128xf32>
    %get3A_7 = arith.constant 0 : index
    %get3A_8 = arith.constant 0 : index
    %get3A_9 = vector.load %arg3[%get3A_7, %get3A_8] : memref<1000x128xf32, #tpu.memory_space<vmem>>, vector<1000x128xf32>
    %add3A_10 = arith.addf %get3A_6, %get3A_9 : vector<1000x128xf32>
    %get3A_11 = arith.constant 0 : index
    %get3A_12 = arith.constant 0 : index
    %get3A_13 = vector.load %arg2[%get3A_11, %get3A_12] : memref<1000x128xf32, #tpu.memory_space<vmem>>, vector<1000x128xf32>
    %get3A_14 = arith.constant 0 : index
    %get3A_15 = arith.constant 0 : index
    %get3A_16 = vector.load %arg4[%get3A_14, %get3A_15] : memref<1000x128xf32, #tpu.memory_space<vmem>>, vector<1000x128xf32>
    %add3A_17 = arith.addf %get3A_13, %get3A_16 : vector<1000x128xf32>
    %concatenate3A = tpu.concatenate %add3A_10, %add3A_17 in 1 : vector<1000x128xf32>, vector<1000x128xf32> -> vector<1000x256xf32>
    %mul3A = vector.broadcast %rsqrt3A : vector<1000x1xf32> to vector<1000x256xf32>
    %mul3A_18 = arith.mulf %concatenate3A, %mul3A : vector<1000x256xf32>
    %get3A_19 = arith.constant 0 : index
    %get3A_20 = arith.constant 0 : index
    %get3A_21 = vector.load %arg6[%get3A_19, %get3A_20] : memref<256x512xf32, #tpu.memory_space<vmem>>, vector<256x512xf32>
    %dot_general3A = arith.constant dense<0.000000e+00> : vector<1000x512xf32>
    %dot_general3A_22 = tpu.matmul %mul3A_18, %get3A_21, %dot_general3A {dimension_numbers = #tpu.dot_dimension_numbers<[1], [0], [0], [1], [0, 0, 1, 1], [], []>, transpose_lhs_hint = false} : vector<1000x256xf32>, vector<256x512xf32>, vector<1000x512xf32> -> vector<1000x512xf32>
    %get3A_23 = arith.constant 0 : index
    %get3A_24 = arith.constant 0 : index
    %get3A_25 = vector.load %arg7[%get3A_23, %get3A_24] : memref<1x512xf32, #tpu.memory_space<vmem>>, vector<1x512xf32>
    %add3A_26 = vector.broadcast %get3A_25 : vector<1x512xf32> to vector<1000x512xf32>
    %add3A_27 = arith.addf %dot_general3A_22, %add3A_26 : vector<1000x512xf32>
    %max3A = arith.constant 0.000000e+00 : f32
    %max3A_28 = vector.broadcast %max3A : f32 to vector<1000x512xf32>
    %max3A_29 = arith.maximumf %add3A_27, %max3A_28 : vector<1000x512xf32>
    %get3A_30 = arith.constant 0 : index
    %get3A_31 = arith.constant 0 : index
    %get3A_32 = vector.load %arg8[%get3A_30, %get3A_31] : memref<512x512xf32, #tpu.memory_space<vmem>>, vector<512x512xf32>
    %dot_general3A_33 = arith.constant dense<0.000000e+00> : vector<1000x512xf32>
    %dot_general3A_34 = tpu.matmul %max3A_29, %get3A_32, %dot_general3A_33 {dimension_numbers = #tpu.dot_dimension_numbers<[1], [1], [0], [0], [0, 0, 1, 0], [], []>, transpose_lhs_hint = false} : vector<1000x512xf32>, vector<512x512xf32>, vector<1000x512xf32> -> vector<1000x512xf32>
    %add3A_35 = arith.addf %max3A_29, %dot_general3A_34 : vector<1000x512xf32>
    %get3A_36 = arith.constant 0 : index
    %get3A_37 = arith.constant 0 : index
    %get3A_38 = vector.load %arg9[%get3A_36, %get3A_37] : memref<1x512xf32, #tpu.memory_space<vmem>>, vector<1x512xf32>
    %add3A_39 = vector.broadcast %get3A_38 : vector<1x512xf32> to vector<1000x512xf32>
    %add3A_40 = arith.addf %add3A_35, %add3A_39 : vector<1000x512xf32>
    %get3A_41 = arith.constant 0 : index
    %get3A_42 = arith.constant 0 : index
    %get3A_43 = vector.load %arg10[%get3A_41, %get3A_42] : memref<1536x512xf32, #tpu.memory_space<vmem>>, vector<1536x512xf32>
    %dot_general3A_44 = arith.constant dense<0.000000e+00> : vector<1000x1536xf32>
    %dot_general3A_45 = tpu.matmul %add3A_40, %get3A_43, %dot_general3A_44 {dimension_numbers = #tpu.dot_dimension_numbers<[1], [1], [0], [0], [0, 0, 1, 0], [], []>, transpose_lhs_hint = false} : vector<1000x512xf32>, vector<1536x512xf32>, vector<1000x1536xf32> -> vector<1000x1536xf32>
    %get3A_46 = arith.constant 0 : index
    %get3A_47 = arith.constant 0 : index
    %get3A_48 = vector.load %arg11[%get3A_46, %get3A_47] : memref<1x1536xf32, #tpu.memory_space<vmem>>, vector<1x1536xf32>
    %add3A_49 = vector.broadcast %get3A_48 : vector<1x1536xf32> to vector<1000x1536xf32>
    %add3A_50 = arith.addf %dot_general3A_45, %add3A_49 : vector<1000x1536xf32>
    %slice3A = vector.extract_strided_slice %add3A_50 {offsets = [0, 0], sizes = [1000, 512], strides = [1, 1]} : vector<1000x1536xf32> to vector<1000x512xf32>
    %slice3A_51 = vector.extract_strided_slice %add3A_50 {offsets = [0, 512], sizes = [1000, 512], strides = [1, 1]} : vector<1000x1536xf32> to vector<1000x512xf32>
    %slice3A_52 = vector.extract_strided_slice %add3A_50 {offsets = [0, 1024], sizes = [1000, 512], strides = [1, 1]} : vector<1000x1536xf32> to vector<1000x512xf32>
    %logistic3A = arith.negf %slice3A : vector<1000x512xf32>
    %logistic3A_53 = math.exp %logistic3A : vector<1000x512xf32>
    %logistic3A_54 = arith.constant 1.000000e+00 : f32
    %logistic3A_55 = vector.broadcast %logistic3A_54 : f32 to vector<1000x512xf32>
    %logistic3A_56 = arith.addf %logistic3A_55, %logistic3A_53 : vector<1000x512xf32>
    %logistic3A_57 = arith.divf %logistic3A_55, %logistic3A_56 : vector<1000x512xf32>
    %tanh3A = math.tanh %slice3A_51 : vector<1000x512xf32>
    %mul3A_58 = arith.mulf %logistic3A_57, %tanh3A : vector<1000x512xf32>
    %logistic3A_59 = arith.negf %slice3A_52 : vector<1000x512xf32>
    %logistic3A_60 = math.exp %logistic3A_59 : vector<1000x512xf32>
    %logistic3A_61 = arith.constant 1.000000e+00 : f32
    %logistic3A_62 = vector.broadcast %logistic3A_61 : f32 to vector<1000x512xf32>
    %logistic3A_63 = arith.addf %logistic3A_62, %logistic3A_60 : vector<1000x512xf32>
    %logistic3A_64 = arith.divf %logistic3A_62, %logistic3A_63 : vector<1000x512xf32>
    %tanh3A_65 = math.tanh %mul3A_58 : vector<1000x512xf32>
    %mul3A_66 = arith.mulf %logistic3A_64, %tanh3A_65 : vector<1000x512xf32>
    %get3A_67 = arith.constant 0 : index
    %get3A_68 = arith.constant 0 : index
    %get3A_69 = vector.load %arg12[%get3A_67, %get3A_68] : memref<256x512xf32, #tpu.memory_space<vmem>>, vector<256x512xf32>
    %dot_general3A_70 = arith.constant dense<0.000000e+00> : vector<1000x256xf32>
    %dot_general3A_71 = tpu.matmul %mul3A_66, %get3A_69, %dot_general3A_70 {dimension_numbers = #tpu.dot_dimension_numbers<[1], [1], [0], [0], [0, 0, 1, 0], [], []>, transpose_lhs_hint = false} : vector<1000x512xf32>, vector<256x512xf32>, vector<1000x256xf32> -> vector<1000x256xf32>
    %get3A_72 = arith.constant 0 : index
    %get3A_73 = arith.constant 0 : index
    %get3A_74 = vector.load %arg13[%get3A_72, %get3A_73] : memref<1x256xf32, #tpu.memory_space<vmem>>, vector<1x256xf32>
    %add3A_75 = vector.broadcast %get3A_74 : vector<1x256xf32> to vector<1000x256xf32>
    %add3A_76 = arith.addf %dot_general3A_71, %add3A_75 : vector<1000x256xf32>
    %swap3A = arith.constant 0 : index
    %swap3A_77 = arith.constant 0 : index
    %swap3A_78 = vector.load %arg14[%swap3A, %swap3A_77] : memref<1000x256xf32, #tpu.memory_space<vmem>>, vector<1000x256xf32>
    tpu.vector_store %arg14[%swap3A, %swap3A_77], %add3A_76 {strides = array<i32>} : memref<1000x256xf32, #tpu.memory_space<vmem>>, vector<1000x256xf32>,
    return
  }
  func.func @transform_0(%arg0: i32) -> (i32, i32) {
    %c0_i32 = arith.constant 0 : i32
    %c0_i32_0 = arith.constant 0 : i32
    return %arg0, %c0_i32 : i32, i32
  }
  func.func @transform_1(%arg0: i32) -> (i32, i32) {
    %c0_i32 = arith.constant 0 : i32
    %c0_i32_0 = arith.constant 0 : i32
    return %arg0, %c0_i32 : i32, i32
  }
  func.func @transform_2(%arg0: i32) -> (i32, i32) {
    %c0_i32 = arith.constant 0 : i32
    %c0_i32_0 = arith.constant 0 : i32
    return %arg0, %c0_i32 : i32, i32
  }
  func.func @transform_3(%arg0: i32) -> (i32, i32) {
    %c0_i32 = arith.constant 0 : i32
    %c0_i32_0 = arith.constant 0 : i32
    return %arg0, %c0_i32 : i32, i32
  }
  func.func @transform_4(%arg0: i32) -> (i32, i32) {
    %c0_i32 = arith.constant 0 : i32
    %c0_i32_0 = arith.constant 0 : i32
    return %arg0, %c0_i32 : i32, i32
  }
  func.func @transform_5(%arg0: i32) -> (i32, i32) {
    %c0_i32 = arith.constant 0 : i32
    %c0_i32_0 = arith.constant 0 : i32
    %c0_i32_1 = arith.constant 0 : i32
    return %c0_i32, %c0_i32_0 : i32, i32
  }
  func.func @transform_6(%arg0: i32) -> (i32, i32) {
    %c0_i32 = arith.constant 0 : i32
    %c0_i32_0 = arith.constant 0 : i32
    %c0_i32_1 = arith.constant 0 : i32
    return %c0_i32, %c0_i32_0 : i32, i32
  }
  func.func @transform_7(%arg0: i32) -> (i32, i32) {
    %c0_i32 = arith.constant 0 : i32
    %c0_i32_0 = arith.constant 0 : i32
    %c0_i32_1 = arith.constant 0 : i32
    return %c0_i32, %c0_i32_0 : i32, i32
  }
  func.func @transform_8(%arg0: i32) -> (i32, i32) {
    %c0_i32 = arith.constant 0 : i32
    %c0_i32_0 = arith.constant 0 : i32
    %c0_i32_1 = arith.constant 0 : i32
    return %c0_i32, %c0_i32_0 : i32, i32
  }
  func.func @transform_9(%arg0: i32) -> (i32, i32) {
    %c0_i32 = arith.constant 0 : i32
    %c0_i32_0 = arith.constant 0 : i32
    %c0_i32_1 = arith.constant 0 : i32
    return %c0_i32, %c0_i32_0 : i32, i32
  }
  func.func @transform_10(%arg0: i32) -> (i32, i32) {
    %c0_i32 = arith.constant 0 : i32
    %c0_i32_0 = arith.constant 0 : i32
    %c0_i32_1 = arith.constant 0 : i32
    return %c0_i32, %c0_i32_0 : i32, i32
  }
  func.func @transform_11(%arg0: i32) -> (i32, i32) {
    %c0_i32 = arith.constant 0 : i32
    %c0_i32_0 = arith.constant 0 : i32
    %c0_i32_1 = arith.constant 0 : i32
    return %c0_i32, %c0_i32_0 : i32, i32
  }
  func.func @transform_12(%arg0: i32) -> (i32, i32) {
    %c0_i32 = arith.constant 0 : i32
    %c0_i32_0 = arith.constant 0 : i32
    %c0_i32_1 = arith.constant 0 : i32
    return %c0_i32, %c0_i32_0 : i32, i32
  }
  func.func @transform_13(%arg0: i32) -> (i32, i32) {
    %c0_i32 = arith.constant 0 : i32
    %c0_i32_0 = arith.constant 0 : i32
    return %arg0, %c0_i32 : i32, i32
  }
}

</mosaic_0001>

<sc_bundles>
// kernel: kernel.6.cloned.1.call-start
scs
__scs_entry_jumppad:
0x0: {  	(pc) =	sbr.rel $0x88, $3  }
0x1: {  	(tag) =	ssettag $0x0;
	lr =	simm.s32 $0x1  }
0x2: {  	[smem:$0x3F96] =	sst lr;
	_ =	strace $0xD0000000  }
0x3: {  	_ = 	snop  }
0x4: {  	_ = 	snop  }
0x5: {  	_ = 	snop  }
0x6: {  	_ = 	snop  }
0x7: {  	_ = 	snop  }
__scs_overlays_trampoline_lowered:
0x8: {  	[smem:$0x3FA5] =	sst s0  }
0x9: {  	[smem:$0x3FA6] =	sst s1  }
0xa: {  	[smem:$0x3FA7] =	sst s2  }
0xb: {  	[smem:$0x3FA8] =	sst s3  }
0xc: {  	[smem:$0x3FA9] =	sst s4  }
0xd: {  	[smem:$0x3FAA] =	sst s5  }
0xe: {  	[smem:$0x3FAB] =	sst s6  }
0xf: {  	[smem:$0x3FAC] =	sst s7  }
0x10: {  	[smem:$0x3FAD] =	sst s8  }
0x11: {  	[smem:$0x3FAE] =	sst s9;
	s0 =	simm.s32 @!p0 $0x0  }
0x12: {  	s1 =	sld [smem:$0x3F94];
	s0 =	simm.s32 @p0 $0x1  }
0x13: {  	[smem:$0x3FAF] =	sst s0;
	s0 =	simm.s32 @!p1 $0x0  }
0x14: {  	s2 =	sld [smem:$0x3F93];
	s0 =	simm.s32 @p1 $0x1  }
0x15: {  	[smem:$0x3FB0] =	sst s0;
	s0 =	simm.s32 @!p2 $0x0  }
0x16: {  	s3 =	sld [smem:$0x3FDB];
	s0 =	simm.s32 @p2 $0x1  }
0x17: {  	s4 =	simm.s32 $0x1BF5;
	[smem:$0x3FB2] =	sst s0  }
0x18: {  	s0 =	sld [smem:$0x3F95];
	_ =	swait.ge [sflag:s4], $0x0  }
0x19: {  	s7 =	sld [smem:$0x3F96]  }
0x1a: {  	s8 =	sadd.s32 $0xFFFFE003, lr  }
0x1b: {  	s9 =	sadd.s32 $0xFFFFFEF7, lr;
	s5 =	simm.s32 $0xFFFFFFFF;
	p2 =	slt.u32 s8, $0xFFFFF086  }
0x1c: {  	p1 =	slt.u32 s9, $0xF7A;
	s5 =	simm.s32 @!p2 $0x0  }
0x1d: {  	s5 =	simm.s32 @p1 $0x1;
	p0 =	seq.s32 s7, s2  }
0x1e: {  	s7 =	smul.u32 @!p0 $0xF7A, s2;
	p2 =	seq.s32 @!p0 s5, $0x0  }
0x1f: {  	s9 =	smul.u32 $0xF7A, s1;
	s8 =	simm.s32 @!p0 $0x1BF5;
	p2 =	por !p2, p0  }
0x20: {  	[sflag:s8] =	ssyncset.s32 @!p0 $0xFFFFF086;
	s6 =	sadd.s32 @!p0 s3, s7;
	s7 =	simm.s32 @!p0 $0x108  }
0x21: {  	s3 =	sadd.s32 s3, s9;
	s6 =	sadd.s32 @!p0 $0x88, s6;
	s7 =	simm.s32 @p2 $0x1082  }
0x22: {  	[simem:s7], [sflag:s8] =	dma.local @!p0 [hbm:s6], $0xF7A  }
0x23: {  	s9 =	sor.u32 $0xD0000000, s2;
	s6 =	simm.s32 $0x108;
	_ =	swait.ge @!p0 [sflag:s8], $0x0  }
0x24: {  	s3 =	sadd.s32 $0x88, s3;
	s6 =	simm.s32 @!p1 $0x1082;
	[sflag:s4] =	ssyncset.s32 $0xFFFFF086  }
0x25: {  	[simem:s6], [sflag:s4] =	dma.local [hbm:s3], $0xF7A  }
0x26: {  	[smem:$0x3F96] =	sst s1;
	(tag) =	ssettag s2;
	_ =	strace s9  }
0x27: {  	s1 =	sld [smem:$0x3FA6]  }
0x28: {  	s2 =	sld [smem:$0x3FA7]  }
0x29: {  	s4 =	sld [smem:$0x3FA9]  }
0x2a: {  	p0 =	seq.s32 s5, $0x0;
	s5 =	sld [smem:$0x3FAA]  }
0x2b: {  	s6 =	sld [smem:$0x3FAB]  }
0x2c: {  	s7 =	sld [smem:$0x3FAC]  }
0x2d: {  	s3 =	simm.s32 $0x108;
	s8 =	sld [smem:$0x3FAD]  }
0x2e: {  	s3 =	simm.s32 @!p0 $0x1082;
	s9 =	sld [smem:$0x3FAE]  }
0x2f: {  	lr =	sadd.s32 s0, s3;
	s0 =	sld [smem:$0x3FA5]  }
0x30: {  	s3 =	sld [smem:$0x3FA8]  }
0x31: {  	[smem:$0x3FB1] =	sst s10  }
0x32: {  	s10 =	sld [smem:$0x3FAF];
	_ =	sdelay $0x3  }
0x33: {  	p0 =	seq.s32 s10, $0x1;
	s10 =	sld [smem:$0x3FB1];
	_ =	sdelay $0x3  }
0x34: {  	[smem:$0x3FB1] =	sst s10  }
0x35: {  	s10 =	sld [smem:$0x3FB0];
	_ =	sdelay $0x3  }
0x36: {  	p1 =	seq.s32 s10, $0x1;
	s10 =	sld [smem:$0x3FB1];
	_ =	sdelay $0x3  }
0x37: {  	[smem:$0x3FB1] =	sst s10  }
0x38: {  	s10 =	sld [smem:$0x3FB2]  }
0x39: {  	_ = 	snop;
	(pc) =	sbr.ind lr, $3  }
0x3a: {  	_ = 	snop  }
0x3b: {  	_ = 	snop  }
0x3c: {  	p2 =	seq.s32 s10, $0x1;
	s10 =	sld [smem:$0x3FB1]  }
0x3d: {  	_ =	shalt  }
0x3e: {  	_ =	shalt  }
0x3f: {  	_ =	shalt  }
0x40: {  	_ =	shalt  }
0x41: {  	_ =	shalt  }
0x42: {  	_ =	shalt  }
0x43: {  	_ =	shalt  }
0x44: {  	_ =	shalt  }
0x45: {  	_ =	shalt  }
0x46: {  	_ =	shalt  }
0x47: {  	_ =	shalt  }
0x48: {  	_ =	shalt  }
0x49: {  	_ =	shalt  }
0x4a: {  	_ =	shalt  }
0x4b: {  	_ =	shalt  }
0x4c: {  	_ =	shalt  }
0x4d: {  	_ =	shalt  }
0x4e: {  	_ =	shalt  }
0x4f: {  	_ =	shalt  }
0x50: {  	_ =	shalt  }
0x51: {  	_ =	shalt  }
0x52: {  	_ =	shalt  }
0x53: {  	_ =	shalt  }
0x54: {  	_ =	shalt  }
0x55: {  	_ =	shalt  }
0x56: {  	_ =	shalt  }
0x57: {  	_ =	shalt  }
0x58: {  	_ =	shalt  }
0x59: {  	_ =	shalt  }
0x5a: {  	_ =	shalt  }
0x5b: {  	_ =	shalt  }
0x5c: {  	_ =	shalt  }
0x5d: {  	_ =	shalt  }
0x5e: {  	_ =	shalt  }
0x5f: {  	_ =	shalt  }
0x60: {  	_ =	shalt  }
0x61: {  	_ =	shalt  }
0x62: {  	_ =	shalt  }
0x63: {  	_ =	shalt  }
0x64: {  	_ =	shalt  }
0x65: {  	_ =	shalt  }
0x66: {  	_ =	shalt  }
0x67: {  	_ =	shalt  }
0x68: {  	_ =	shalt  }
0x69: {  	_ =	shalt  }
0x6a: {  	_ =	shalt  }
0x6b: {  	_ =	shalt  }
0x6c: {  	_ =	shalt  }
0x6d: {  	_ =	shalt  }
0x6e: {  	_ =	shalt  }
0x6f: {  	_ =	shalt  }
0x70: {  	_ =	shalt  }
0x71: {  	_ =	shalt  }
0x72: {  	_ =	shalt  }
0x73: {  	_ =	shalt  }
0x74: {  	_ =	shalt  }
0x75: {  	_ =	shalt  }
0x76: {  	_ =	shalt  }
0x77: {  	_ =	shalt  }
0x78: {  	_ =	shalt  }
0x79: {  	_ =	shalt  }
0x7a: {  	_ =	shalt  }
0x7b: {  	_ =	shalt  }
0x7c: {  	_ =	shalt  }
0x7d: {  	_ =	shalt  }
0x7e: {  	_ =	shalt  }
0x7f: {  	_ =	shalt  }
0x80: {  	_ =	shalt  }
0x81: {  	_ =	shalt  }
0x82: {  	_ =	shalt  }
0x83: {  	_ =	shalt  }
0x84: {  	_ =	shalt  }
0x85: {  	_ =	shalt  }
0x86: {  	_ =	shalt  }
0x87: {  	_ =	shalt  }
.Lfunc_end0:
.L_simem_size_0:
called_computation_lowered:
.L_overlay_start_0:
0x88: {  	s2 =	sld [smem:$0x3FD9]  }
0x89: {  	s3 =	sld [smem:$0x3FFE];
	_ =	sdelay $0x1  }
0x8a: {  	s1 =	srdreg.scid  }
0x8b: {  	s0 =	sand.u32 $0x1, s1  }
0x8c: {  	s16 =	sshll.u32 s0, $0xA;
	s2 =	sadd.s32 s3, s2  }
0x8d: {  	s2 =	sadd.s32 s2, s16  }
0x8e: {  	[smem:$0x3FBD] =	sst s2  }
0x8f: {  	_ = 	snop  }
0x90: {  	(tm) =	ssettm $0x1  }
0x91: {  	s17 =	sld [smem:$0x3FFB];
	_ =	sdelay $0x3  }
0x92: {  	_ =	strace s17  }
0x93: {  	s2 =	sld [smem:$0x3FFC];
	_ =	sdelay $0x3  }
0x94: {  	_ =	strace s2  }
0x95: {  	s2 =	sld [smem:$0x3FFD];
	_ =	sdelay $0x3  }
0x96: {  	_ =	strace s2  }
0x97: {  	_ =	strace $0x8FFFFFFF  }
0x98: {  	s18 =	sld [smem:$0x3FDB];
	_ =	sdelay $0x1  }
0x99: {  	s19 =	simm.s32 $_scs_section_size  }
0x9a: {  	s4 =	simm.s32 $_size__tile_overlayer_lowered;
	s5 =	simm.s32 $_tile_overlayer_lowered  }
0x9b: {  	s22 =	simm.s32 $0x1BFF;
	s21 =	sshll.u32 s5, $0x1;
	s2 =	sadd.s32 s19, s18  }
0x9c: {  	s6 =	simm.s32 $0x0;
	s20 =	sshll.u32 s4, $0x1;
	s4 =	sadd.s32 s21, s2  }
0x9d: {  	[timem:s6], [sflag:s22] =	dma.local [hbm:s4], s20  }
0x9e: {  	_ =	swait.ge [sflag:s22], s20  }
0x9f: {  	s3 =	ssub.s32 $0x0, s20;
	[sflag:s22] =	ssyncset.done $0x0  }
0xa0: {  	[sflag:s22] =	ssyncadd.s32 s3;
	_ =	sdelay $0x1  }
0xa1: {  	s23 =	simm.s32 $0x1B8B  }
0xa2: {  	_ =	swait.ge [sflag:s23], $0x1  }
0xa3: {  	[sflag:s23] =	ssyncset.done $0x0  }
0xa4: {  	s25 =	simm.s32 $0x1B8E;
	s24 =	sld [smem:$0x3FFE];
	[sflag:s23] =	ssyncadd.s32 $0xFFFFFFFF  }
0xa5: {  	s26 =	simm.s32 $execute0_lowered;
	[smem:$0x3FD2] =	sst s25  }
0xa6: {  	s4 =	sshll.u32 s26, $0x1;
	_ =	strace $0x80000046;
	[dreg:$0x1] =	wrdreg $0xFFFFFFFF  }
0xa7: {  	s28 =	simm.s32 $_size_execute0_lowered;
	s2 =	sadd.s32 s2, s4;
	[dreg:$0x0] =	wrdreg $0x0  }
0xa8: {  	s4 =	sshll.u32 s28, $0x1;
	[dreg:$0x2] =	wrdreg s2  }
0xa9: {  	[dreg:$0x3] =	wrdreg s4  }
0xaa: {  	[dreg:$0x4] =	wrdreg $0xC0  }
0xab: {  	_ =	task [dreg:s6], $0x5FFFF  }
0xac: {  	[dreg:$0x1] =	wrdreg $0xFFFFFFFF  }
0xad: {  	[dreg:$0x0] =	wrdreg $0x60  }
0xae: {  	[dreg:$0x2] =	wrdreg s24  }
0xaf: {  	[dreg:$0x3] =	wrdreg $0xB8000  }
0xb0: {  	[dreg:$0x4] =	wrdreg $0x9  }
0xb1: {  	_ =	task.clear_ibuf [dreg:s6], $0x5FFFF;
	_ =	strace $0x90000046  }
0xb2: {  	s29 =	simm.s32 $0x9;
	_ =	strace $0x80000048  }
0xb3: {  	_ =	swait.ge [sflag:s29], $0x1  }
0xb4: {  	[sflag:s29] =	ssyncadd.s32 $0xFFFFFFFF  }
0xb5: {  	_ =	strace $0x90000048  }
0xb6: {  	_ =	sfence  }
0xb7: {  	s30 =	sld [smem:$0x0];
	_ =	sdelay $0x2  }
0xb8: {  	s31 =	sshll.u32 s1, $0xD;
	s1 =	sshrl.u32 s1, $0x2  }
0xb9: {  	s3 =	sand.u32 $0x4000, s31;
	s1 =	sadd.s32 s1, s30  }
0xba: {  	s0 =	sor.u32 s3, s0;
	s1 =	sshll.u32 s1, $0x11  }
0xbb: {  	s0 =	sor.u32 s1, s0  }
0xbc: {  	s0 =	sadd.s32 $0x8F2B, s0  }
0xbd: {  	[sflag:s0] =	ssyncadd.remote.s32 $0x1  }
0xbe: {  	_ =	sfence.sel $0xFFFF  }
0xbf: {  	[dreg:$0x0] =	wrdreg $0xFFFFFFFF;
	(pc) =	sbr.abs _section_cstart, $3  }
0xc0: {  	[dreg:$0x1] =	wrdreg $0xFFFFFFFF  }
0xc1: {  	_ =	task.clear_ibuf [dreg:s6], $0x2FFFF;
	_ =	strace $0x9FFFFFFF  }
0xc2: {  	(tm) =	ssettm $0x7FFFFFFF  }
0xc3: {  	_ =	shalt  }
tec
execute0_lowered:
.L_overlay_start_1:
0x0: {  	(tag) =	ssettag $0x1  }
0x1: {  	s4 =	rddreg [dreg:$0x0]  }
0x2: {  	s2 =	rddreg [dreg:$0x1]  }
0x3: {  	s0 =	rddreg [dreg:$0x2];
	s1 =	stileid.u32  }
0x4: {  	s5 =	srdreg.scid;
	s3 =	simm.s32 $0x0;
	s6 =	smul.u32 $0x500, s1  }
0x5: {  	s13 =	simm.s32 $0x2800;
	s5 =	sand.u32 $0x1, s5;
	s7 =	smul.u32 $0x28000, s1  }
0x6: {  	[smem:$0x7FF] =	sst s3;
	s8 =	sadd.s32 $0xCC00, s4;
	s9 =	smul.u32 $0x140, s1  }
0x7: {  	s14 =	sadd.s32 $0x96000, s2;
	p0 =	seq.s32 s1, $0xF;
	s12 =	smul.u32 $0x1388, s5  }
0x8: {  	_ =	strace $0x80000047;
	s29 =	ssub.s32 $0x2, s5;
	s11 =	smul.u32 $0x9C400, s5  }
0x9: {  	s14 =	sshrl.u32 @p0 s14, $0x3;
	s10 =	sshrl.u32 s29, $0x1;
	s7 =	sshrl.u32 s7, $0x2  }
0xa: {  	s6 =	sadd.s32 s6, s4;
	s10 =	ssub.s32 s29, s10;
	s4 =	sadd.s32 s7, s2  }
0xb: {  	s30 =	sadd.s32 s9, s12;
	s31 =	sshrl.u32 s11, $0x3;
	s6 =	sadd.s32 $0x2C00, s6  }
0xc: {  	s11 =	simm.s32 $0x1;
	v0 =	vmov s12;
	s12 =	simm.s32 $0x80;
	s7 =	sshll.u32 s30, $0x4  }
0xd: {  	s5 =	sadd.s32 $0x5000, s4;
	s7 =	sadd.s32 s8, s7;
	s8 =	sadd.s32 s8, s31  }
0xe: {  	v1 =	vimm.f32 $0.0e+00;
	v2 =	vimm.f32 $1.000000000e+00;
	s9 =	smax.u32 s10, $0x1;
	s10 =	simm.s32 $0x6800;
	s8 =	sadd.s32 $0x12C00, s8  }
.LBB2_1:
0xf: {  	s15 =	simm.s32 $0x0;
	s16 =	simm.s32 $0x200  }
.LBB2_2:
0x10: {  	p1 =	sne.s32 s16, $0x13E00;
	[tilespmem:s15+$0x6870] =	vst v1  }
0x11: {  	[tilespmem:s15+$0x6800] =	vst v1  }
0x12: {  	[tilespmem:s15+$0x6810] =	vst v1  }
.Ltmp0:
0x13: {  	[tilespmem:s15+$0x6820] =	vst v1;
	(pc) =	sbr.rel @p1 .LBB2_2-.Ltmp0, $4  }
0x14: {  	[tilespmem:s15+$0x6830] =	vst v1  }
0x15: {  	[tilespmem:s15+$0x6840] =	vst v1  }
0x16: {  	[tilespmem:s15+$0x6850] =	vst v1  }
0x17: {  	[tilespmem:s15+$0x6860] =	vst v1;
	s15 =	sshra.s32 s16, $0x2;
	s16 =	sadd.s32 $0x200, s16  }
0x18: {  	[tilespmem:s15+$0x6870] =	vst v1  }
0x19: {  	[tilespmem:s15+$0x6800] =	vst v1  }
0x1a: {  	[tilespmem:s15+$0x6810] =	vst v1  }
0x1b: {  	[tilespmem:s15+$0x6820] =	vst v1  }
0x1c: {  	[tilespmem:s15+$0x6830] =	vst v1  }
0x1d: {  	[tilespmem:s15+$0x6840] =	vst v1  }
0x1e: {  	[tilespmem:s15+$0x6850] =	vst v1  }
0x1f: {  	[tilespmem:s15+$0x6860] =	vst v1;
	s15 =	simm.s32 $0x0;
	s16 =	simm.s32 $0x200  }
.LBB2_4:
0x20: {  	p1 =	sne.s32 s16, $0xFE00;
	[tilespmem:s15+$0x2870] =	vst v2  }
0x21: {  	[tilespmem:s15+$0x2800] =	vst v2  }
0x22: {  	[tilespmem:s15+$0x2810] =	vst v2  }
.Ltmp1:
0x23: {  	[tilespmem:s15+$0x2820] =	vst v2;
	(pc) =	sbr.rel @p1 .LBB2_4-.Ltmp1, $4  }
0x24: {  	[tilespmem:s15+$0x2830] =	vst v2  }
0x25: {  	[tilespmem:s15+$0x2840] =	vst v2  }
0x26: {  	[tilespmem:s15+$0x2850] =	vst v2  }
0x27: {  	[tilespmem:s15+$0x2860] =	vst v2;
	s15 =	sshra.s32 s16, $0x2;
	s16 =	sadd.s32 $0x200, s16  }
0x28: {  	[tilespmem:s15+$0x2870] =	vst v2  }
0x29: {  	[tilespmem:s15+$0x2800] =	vst v2  }
0x2a: {  	[tilespmem:s15+$0x2810] =	vst v2  }
0x2b: {  	[tilespmem:s15+$0x2820] =	vst v2  }
0x2c: {  	[tilespmem:s15+$0x2830] =	vst v2  }
0x2d: {  	[tilespmem:s15+$0x2840] =	vst v2  }
0x2e: {  	[tilespmem:s15+$0x2850] =	vst v2  }
0x2f: {  	[tilespmem:s15+$0x2860] =	vst v2  }
0x30: {  	[spmem:s4] =	stream.linear.scatter [tilespmem:s10], [sflag:$0x1], $0x5000, $0x38;
	[tilespmem:$0x15800] =	vst v63  }
0x31: {  	_ =	swait.ge [sflag:s11], $0x5000  }
0x32: {  	[sflag:s11] =	ssyncset.done $0x0  }
0x33: {  	[sflag:s11] =	ssyncadd.s32 $0xFFFFB000  }
0x34: {  	[spmem:s5] =	stream.linear.scatter [tilespmem:s10], [sflag:$0x1], $0x5000, $0x38;
	[tilespmem:$0x15800] =	vst v63  }
0x35: {  	_ =	swait.ge [sflag:s11], $0x5000  }
0x36: {  	[sflag:s11] =	ssyncset.done $0x0  }
0x37: {  	[sflag:s11] =	ssyncadd.s32 $0xFFFFB000  }
0x38: {  	s31 =	simm.s32 $0x0;
	[bflag:$0x0] =	sbarrier.arrive $0xFFFF  }
0x39: {  	[tilespmem:s31], [sflag:$0x1] =	stream.linear.gather [hbm4b:s6+s31], $0x2800, $0x38;
	[tilespmem:$0x15800] =	vst v63  }
0x3a: {  	_ =	swait.ge [sflag:s11], $0x2800  }
0x3b: {  	[sflag:s11] =	ssyncset.done $0x0  }
0x3c: {  	s15 =	simm.s32 $0x0;
	[sflag:s11] =	ssyncadd.s32 $0xFFFFD800  }
0x3d: {  	v4 =	vld [tilespmem:s15+$0x0]  }
0x3e: {  	v5 =	vld [tilespmem:s15+$0x10]  }
0x3f: {  	v7 =	vld [tilespmem:s15+$0x20]  }
0x40: {  	v6 =	vld [tilespmem:s15+$0x30]  }
0x41: {  	v3 =	vld [tilespmem:s15+$0x40]  }
0x42: {  	v8 =	vsub.s32 v4, v0;
	v4 =	vld [tilespmem:s15+$0x50]  }
0x43: {  	s17 =	simm.s32 $0x200;
	s16 =	simm.s32 $0x0;
	v9 =	vsub.s32 v5, v0;
	v5 =	vld [tilespmem:s15+$0x60];
	v8 =	vmin.u32 v8, $0x1388  }
.LBB2_6:
0x44: {  	s18 =	sshra.s32 s17, $0x2;
	p1 =	sne.s32 s17, $0x9E00;
	[tilespmem:s16+$0x0] =	vst v8;
	v8 =	vmin.u32 v9, $0x1388;
	v7 =	vsub.s32 v7, v0;
	v9 =	vld [tilespmem:s16+$0x70]  }
0x45: {  	v10 =	vld [tilespmem:s18+$0x0];
	[tilespmem:s16+$0x10] =	vst v8;
	v7 =	vmin.u32 v7, $0x1388;
	v6 =	vsub.s32 v6, v0  }
0x46: {  	v11 =	vld [tilespmem:s18+$0x10];
	[tilespmem:s16+$0x20] =	vst v7;
	v6 =	vmin.u32 v6, $0x1388;
	v3 =	vsub.s32 v3, v0  }
.Ltmp2:
0x47: {  	v7 =	vld [tilespmem:s18+$0x20];
	[tilespmem:s16+$0x30] =	vst v6;
	v3 =	vmin.u32 v3, $0x1388;
	v4 =	vsub.s32 v4, v0;
	(pc) =	sbr.rel @p1 .LBB2_6-.Ltmp2, $4  }
0x48: {  	v6 =	vld [tilespmem:s18+$0x30];
	[tilespmem:s16+$0x40] =	vst v3;
	v4 =	vmin.u32 v4, $0x1388;
	v5 =	vsub.s32 v5, v0  }
0x49: {  	v3 =	vld [tilespmem:s18+$0x40];
	[tilespmem:s16+$0x50] =	vst v4;
	v5 =	vmin.u32 v5, $0x1388;
	v8 =	vsub.s32 v9, v0  }
0x4a: {  	v9 =	vsub.s32 v10, v0;
	v4 =	vld [tilespmem:s18+$0x50];
	[tilespmem:s16+$0x60] =	vst v5;
	v10 =	vmin.u32 v8, $0x1388  }
0x4b: {  	s17 =	sadd.s32 $0x200, s17;
	v8 =	vmin.u32 v9, $0x1388;
	v9 =	vsub.s32 v11, v0;
	v5 =	vld [tilespmem:s18+$0x60];
	[tilespmem:s16+$0x70] =	vst v10;
	s16 =	smov.u32 s18  }
0x4c: {  	[tilespmem:s16+$0x0] =	vst v8;
	v60 =	vmin.u32 v9, $0x1388;
	v7 =	vsub.s32 v7, v0;
	v61 =	vld [tilespmem:s16+$0x70]  }
0x4d: {  	[tilespmem:s16+$0x10] =	vst v60;
	v7 =	vmin.u32 v7, $0x1388;
	v6 =	vsub.s32 v6, v0  }
0x4e: {  	[tilespmem:s16+$0x20] =	vst v7;
	v6 =	vmin.u32 v6, $0x1388;
	v3 =	vsub.s32 v3, v0  }
0x4f: {  	[tilespmem:s16+$0x30] =	vst v6;
	v3 =	vmin.u32 v3, $0x1388;
	v4 =	vsub.s32 v4, v0  }
0x50: {  	[tilespmem:s16+$0x40] =	vst v3;
	v3 =	vmin.u32 v4, $0x1388;
	v62 =	vsub.s32 v5, v0  }
0x51: {  	[tilespmem:s16+$0x50] =	vst v3;
	v3 =	vmin.u32 v62, $0x1388;
	v63 =	vsub.s32 v61, v0  }
0x52: {  	[tilespmem:s16+$0x60] =	vst v3;
	v3 =	vmin.u32 v63, $0x1388  }
0x53: {  	[tilespmem:s16+$0x70] =	vst v3  }
0x54: {  	[spmem:s2] =	stream.indirect.scatter.add.f32 [tilespmem:s13], [sflag:$0x1], $0x80, s15, s12, $0xb8;
	[tilespmem:$0x15800] =	vst v63  }
0x55: {  	_ =	swait.ge [sflag:s11], $0x4000  }
0x56: {  	s15 =	simm.s32 $0x200;
	[sflag:s11] =	ssyncset.done $0x0  }
.LBB2_8:
0x57: {  	s16 =	sshra.s32 s15, $0x2;
	[sflag:s11] =	ssyncadd.s32 $0xFFFFC000;
	p1 =	sne.s32 s15, $0x9E00  }
0x58: {  	[spmem:s2] =	stream.indirect.scatter.add.f32 [tilespmem:s13], [sflag:$0x1], $0x80, s16, s12, $0xb8;
	[tilespmem:$0x15800] =	vst v63  }
.Ltmp3:
0x59: {  	_ = 	snop;
	(pc) =	sbr.rel @p1 .LBB2_8-.Ltmp3, $4  }
0x5a: {  	_ = 	snop  }
0x5b: {  	s15 =	sadd.s32 $0x200, s15  }
0x5c: {  	_ =	swait.ge [sflag:s11], $0x4000  }
0x5d: {  	[sflag:s11] =	ssyncset.done $0x0  }
0x5e: {  	[sflag:s11] =	ssyncadd.s32 $0xFFFFC000  }
0x5f: {  	s15 =	simm.s32 @p0 $0x1FC1;
	[bflag:$0x0] =	sbarrier.arrive $0xFFFF  }
0x60: {  	[hbm:s8], [sflag:s15] =	dma.local @p0 [spmem:s14], $0xC80  }
0x61: {  	s15 =	simm.s32 @p0 $0x1  }
0x62: {  	s3 =	sadd.s32 $0x1, s3;
	_ =	swait.ge @p0 [sflag:s15], $0xC80  }
0x63: {  	s16 =	sshll.u32 @!p0 s1, $0x6;
	p1 =	sne.s32 s3, s9;
	[sflag:s15] =	ssyncset.done @p0 $0x0  }
0x64: {  	[sflag:s15] =	ssyncadd.s32 @p0 $0xFFFFF380;
	s15 =	sor.u32 @!p0 $0x1C01, s16;
	s16 =	sshrl.u32 @!p0 s4, $0x3  }
0x65: {  	[hbm:s7], [sflag:s15] =	dma.local @!p0 [spmem:s16], $0x1400  }
.Ltmp4:
0x66: {  	_ = 	snop;
	(pc) =	sbr.rel @p1 .LBB2_1-.Ltmp4, $4  }
0x67: {  	s15 =	simm.s32 @!p0 $0x1  }
0x68: {  	_ =	swait.ge @!p0 [sflag:s15], $0x1400  }
0x69: {  	[sflag:s15] =	ssyncset.done @!p0 $0x0  }
0x6a: {  	[sflag:s15] =	ssyncadd.s32 @!p0 $0xFFFFEC00  }
0x6b: {  	_ =	sfence.sel $0x180000  }
0x6c: {  	[bflag:$0x0] =	sbarrier.arrive $0xFFFF  }
0x6d: {  	p0 =	sne.s32 s1, $0x0;
	_ =	strace $0x90000047  }
0x6e: {  	s0 =	sadd.s32 @!p0 $0x100000, s0;
	[bflag:$0x2] =	sbarrier.arrive $0xFFFF  }
0x6f: {  	[sflag:s0] =	ssyncadd.tile.s32 @!p0 $0x1;
	_ =	shalt  }
.Lfunc_end2:
_tile_overlayer_lowered:
.L_overlay_start_2:
0x70: {  	(tag) =	ssettag $0x2  }
0x71: {  	s0 =	rddreg [dreg:$0x0];
	s2 =	stileid.u32  }
0x72: {  	s1 =	rddreg [dreg:$0x1];
	p0 =	sne.s32 s2, $0x0  }
0x73: {  	s3 =	rddreg [dreg:$0x2];
	[bflag:$0x3] =	sbarrier.arrive $0xFFFF;
	s2 =	simm.s32 @!p0 $0x1C01  }
0x74: {  	[timem:s3], [sflag:s2] =	dma.local @!p0 [hbm:s0], s1  }
0x75: {  	s0 =	simm.s32 @!p0 $0x1  }
0x76: {  	_ =	swait.ge @!p0 [sflag:s0], s1  }
0x77: {  	s1 =	ssub.s32 @!p0 $0x0, s1;
	[sflag:s0] =	ssyncset.done @!p0 $0x0  }
0x78: {  	[sflag:s0] =	ssyncadd.s32 @!p0 s1  }
0x79: {  	[bflag:$0x3] =	sbarrier.arrive $0xFFFF  }
0x7a: {  	_ =	shalt  }

// kernel: kernel.9.cloned.1.call-start
scs
__scs_entry_jumppad:
0x0: {  	(pc) =	sbr.rel $0x88, $3  }
0x1: {  	(tag) =	ssettag $0x0;
	lr =	simm.s32 $0x1  }
0x2: {  	[smem:$0x3F96] =	sst lr;
	_ =	strace $0xD0000000  }
0x3: {  	_ = 	snop  }
0x4: {  	_ = 	snop  }
0x5: {  	_ = 	snop  }
0x6: {  	_ = 	snop  }
0x7: {  	_ = 	snop  }
__scs_overlays_trampoline_lowered:
0x8: {  	[smem:$0x3FA5] =	sst s0  }
0x9: {  	[smem:$0x3FA6] =	sst s1  }
0xa: {  	[smem:$0x3FA7] =	sst s2  }
0xb: {  	[smem:$0x3FA8] =	sst s3  }
0xc: {  	[smem:$0x3FA9] =	sst s4  }
0xd: {  	[smem:$0x3FAA] =	sst s5  }
0xe: {  	[smem:$0x3FAB] =	sst s6  }
0xf: {  	[smem:$0x3FAC] =	sst s7  }
0x10: {  	[smem:$0x3FAD] =	sst s8  }
0x11: {  	[smem:$0x3FAE] =	sst s9;
	s0 =	simm.s32 @!p0 $0x0  }
0x12: {  	s1 =	sld [smem:$0x3F94];
	s0 =	simm.s32 @p0 $0x1  }
0x13: {  	[smem:$0x3FAF] =	sst s0;
	s0 =	simm.s32 @!p1 $0x0  }
0x14: {  	s2 =	sld [smem:$0x3F93];
	s0 =	simm.s32 @p1 $0x1  }
0x15: {  	[smem:$0x3FB0] =	sst s0;
	s0 =	simm.s32 @!p2 $0x0  }
0x16: {  	s3 =	sld [smem:$0x3FDB];
	s0 =	simm.s32 @p2 $0x1  }
0x17: {  	s4 =	simm.s32 $0x1BF5;
	[smem:$0x3FB2] =	sst s0  }
0x18: {  	s0 =	sld [smem:$0x3F95];
	_ =	swait.ge [sflag:s4], $0x0  }
0x19: {  	s7 =	sld [smem:$0x3F96]  }
0x1a: {  	s8 =	sadd.s32 $0xFFFFE003, lr  }
0x1b: {  	s9 =	sadd.s32 $0xFFFFFEF7, lr;
	s5 =	simm.s32 $0xFFFFFFFF;
	p2 =	slt.u32 s8, $0xFFFFF086  }
0x1c: {  	p1 =	slt.u32 s9, $0xF7A;
	s5 =	simm.s32 @!p2 $0x0  }
0x1d: {  	s5 =	simm.s32 @p1 $0x1;
	p0 =	seq.s32 s7, s2  }
0x1e: {  	s7 =	smul.u32 @!p0 $0xF7A, s2;
	p2 =	seq.s32 @!p0 s5, $0x0  }
0x1f: {  	s9 =	smul.u32 $0xF7A, s1;
	s8 =	simm.s32 @!p0 $0x1BF5;
	p2 =	por !p2, p0  }
0x20: {  	[sflag:s8] =	ssyncset.s32 @!p0 $0xFFFFF086;
	s6 =	sadd.s32 @!p0 s3, s7;
	s7 =	simm.s32 @!p0 $0x108  }
0x21: {  	s3 =	sadd.s32 s3, s9;
	s6 =	sadd.s32 @!p0 $0x88, s6;
	s7 =	simm.s32 @p2 $0x1082  }
0x22: {  	[simem:s7], [sflag:s8] =	dma.local @!p0 [hbm:s6], $0xF7A  }
0x23: {  	s9 =	sor.u32 $0xD0000000, s2;
	s6 =	simm.s32 $0x108;
	_ =	swait.ge @!p0 [sflag:s8], $0x0  }
0x24: {  	s3 =	sadd.s32 $0x88, s3;
	s6 =	simm.s32 @!p1 $0x1082;
	[sflag:s4] =	ssyncset.s32 $0xFFFFF086  }
0x25: {  	[simem:s6], [sflag:s4] =	dma.local [hbm:s3], $0xF7A  }
0x26: {  	[smem:$0x3F96] =	sst s1;
	(tag) =	ssettag s2;
	_ =	strace s9  }
0x27: {  	s1 =	sld [smem:$0x3FA6]  }
0x28: {  	s2 =	sld [smem:$0x3FA7]  }
0x29: {  	s4 =	sld [smem:$0x3FA9]  }
0x2a: {  	p0 =	seq.s32 s5, $0x0;
	s5 =	sld [smem:$0x3FAA]  }
0x2b: {  	s6 =	sld [smem:$0x3FAB]  }
0x2c: {  	s7 =	sld [smem:$0x3FAC]  }
0x2d: {  	s3 =	simm.s32 $0x108;
	s8 =	sld [smem:$0x3FAD]  }
0x2e: {  	s3 =	simm.s32 @!p0 $0x1082;
	s9 =	sld [smem:$0x3FAE]  }
0x2f: {  	lr =	sadd.s32 s0, s3;
	s0 =	sld [smem:$0x3FA5]  }
0x30: {  	s3 =	sld [smem:$0x3FA8]  }
0x31: {  	[smem:$0x3FB1] =	sst s10  }
0x32: {  	s10 =	sld [smem:$0x3FAF];
	_ =	sdelay $0x3  }
0x33: {  	p0 =	seq.s32 s10, $0x1;
	s10 =	sld [smem:$0x3FB1];
	_ =	sdelay $0x3  }
0x34: {  	[smem:$0x3FB1] =	sst s10  }
0x35: {  	s10 =	sld [smem:$0x3FB0];
	_ =	sdelay $0x3  }
0x36: {  	p1 =	seq.s32 s10, $0x1;
	s10 =	sld [smem:$0x3FB1];
	_ =	sdelay $0x3  }
0x37: {  	[smem:$0x3FB1] =	sst s10  }
0x38: {  	s10 =	sld [smem:$0x3FB2]  }
0x39: {  	_ = 	snop;
	(pc) =	sbr.ind lr, $3  }
0x3a: {  	_ = 	snop  }
0x3b: {  	_ = 	snop  }
0x3c: {  	p2 =	seq.s32 s10, $0x1;
	s10 =	sld [smem:$0x3FB1]  }
0x3d: {  	_ =	shalt  }
0x3e: {  	_ =	shalt  }
0x3f: {  	_ =	shalt  }
0x40: {  	_ =	shalt  }
0x41: {  	_ =	shalt  }
0x42: {  	_ =	shalt  }
0x43: {  	_ =	shalt  }
0x44: {  	_ =	shalt  }
0x45: {  	_ =	shalt  }
0x46: {  	_ =	shalt  }
0x47: {  	_ =	shalt  }
0x48: {  	_ =	shalt  }
0x49: {  	_ =	shalt  }
0x4a: {  	_ =	shalt  }
0x4b: {  	_ =	shalt  }
0x4c: {  	_ =	shalt  }
0x4d: {  	_ =	shalt  }
0x4e: {  	_ =	shalt  }
0x4f: {  	_ =	shalt  }
0x50: {  	_ =	shalt  }
0x51: {  	_ =	shalt  }
0x52: {  	_ =	shalt  }
0x53: {  	_ =	shalt  }
0x54: {  	_ =	shalt  }
0x55: {  	_ =	shalt  }
0x56: {  	_ =	shalt  }
0x57: {  	_ =	shalt  }
0x58: {  	_ =	shalt  }
0x59: {  	_ =	shalt  }
0x5a: {  	_ =	shalt  }
0x5b: {  	_ =	shalt  }
0x5c: {  	_ =	shalt  }
0x5d: {  	_ =	shalt  }
0x5e: {  	_ =	shalt  }
0x5f: {  	_ =	shalt  }
0x60: {  	_ =	shalt  }
0x61: {  	_ =	shalt  }
0x62: {  	_ =	shalt  }
0x63: {  	_ =	shalt  }
0x64: {  	_ =	shalt  }
0x65: {  	_ =	shalt  }
0x66: {  	_ =	shalt  }
0x67: {  	_ =	shalt  }
0x68: {  	_ =	shalt  }
0x69: {  	_ =	shalt  }
0x6a: {  	_ =	shalt  }
0x6b: {  	_ =	shalt  }
0x6c: {  	_ =	shalt  }
0x6d: {  	_ =	shalt  }
0x6e: {  	_ =	shalt  }
0x6f: {  	_ =	shalt  }
0x70: {  	_ =	shalt  }
0x71: {  	_ =	shalt  }
0x72: {  	_ =	shalt  }
0x73: {  	_ =	shalt  }
0x74: {  	_ =	shalt  }
0x75: {  	_ =	shalt  }
0x76: {  	_ =	shalt  }
0x77: {  	_ =	shalt  }
0x78: {  	_ =	shalt  }
0x79: {  	_ =	shalt  }
0x7a: {  	_ =	shalt  }
0x7b: {  	_ =	shalt  }
0x7c: {  	_ =	shalt  }
0x7d: {  	_ =	shalt  }
0x7e: {  	_ =	shalt  }
0x7f: {  	_ =	shalt  }
0x80: {  	_ =	shalt  }
0x81: {  	_ =	shalt  }
0x82: {  	_ =	shalt  }
0x83: {  	_ =	shalt  }
0x84: {  	_ =	shalt  }
0x85: {  	_ =	shalt  }
0x86: {  	_ =	shalt  }
0x87: {  	_ =	shalt  }
.Lfunc_end0:
.L_simem_size_0:
called_computation.1_lowered:
.L_overlay_start_0:
0x88: {  	s2 =	sld [smem:$0x3FD9]  }
0x89: {  	s3 =	sld [smem:$0x3FFE];
	_ =	sdelay $0x1  }
0x8a: {  	s1 =	srdreg.scid  }
0x8b: {  	s0 =	sand.u32 $0x1, s1  }
0x8c: {  	s17 =	sshll.u32 s0, $0xA;
	s2 =	sadd.s32 s3, s2  }
0x8d: {  	s2 =	sadd.s32 s2, s17  }
0x8e: {  	[smem:$0x3FBD] =	sst s2  }
0x8f: {  	_ = 	snop  }
0x90: {  	s2 =	sld [smem:$0x3FD0];
	(tm) =	ssettm $0x1  }
0x91: {  	s18 =	sld [smem:$0x3FFB];
	_ =	sdelay $0x3  }
0x92: {  	_ =	strace s18  }
0x93: {  	s3 =	sld [smem:$0x3FFC];
	_ =	sdelay $0x3  }
0x94: {  	_ =	strace s3  }
0x95: {  	s3 =	sld [smem:$0x3FFD];
	_ =	sdelay $0x3  }
0x96: {  	_ =	strace s3  }
0x97: {  	_ =	strace $0x8FFFFFFF  }
0x98: {  	s19 =	sld [smem:$0x3FDB];
	_ =	sdelay $0x1  }
0x99: {  	s4 =	simm.s32 $_scs_section_size  }
0x9a: {  	s5 =	simm.s32 $_size__tile_overlayer_lowered;
	s6 =	simm.s32 $_tile_overlayer_lowered  }
0x9b: {  	s22 =	simm.s32 $0x1BFF;
	s21 =	sshll.u32 s6, $0x1;
	s3 =	sadd.s32 s4, s19  }
0x9c: {  	s7 =	simm.s32 $0x0;
	s20 =	sshll.u32 s5, $0x1;
	s5 =	sadd.s32 s21, s3  }
0x9d: {  	[timem:s7], [sflag:s22] =	dma.local [hbm:s5], s20  }
0x9e: {  	_ =	swait.ge [sflag:s22], s20  }
0x9f: {  	s4 =	ssub.s32 $0x0, s20;
	[sflag:s22] =	ssyncset.done $0x0  }
0xa0: {  	[sflag:s22] =	ssyncadd.s32 s4;
	_ =	sdelay $0x1  }
0xa1: {  	s23 =	simm.s32 $0x1B8B  }
0xa2: {  	_ =	swait.ge [sflag:s23], $0x1  }
0xa3: {  	[sflag:s23] =	ssyncset.done $0x0  }
0xa4: {  	s25 =	simm.s32 $0x1B8E;
	s24 =	sld [smem:$0x3FFE];
	[sflag:s23] =	ssyncadd.s32 $0xFFFFFFFF  }
0xa5: {  	s26 =	simm.s32 $execute0_lowered;
	[smem:$0x3FD2] =	sst s25  }
0xa6: {  	s5 =	sshll.u32 s26, $0x1;
	_ =	strace $0x80000049;
	[dreg:$0x1] =	wrdreg $0xFFFFFFFF  }
0xa7: {  	s28 =	simm.s32 $_size_execute0_lowered;
	s3 =	sadd.s32 s3, s5;
	[dreg:$0x0] =	wrdreg $0x0  }
0xa8: {  	s5 =	sshll.u32 s28, $0x1;
	[dreg:$0x2] =	wrdreg s3  }
0xa9: {  	[dreg:$0x3] =	wrdreg s5  }
0xaa: {  	[dreg:$0x4] =	wrdreg $0xC0  }
0xab: {  	_ =	task [dreg:s7], $0x5FFFF  }
0xac: {  	[dreg:$0x1] =	wrdreg $0xFFFFFFFF  }
0xad: {  	[dreg:$0x0] =	wrdreg $0x60  }
0xae: {  	[dreg:$0x2] =	wrdreg s24  }
0xaf: {  	[dreg:$0x3] =	wrdreg s2  }
0xb0: {  	[dreg:$0x4] =	wrdreg $0x150000  }
0xb1: {  	[dreg:$0x5] =	wrdreg $0x9  }
0xb2: {  	_ =	task.clear_ibuf [dreg:s7], $0x6FFFF;
	_ =	strace $0x90000049  }
0xb3: {  	s29 =	simm.s32 $0x9;
	_ =	strace $0x8000004B  }
0xb4: {  	_ =	swait.ge [sflag:s29], $0x1  }
0xb5: {  	[sflag:s29] =	ssyncadd.s32 $0xFFFFFFFF  }
0xb6: {  	_ =	strace $0x9000004B  }
0xb7: {  	_ =	sfence  }
0xb8: {  	s30 =	sld [smem:$0x0];
	_ =	sdelay $0x2  }
0xb9: {  	s31 =	sshll.u32 s1, $0xD;
	s1 =	sshrl.u32 s1, $0x2  }
0xba: {  	s3 =	sand.u32 $0x4000, s31;
	s1 =	sadd.s32 s1, s30  }
0xbb: {  	s0 =	sor.u32 s3, s0;
	s1 =	sshll.u32 s1, $0x11  }
0xbc: {  	s0 =	sor.u32 s1, s0  }
0xbd: {  	s0 =	sadd.s32 $0x8F2B, s0  }
0xbe: {  	[sflag:s0] =	ssyncadd.remote.s32 $0x1  }
0xbf: {  	_ =	sfence.sel $0xFFFF  }
0xc0: {  	[dreg:$0x0] =	wrdreg $0xFFFFFFFF;
	(pc) =	sbr.abs _section_cstart, $3  }
0xc1: {  	[dreg:$0x1] =	wrdreg $0xFFFFFFFF  }
0xc2: {  	_ =	task.clear_ibuf [dreg:s7], $0x2FFFF;
	_ =	strace $0x9FFFFFFF  }
0xc3: {  	(tm) =	ssettm $0x7FFFFFFF  }
tec
execute0_lowered:
.L_overlay_start_1:
0x0: {  	(tag) =	ssettag $0x1  }
0x1: {  	s0 =	rddreg [dreg:$0x0]  }
0x2: {  	s2 =	rddreg [dreg:$0x1]  }
0x3: {  	s3 =	rddreg [dreg:$0x2];
	s19 =	stileid.u32;
	s4 =	simm.s32 $0x0  }
0x4: {  	s6 =	srdreg.scid;
	s17 =	simm.s32 $0x5000;
	s18 =	simm.s32 $0x5  }
0x5: {  	s20 =	simm.s32 $0x80;
	s21 =	simm.s32 $0x9000;
	s28 =	simm.s32 $0x2  }
0x6: {  	s29 =	simm.s32 $0x3;
	s30 =	simm.s32 $0x4;
	s31 =	simm.s32 $0x4E00  }
0x7: {  	s1 =	smul.u32 $0x500, s19;
	[smem:$0x7FF] =	sst s4;
	s5 =	sadd.s32 $0x33E00, s0  }
0x8: {  	s7 =	sand.u32 $0x1, s6;
	s22 =	smul.u32 $0x28000, s19;
	s9 =	sadd.s32 $0x5B000, s0  }
0x9: {  	s11 =	smul.u32 $0x140, s19;
	s26 =	sadd.s32 $0x96000, s3;
	p0 =	seq.s32 s19, $0xF  }
0xa: {  	s19 =	simm.s32 $0x4F00;
	_ =	strace $0x8000004A;
	s10 =	smul.u32 $0x1388, s7  }
0xb: {  	s8 =	ssub.s32 $0x2, s7;
	s13 =	smul.u32 $0x9C400, s7;
	[dreg:$0x7] =	wrdreg s26  }
0xc: {  	s26 =	simm.s32 $0x1;
	s1 =	sadd.s32 s1, s0;
	s0 =	sadd.s32 $0x82200, s0  }
0xd: {  	s6 =	sshrl.u32 s22, $0x2;
	s12 =	sshrl.u32 s8, $0x1;
	s22 =	simm.s32 $0x100  }
0xe: {  	s6 =	sadd.s32 s6, s3;
	s12 =	ssub.s32 s8, s12;
	s14 =	sadd.s32 $0x7C00, s1  }
0xf: {  	s11 =	sadd.s32 s11, s10;
	s13 =	sshrl.u32 s13, $0x3;
	s1 =	sadd.s32 $0x2C00, s1  }
0x10: {  	s7 =	sadd.s32 $0x4000, s6;
	s8 =	sadd.s32 $0x8000, s6;
	[dreg:$0x4] =	wrdreg s14  }
0x11: {  	[dreg:$0x5] =	wrdreg s1;
	s23 =	sshll.u32 s11, $0x4;
	s24 =	sadd.s32 $0x12C00, s13  }
0x12: {  	s16 =	smax.u32 s12, $0x1;
	s1 =	simm.s32 $0x4F80;
	s25 =	sadd.s32 s9, s23  }
0x13: {  	s9 =	sadd.s32 s9, s24;
	s14 =	sadd.s32 s0, s23;
	s15 =	sadd.s32 s0, s24  }
0x14: {  	s23 =	simm.s32 $0xD000;
	s24 =	simm.s32 $0x180;
	[dreg:$0x6] =	wrdreg s25  }
0x15: {  	v1 =	vimm.f32 $0.0e+00;
	v0 =	vmov s10;
	s0 =	simm.s32 $0x4E80;
	[dreg:$0x8] =	wrdreg s9;
	s25 =	simm.s32 $0x11000  }
.LBB2_1:
0x16: {  	s9 =	simm.s32 $0x0;
	s10 =	simm.s32 $0x200  }
.LBB2_2:
0x17: {  	p1 =	sne.s32 s10, $0xFE00;
	[tilespmem:s9+$0x5070] =	vst v1  }
0x18: {  	[tilespmem:s9+$0x5000] =	vst v1  }
0x19: {  	[tilespmem:s9+$0x5010] =	vst v1  }
.Ltmp0:
0x1a: {  	[tilespmem:s9+$0x5020] =	vst v1;
	(pc) =	sbr.rel @p1 .LBB2_2-.Ltmp0, $4  }
0x1b: {  	[tilespmem:s9+$0x5030] =	vst v1  }
0x1c: {  	[tilespmem:s9+$0x5040] =	vst v1  }
0x1d: {  	[tilespmem:s9+$0x5050] =	vst v1  }
0x1e: {  	[tilespmem:s9+$0x5060] =	vst v1;
	s9 =	sshra.s32 s10, $0x2;
	s10 =	sadd.s32 $0x200, s10  }
0x1f: {  	[tilespmem:s9+$0x5070] =	vst v1  }
0x20: {  	[tilespmem:s9+$0x5000] =	vst v1  }
0x21: {  	[tilespmem:s9+$0x5010] =	vst v1  }
0x22: {  	[tilespmem:s9+$0x5020] =	vst v1  }
0x23: {  	[tilespmem:s9+$0x5030] =	vst v1  }
0x24: {  	[tilespmem:s9+$0x5040] =	vst v1  }
0x25: {  	[tilespmem:s9+$0x5050] =	vst v1  }
0x26: {  	[tilespmem:s9+$0x5060] =	vst v1  }
0x27: {  	[spmem:s6] =	stream.linear.scatter [tilespmem:s17], [sflag:$0x5], $0x4000, $0x38;
	[tilespmem:$0x1F000] =	vst v63  }
0x28: {  	_ =	swait.ge [sflag:s18], $0x4000  }
0x29: {  	[sflag:s18] =	ssyncset.done $0x0  }
0x2a: {  	[sflag:s18] =	ssyncadd.s32 $0xFFFFC000  }
0x2b: {  	[spmem:s7] =	stream.linear.scatter [tilespmem:s17], [sflag:$0x5], $0x4000, $0x38;
	[tilespmem:$0x1F000] =	vst v63  }
0x2c: {  	_ =	swait.ge [sflag:s18], $0x4000  }
0x2d: {  	[sflag:s18] =	ssyncset.done $0x0  }
0x2e: {  	[sflag:s18] =	ssyncadd.s32 $0xFFFFC000  }
0x2f: {  	[spmem:s8] =	stream.linear.scatter [tilespmem:s17], [sflag:$0x5], $0x2000, $0x38;
	[tilespmem:$0x1F000] =	vst v63  }
0x30: {  	_ =	swait.ge [sflag:s18], $0x2000  }
0x31: {  	[sflag:s18] =	ssyncset.done $0x0  }
0x32: {  	[sflag:s18] =	ssyncadd.s32 $0xFFFFE000  }
0x33: {  	[bflag:$0x0] =	sbarrier.arrive $0xFFFF  }
0x34: {  	s12 =	simm.s32 $0x0;
	s10 =	rddreg [dreg:$0x4]  }
0x35: {  	[tilespmem:s12], [sflag:$0x5] =	stream.linear.gather [hbm4b:s10+s12], $0x2800, $0x38;
	[tilespmem:$0x1F000] =	vst v63  }
0x36: {  	_ =	swait.ge [sflag:s18], $0x2800  }
0x37: {  	[sflag:s18] =	ssyncset.done $0x0  }
0x38: {  	s11 =	simm.s32 $0x2800;
	s13 =	rddreg [dreg:$0x5];
	[sflag:s18] =	ssyncadd.s32 $0xFFFFD800  }
0x39: {  	[tilespmem:s11], [sflag:$0x5] =	stream.linear.gather [hbm4b:s13+s12], $0x2800, $0x38;
	[tilespmem:$0x1F000] =	vst v63  }
0x3a: {  	_ =	swait.ge [sflag:s18], $0x2800  }
0x3b: {  	[sflag:s18] =	ssyncset.done $0x0  }
0x3c: {  	s9 =	simm.s32 $0x0;
	[sflag:s18] =	ssyncadd.s32 $0xFFFFD800  }
0x3d: {  	v3 =	vld [tilespmem:s9+$0x2800]  }
0x3e: {  	v4 =	vld [tilespmem:s9+$0x2810]  }
0x3f: {  	v6 =	vld [tilespmem:s9+$0x2820]  }
0x40: {  	v5 =	vld [tilespmem:s9+$0x2830]  }
0x41: {  	v2 =	vld [tilespmem:s9+$0x2840]  }
0x42: {  	v7 =	vsub.s32 v3, v0;
	v3 =	vld [tilespmem:s9+$0x2850]  }
0x43: {  	s10 =	simm.s32 $0x200;
	v8 =	vsub.s32 v4, v0;
	v4 =	vld [tilespmem:s9+$0x2860];
	v7 =	vmin.u32 v7, $0x1388  }
.LBB2_4:
0x44: {  	s11 =	sshra.s32 s10, $0x2;
	p1 =	sne.s32 s10, $0x9E00;
	[tilespmem:s9+$0x2800] =	vst v7;
	v7 =	vmin.u32 v8, $0x1388;
	v6 =	vsub.s32 v6, v0;
	v8 =	vld [tilespmem:s9+$0x2870]  }
0x45: {  	v9 =	vld [tilespmem:s11+$0x2800];
	[tilespmem:s9+$0x2810] =	vst v7;
	v6 =	vmin.u32 v6, $0x1388;
	v5 =	vsub.s32 v5, v0  }
0x46: {  	v10 =	vld [tilespmem:s11+$0x2810];
	[tilespmem:s9+$0x2820] =	vst v6;
	v5 =	vmin.u32 v5, $0x1388;
	v2 =	vsub.s32 v2, v0  }
.Ltmp1:
0x47: {  	v6 =	vld [tilespmem:s11+$0x2820];
	[tilespmem:s9+$0x2830] =	vst v5;
	v2 =	vmin.u32 v2, $0x1388;
	v3 =	vsub.s32 v3, v0;
	(pc) =	sbr.rel @p1 .LBB2_4-.Ltmp1, $4  }
0x48: {  	v5 =	vld [tilespmem:s11+$0x2830];
	[tilespmem:s9+$0x2840] =	vst v2;
	v3 =	vmin.u32 v3, $0x1388;
	v4 =	vsub.s32 v4, v0  }
0x49: {  	v2 =	vld [tilespmem:s11+$0x2840];
	[tilespmem:s9+$0x2850] =	vst v3;
	v4 =	vmin.u32 v4, $0x1388;
	v7 =	vsub.s32 v8, v0  }
0x4a: {  	v8 =	vsub.s32 v9, v0;
	v3 =	vld [tilespmem:s11+$0x2850];
	[tilespmem:s9+$0x2860] =	vst v4;
	v9 =	vmin.u32 v7, $0x1388  }
0x4b: {  	s10 =	sadd.s32 $0x200, s10;
	v7 =	vmin.u32 v8, $0x1388;
	v8 =	vsub.s32 v10, v0;
	v4 =	vld [tilespmem:s11+$0x2860];
	[tilespmem:s9+$0x2870] =	vst v9;
	s9 =	smov.u32 s11  }
0x4c: {  	[tilespmem:s9+$0x2800] =	vst v7;
	v62 =	vmin.u32 v8, $0x1388;
	v6 =	vsub.s32 v6, v0;
	v63 =	vld [tilespmem:s9+$0x2870]  }
0x4d: {  	[tilespmem:s9+$0x2810] =	vst v62;
	v6 =	vmin.u32 v6, $0x1388;
	v5 =	vsub.s32 v5, v0  }
0x4e: {  	[tilespmem:s9+$0x2820] =	vst v6;
	v5 =	vmin.u32 v5, $0x1388;
	v2 =	vsub.s32 v2, v0  }
0x4f: {  	[tilespmem:s9+$0x2830] =	vst v5;
	v2 =	vmin.u32 v2, $0x1388;
	v3 =	vsub.s32 v3, v0  }
0x50: {  	[tilespmem:s9+$0x2840] =	vst v2;
	v2 =	vmin.u32 v3, $0x1388;
	v3 =	vsub.s32 v4, v0  }
0x51: {  	[tilespmem:s9+$0x2850] =	vst v2;
	v2 =	vmin.u32 v3, $0x1388;
	v3 =	vsub.s32 v63, v0  }
0x52: {  	[tilespmem:s9+$0x2860] =	vst v2;
	v2 =	vmin.u32 v3, $0x1388  }
0x53: {  	s10 =	simm.s32 $0x0;
	[tilespmem:s9+$0x2870] =	vst v2  }
0x54: {  	[tilespmem:s17], [sflag:$0x1] =	stream.indirect.gather [hbm4b:s2+s20], $0x80, s10, s20, $0xb8;
	[tilespmem:$0x1F000] =	vst v63  }
0x55: {  	_ = 	snop  }
0x56: {  	[tilespmem:s21], [sflag:$0x2] =	stream.indirect.gather [hbm4b:s2+s20], $0x80, s20, s20, $0xb8;
	[tilespmem:$0x1F000] =	vst v63  }
0x57: {  	_ = 	snop  }
0x58: {  	[tilespmem:s23], [sflag:$0x3] =	stream.indirect.gather [hbm4b:s2+s20], $0x80, s22, s20, $0xb8;
	[tilespmem:$0x1F000] =	vst v63  }
0x59: {  	_ = 	snop  }
0x5a: {  	[tilespmem:s25], [sflag:$0x4] =	stream.indirect.gather [hbm4b:s2+s20], $0x80, s24, s20, $0xb8;
	[tilespmem:$0x1F000] =	vst v63  }
0x5b: {  	_ =	swait.ge [sflag:s26], $0x4000  }
0x5c: {  	[sflag:s26] =	ssyncset.done $0x0  }
0x5d: {  	s11 =	simm.s32 $0x2800;
	[sflag:s26] =	ssyncadd.s32 $0xFFFFC000  }
0x5e: {  	[spmem:s3] =	stream.indirect.scatter.add.f32 [tilespmem:s17], [sflag:$0x5], $0x80, s11, s20, $0xb8;
	[tilespmem:$0x1F000] =	vst v63  }
0x5f: {  	_ =	swait.ge [sflag:s18], $0x4000  }
0x60: {  	[sflag:s18] =	ssyncset.done $0x0  }
0x61: {  	s12 =	simm.s32 $0x200;
	[sflag:s18] =	ssyncadd.s32 $0xFFFFC000  }
0x62: {  	[tilespmem:s17], [sflag:$0x1] =	stream.indirect.gather [hbm4b:s2+s20], $0x80, s12, s20, $0xb8;
	[tilespmem:$0x1F000] =	vst v63  }
0x63: {  	_ =	swait.ge [sflag:s28], $0x4000  }
0x64: {  	[sflag:s28] =	ssyncset.done $0x0  }
0x65: {  	s13 =	simm.s32 $0x2880;
	[sflag:s28] =	ssyncadd.s32 $0xFFFFC000  }
0x66: {  	[spmem:s3] =	stream.indirect.scatter.add.f32 [tilespmem:s21], [sflag:$0x5], $0x80, s13, s20, $0xb8;
	[tilespmem:$0x1F000] =	vst v63  }
0x67: {  	_ =	swait.ge [sflag:s18], $0x4000  }
0x68: {  	[sflag:s18] =	ssyncset.done $0x0  }
0x69: {  	s10 =	simm.s32 $0x280;
	[sflag:s18] =	ssyncadd.s32 $0xFFFFC000  }
0x6a: {  	[tilespmem:s21], [sflag:$0x2] =	stream.indirect.gather [hbm4b:s2+s20], $0x80, s10, s20, $0xb8;
	[tilespmem:$0x1F000] =	vst v63  }
0x6b: {  	_ =	swait.ge [sflag:s29], $0x4000  }
0x6c: {  	[sflag:s29] =	ssyncset.done $0x0  }
0x6d: {  	s11 =	simm.s32 $0x2900;
	[sflag:s29] =	ssyncadd.s32 $0xFFFFC000  }
0x6e: {  	[spmem:s3] =	stream.indirect.scatter.add.f32 [tilespmem:s23], [sflag:$0x5], $0x80, s11, s20, $0xb8;
	[tilespmem:$0x1F000] =	vst v63  }
0x6f: {  	_ =	swait.ge [sflag:s18], $0x4000  }
0x70: {  	[sflag:s18] =	ssyncset.done $0x0  }
0x71: {  	s12 =	simm.s32 $0x300;
	[sflag:s18] =	ssyncadd.s32 $0xFFFFC000  }
0x72: {  	[tilespmem:s23], [sflag:$0x3] =	stream.indirect.gather [hbm4b:s2+s20], $0x80, s12, s20, $0xb8;
	[tilespmem:$0x1F000] =	vst v63  }
0x73: {  	_ =	swait.ge [sflag:s30], $0x4000  }
0x74: {  	[sflag:s30] =	ssyncset.done $0x0  }
0x75: {  	s13 =	simm.s32 $0x2980;
	[sflag:s30] =	ssyncadd.s32 $0xFFFFC000  }
0x76: {  	[spmem:s3] =	stream.indirect.scatter.add.f32 [tilespmem:s25], [sflag:$0x5], $0x80, s13, s20, $0xb8;
	[tilespmem:$0x1F000] =	vst v63  }
0x77: {  	_ =	swait.ge [sflag:s18], $0x4000  }
0x78: {  	[sflag:s18] =	ssyncset.done $0x0  }
0x79: {  	s9 =	simm.s32 $0x800;
	s10 =	simm.s32 $0x380;
	[sflag:s18] =	ssyncadd.s32 $0xFFFFC000  }
.LBB2_6:
0x7a: {  	[tilespmem:s25], [sflag:$0x4] =	stream.indirect.gather [hbm4b:s2+s20], $0x80, s10, s20, $0xb8;
	[tilespmem:$0x1F000] =	vst v63  }
0x7b: {  	s10 =	smov.u32 s9  }
0x7c: {  	p1 =	sne.s32 s9, $0x9000;
	s9 =	sadd.s32 $0x800, s9;
	_ =	swait.ge [sflag:s26], $0x4000  }
0x7d: {  	s10 =	sshra.s32 s10, $0x2;
	[sflag:s26] =	ssyncset.done $0x0  }
0x7e: {  	s11 =	sadd.s32 $0x2800, s10;
	[sflag:s26] =	ssyncadd.s32 $0xFFFFC000  }
0x7f: {  	[spmem:s3] =	stream.indirect.scatter.add.f32 [tilespmem:s17], [sflag:$0x5], $0x80, s11, s20, $0xb8;
	[tilespmem:$0x1F000] =	vst v63  }
0x80: {  	_ =	swait.ge [sflag:s18], $0x4000  }
0x81: {  	[sflag:s18] =	ssyncset.done $0x0  }
0x82: {  	s11 =	sadd.s32 $0x200, s10;
	[sflag:s18] =	ssyncadd.s32 $0xFFFFC000  }
0x83: {  	[tilespmem:s17], [sflag:$0x1] =	stream.indirect.gather [hbm4b:s2+s20], $0x80, s11, s20, $0xb8;
	[tilespmem:$0x1F000] =	vst v63  }
0x84: {  	_ =	swait.ge [sflag:s28], $0x4000  }
0x85: {  	[sflag:s28] =	ssyncset.done $0x0  }
0x86: {  	s11 =	sadd.s32 $0x2880, s10;
	[sflag:s28] =	ssyncadd.s32 $0xFFFFC000  }
0x87: {  	[spmem:s3] =	stream.indirect.scatter.add.f32 [tilespmem:s21], [sflag:$0x5], $0x80, s11, s20, $0xb8;
	[tilespmem:$0x1F000] =	vst v63  }
0x88: {  	_ =	swait.ge [sflag:s18], $0x4000  }
0x89: {  	[sflag:s18] =	ssyncset.done $0x0  }
0x8a: {  	s11 =	sadd.s32 $0x280, s10;
	[sflag:s18] =	ssyncadd.s32 $0xFFFFC000  }
0x8b: {  	[tilespmem:s21], [sflag:$0x2] =	stream.indirect.gather [hbm4b:s2+s20], $0x80, s11, s20, $0xb8;
	[tilespmem:$0x1F000] =	vst v63  }
0x8c: {  	_ =	swait.ge [sflag:s29], $0x4000  }
0x8d: {  	[sflag:s29] =	ssyncset.done $0x0  }
0x8e: {  	s11 =	sadd.s32 $0x2900, s10;
	[sflag:s29] =	ssyncadd.s32 $0xFFFFC000  }
0x8f: {  	[spmem:s3] =	stream.indirect.scatter.add.f32 [tilespmem:s23], [sflag:$0x5], $0x80, s11, s20, $0xb8;
	[tilespmem:$0x1F000] =	vst v63  }
0x90: {  	_ =	swait.ge [sflag:s18], $0x4000  }
0x91: {  	[sflag:s18] =	ssyncset.done $0x0  }
0x92: {  	s11 =	sadd.s32 $0x300, s10;
	[sflag:s18] =	ssyncadd.s32 $0xFFFFC000  }
0x93: {  	[tilespmem:s23], [sflag:$0x3] =	stream.indirect.gather [hbm4b:s2+s20], $0x80, s11, s20, $0xb8;
	[tilespmem:$0x1F000] =	vst v63  }
0x94: {  	_ =	swait.ge [sflag:s30], $0x4000  }
0x95: {  	[sflag:s30] =	ssyncset.done $0x0  }
.Ltmp2:
0x96: {  	s11 =	sadd.s32 $0x2980, s10;
	[sflag:s30] =	ssyncadd.s32 $0xFFFFC000;
	(pc) =	sbr.rel @p1 .LBB2_6-.Ltmp2, $4  }
0x97: {  	[spmem:s3] =	stream.indirect.scatter.add.f32 [tilespmem:s25], [sflag:$0x5], $0x80, s11, s20, $0xb8;
	[tilespmem:$0x1F000] =	vst v63  }
0x98: {  	_ =	swait.ge [sflag:s18], $0x4000  }
0x99: {  	[sflag:s18] =	ssyncset.done $0x0  }
0x9a: {  	s10 =	sadd.s32 $0x380, s10;
	[sflag:s18] =	ssyncadd.s32 $0xFFFFC000  }
0x9b: {  	[tilespmem:s25], [sflag:$0x4] =	stream.indirect.gather [hbm4b:s2+s20], $0x80, s10, s20, $0xb8;
	[tilespmem:$0x1F000] =	vst v63  }
0x9c: {  	_ =	swait.ge [sflag:s26], $0x4000  }
0x9d: {  	[sflag:s26] =	ssyncset.done $0x0  }
0x9e: {  	[sflag:s26] =	ssyncadd.s32 $0xFFFFC000  }
0x9f: {  	[spmem:s3] =	stream.indirect.scatter.add.f32 [tilespmem:s17], [sflag:$0x5], $0x80, s31, s20, $0xb8;
	[tilespmem:$0x1F000] =	vst v63  }
0xa0: {  	_ =	swait.ge [sflag:s18], $0x4000  }
0xa1: {  	[sflag:s18] =	ssyncset.done $0x0  }
0xa2: {  	[sflag:s18] =	ssyncadd.s32 $0xFFFFC000  }
0xa3: {  	_ =	swait.ge [sflag:s28], $0x4000  }
0xa4: {  	[sflag:s28] =	ssyncset.done $0x0  }
0xa5: {  	[sflag:s28] =	ssyncadd.s32 $0xFFFFC000  }
0xa6: {  	[spmem:s3] =	stream.indirect.scatter.add.f32 [tilespmem:s21], [sflag:$0x5], $0x80, s0, s20, $0xb8;
	[tilespmem:$0x1F000] =	vst v63  }
0xa7: {  	_ =	swait.ge [sflag:s18], $0x4000  }
0xa8: {  	[sflag:s18] =	ssyncset.done $0x0  }
0xa9: {  	[sflag:s18] =	ssyncadd.s32 $0xFFFFC000  }
0xaa: {  	_ =	swait.ge [sflag:s29], $0x4000  }
0xab: {  	[sflag:s29] =	ssyncset.done $0x0  }
0xac: {  	[sflag:s29] =	ssyncadd.s32 $0xFFFFC000  }
0xad: {  	[spmem:s3] =	stream.indirect.scatter.add.f32 [tilespmem:s23], [sflag:$0x5], $0x80, s19, s20, $0xb8;
	[tilespmem:$0x1F000] =	vst v63  }
0xae: {  	_ =	swait.ge [sflag:s18], $0x4000  }
0xaf: {  	[sflag:s18] =	ssyncset.done $0x0  }
0xb0: {  	[sflag:s18] =	ssyncadd.s32 $0xFFFFC000  }
0xb1: {  	_ =	swait.ge [sflag:s30], $0x4000  }
0xb2: {  	[sflag:s30] =	ssyncset.done $0x0  }
0xb3: {  	[sflag:s30] =	ssyncadd.s32 $0xFFFFC000  }
0xb4: {  	[spmem:s3] =	stream.indirect.scatter.add.f32 [tilespmem:s25], [sflag:$0x5], $0x80, s1, s20, $0xb8;
	[tilespmem:$0x1F000] =	vst v63  }
0xb5: {  	_ =	swait.ge [sflag:s18], $0x4000  }
0xb6: {  	[sflag:s18] =	ssyncset.done $0x0  }
0xb7: {  	[sflag:s18] =	ssyncadd.s32 $0xFFFFC000  }
0xb8: {  	[bflag:$0x0] =	sbarrier.arrive $0xFFFF  }
0xb9: {  	s9 =	rddreg [dreg:$0x7]  }
0xba: {  	s10 =	simm.s32 @p0 $0x1FC5;
	s11 =	rddreg [dreg:$0x8];
	s9 =	sshrl.u32 @p0 s9, $0x3  }
0xbb: {  	[hbm:s11], [sflag:s10] =	dma.local @p0 [spmem:s9], $0xC80  }
0xbc: {  	s10 =	simm.s32 @p0 $0x5  }
0xbd: {  	s11 =	stileid.u32;
	_ =	swait.ge @p0 [sflag:s10], $0xC80  }
0xbe: {  	s11 =	sshll.u32 @!p0 s11, $0x6;
	[sflag:s10] =	ssyncset.done @p0 $0x0;
	s12 =	rddreg [dreg:$0x6]  }
0xbf: {  	[sflag:s10] =	ssyncadd.s32 @p0 $0xFFFFF380;
	s10 =	sor.u32 @!p0 $0x1C05, s11;
	s11 =	sshrl.u32 @!p0 s6, $0x3  }
0xc0: {  	[hbm:s12], [sflag:s10] =	dma.local @!p0 [spmem:s11], $0x1400  }
0xc1: {  	s12 =	simm.s32 @!p0 $0x5  }
0xc2: {  	_ =	swait.ge @!p0 [sflag:s12], $0x1400  }
0xc3: {  	[sflag:s12] =	ssyncset.done @!p0 $0x0  }
0xc4: {  	s13 =	simm.s32 $0x200;
	[sflag:s12] =	ssyncadd.s32 @!p0 $0xFFFFEC00;
	s12 =	simm.s32 $0x0  }
.LBB2_8:
0xc5: {  	p1 =	sne.s32 s13, $0xFE00;
	[tilespmem:s12+$0x5070] =	vst v1  }
0xc6: {  	[tilespmem:s12+$0x5000] =	vst v1  }
0xc7: {  	[tilespmem:s12+$0x5010] =	vst v1  }
.Ltmp3:
0xc8: {  	[tilespmem:s12+$0x5020] =	vst v1;
	(pc) =	sbr.rel @p1 .LBB2_8-.Ltmp3, $4  }
0xc9: {  	[tilespmem:s12+$0x5030] =	vst v1  }
0xca: {  	[tilespmem:s12+$0x5040] =	vst v1  }
0xcb: {  	[tilespmem:s12+$0x5050] =	vst v1  }
0xcc: {  	[tilespmem:s12+$0x5060] =	vst v1;
	s12 =	sshra.s32 s13, $0x2;
	s13 =	sadd.s32 $0x200, s13  }
0xcd: {  	[tilespmem:s12+$0x5070] =	vst v1  }
0xce: {  	[tilespmem:s12+$0x5000] =	vst v1  }
0xcf: {  	[tilespmem:s12+$0x5010] =	vst v1  }
0xd0: {  	[tilespmem:s12+$0x5020] =	vst v1  }
0xd1: {  	[tilespmem:s12+$0x5030] =	vst v1  }
0xd2: {  	[tilespmem:s12+$0x5040] =	vst v1  }
0xd3: {  	[tilespmem:s12+$0x5050] =	vst v1  }
0xd4: {  	[tilespmem:s12+$0x5060] =	vst v1  }
0xd5: {  	[spmem:s6] =	stream.linear.scatter [tilespmem:s17], [sflag:$0x5], $0x4000, $0x38;
	[tilespmem:$0x1F000] =	vst v63  }
0xd6: {  	_ =	swait.ge [sflag:s18], $0x4000  }
0xd7: {  	[sflag:s18] =	ssyncset.done $0x0  }
0xd8: {  	[sflag:s18] =	ssyncadd.s32 $0xFFFFC000  }
0xd9: {  	[spmem:s7] =	stream.linear.scatter [tilespmem:s17], [sflag:$0x5], $0x4000, $0x38;
	[tilespmem:$0x1F000] =	vst v63  }
0xda: {  	_ =	swait.ge [sflag:s18], $0x4000  }
0xdb: {  	[sflag:s18] =	ssyncset.done $0x0  }
0xdc: {  	[sflag:s18] =	ssyncadd.s32 $0xFFFFC000  }
0xdd: {  	[spmem:s8] =	stream.linear.scatter [tilespmem:s17], [sflag:$0x5], $0x2000, $0x38;
	[tilespmem:$0x1F000] =	vst v63  }
0xde: {  	_ =	swait.ge [sflag:s18], $0x2000  }
0xdf: {  	[sflag:s18] =	ssyncset.done $0x0  }
0xe0: {  	[sflag:s18] =	ssyncadd.s32 $0xFFFFE000  }
0xe1: {  	s13 =	simm.s32 $0x0;
	[bflag:$0x0] =	sbarrier.arrive $0xFFFF  }
0xe2: {  	[tilespmem:s17], [sflag:$0x1] =	stream.indirect.gather [hbm4b:s5+s20], $0x80, s13, s20, $0xb8;
	[tilespmem:$0x1F000] =	vst v63  }
0xe3: {  	_ = 	snop  }
0xe4: {  	[tilespmem:s21], [sflag:$0x2] =	stream.indirect.gather [hbm4b:s5+s20], $0x80, s20, s20, $0xb8;
	[tilespmem:$0x1F000] =	vst v63  }
0xe5: {  	_ = 	snop  }
0xe6: {  	[tilespmem:s23], [sflag:$0x3] =	stream.indirect.gather [hbm4b:s5+s20], $0x80, s22, s20, $0xb8;
	[tilespmem:$0x1F000] =	vst v63  }
0xe7: {  	_ = 	snop  }
0xe8: {  	[tilespmem:s25], [sflag:$0x4] =	stream.indirect.gather [hbm4b:s5+s20], $0x80, s24, s20, $0xb8;
	[tilespmem:$0x1F000] =	vst v63  }
0xe9: {  	_ =	swait.ge [sflag:s26], $0x4000  }
0xea: {  	[sflag:s26] =	ssyncset.done $0x0  }
0xeb: {  	s22 =	simm.s32 $0x2800;
	[sflag:s26] =	ssyncadd.s32 $0xFFFFC000  }
0xec: {  	[spmem:s3] =	stream.indirect.scatter.add.f32 [tilespmem:s17], [sflag:$0x5], $0x80, s22, s20, $0xb8;
	[tilespmem:$0x1F000] =	vst v63  }
0xed: {  	_ =	swait.ge [sflag:s18], $0x4000  }
0xee: {  	[sflag:s18] =	ssyncset.done $0x0  }
0xef: {  	s13 =	simm.s32 $0x200;
	[sflag:s18] =	ssyncadd.s32 $0xFFFFC000  }
0xf0: {  	[tilespmem:s17], [sflag:$0x1] =	stream.indirect.gather [hbm4b:s5+s20], $0x80, s13, s20, $0xb8;
	[tilespmem:$0x1F000] =	vst v63  }
0xf1: {  	_ =	swait.ge [sflag:s28], $0x4000  }
0xf2: {  	[sflag:s28] =	ssyncset.done $0x0  }
0xf3: {  	s22 =	simm.s32 $0x2880;
	[sflag:s28] =	ssyncadd.s32 $0xFFFFC000  }
0xf4: {  	[spmem:s3] =	stream.indirect.scatter.add.f32 [tilespmem:s21], [sflag:$0x5], $0x80, s22, s20, $0xb8;
	[tilespmem:$0x1F000] =	vst v63  }
0xf5: {  	_ =	swait.ge [sflag:s18], $0x4000  }
0xf6: {  	[sflag:s18] =	ssyncset.done $0x0  }
0xf7: {  	s13 =	simm.s32 $0x280;
	[sflag:s18] =	ssyncadd.s32 $0xFFFFC000  }
0xf8: {  	[tilespmem:s21], [sflag:$0x2] =	stream.indirect.gather [hbm4b:s5+s20], $0x80, s13, s20, $0xb8;
	[tilespmem:$0x1F000] =	vst v63  }
0xf9: {  	_ =	swait.ge [sflag:s29], $0x4000  }
0xfa: {  	[sflag:s29] =	ssyncset.done $0x0  }
0xfb: {  	s22 =	simm.s32 $0x2900;
	[sflag:s29] =	ssyncadd.s32 $0xFFFFC000  }
0xfc: {  	[spmem:s3] =	stream.indirect.scatter.add.f32 [tilespmem:s23], [sflag:$0x5], $0x80, s22, s20, $0xb8;
	[tilespmem:$0x1F000] =	vst v63  }
0xfd: {  	_ =	swait.ge [sflag:s18], $0x4000  }
0xfe: {  	[sflag:s18] =	ssyncset.done $0x0  }
0xff: {  	s13 =	simm.s32 $0x300;
	[sflag:s18] =	ssyncadd.s32 $0xFFFFC000  }
0x100: {  	[tilespmem:s23], [sflag:$0x3] =	stream.indirect.gather [hbm4b:s5+s20], $0x80, s13, s20, $0xb8;
	[tilespmem:$0x1F000] =	vst v63  }
0x101: {  	_ =	swait.ge [sflag:s30], $0x4000  }
0x102: {  	[sflag:s30] =	ssyncset.done $0x0  }
0x103: {  	s22 =	simm.s32 $0x2980;
	[sflag:s30] =	ssyncadd.s32 $0xFFFFC000  }
0x104: {  	[spmem:s3] =	stream.indirect.scatter.add.f32 [tilespmem:s25], [sflag:$0x5], $0x80, s22, s20, $0xb8;
	[tilespmem:$0x1F000] =	vst v63  }
0x105: {  	_ =	swait.ge [sflag:s18], $0x4000  }
0x106: {  	[sflag:s18] =	ssyncset.done $0x0  }
0x107: {  	s12 =	simm.s32 $0x800;
	s13 =	simm.s32 $0x380;
	[sflag:s18] =	ssyncadd.s32 $0xFFFFC000  }
.LBB2_10:
0x108: {  	[tilespmem:s25], [sflag:$0x4] =	stream.indirect.gather [hbm4b:s5+s20], $0x80, s13, s20, $0xb8;
	[tilespmem:$0x1F000] =	vst v63  }
0x109: {  	s13 =	smov.u32 s12  }
0x10a: {  	p1 =	sne.s32 s12, $0x9000;
	s12 =	sadd.s32 $0x800, s12;
	_ =	swait.ge [sflag:s26], $0x4000  }
0x10b: {  	s13 =	sshra.s32 s13, $0x2;
	[sflag:s26] =	ssyncset.done $0x0  }
0x10c: {  	s22 =	sadd.s32 $0x2800, s13;
	[sflag:s26] =	ssyncadd.s32 $0xFFFFC000  }
0x10d: {  	[spmem:s3] =	stream.indirect.scatter.add.f32 [tilespmem:s17], [sflag:$0x5], $0x80, s22, s20, $0xb8;
	[tilespmem:$0x1F000] =	vst v63  }
0x10e: {  	_ =	swait.ge [sflag:s18], $0x4000  }
0x10f: {  	[sflag:s18] =	ssyncset.done $0x0  }
0x110: {  	s22 =	sadd.s32 $0x200, s13;
	[sflag:s18] =	ssyncadd.s32 $0xFFFFC000  }
0x111: {  	[tilespmem:s17], [sflag:$0x1] =	stream.indirect.gather [hbm4b:s5+s20], $0x80, s22, s20, $0xb8;
	[tilespmem:$0x1F000] =	vst v63  }
0x112: {  	_ =	swait.ge [sflag:s28], $0x4000  }
0x113: {  	[sflag:s28] =	ssyncset.done $0x0  }
0x114: {  	s22 =	sadd.s32 $0x2880, s13;
	[sflag:s28] =	ssyncadd.s32 $0xFFFFC000  }
0x115: {  	[spmem:s3] =	stream.indirect.scatter.add.f32 [tilespmem:s21], [sflag:$0x5], $0x80, s22, s20, $0xb8;
	[tilespmem:$0x1F000] =	vst v63  }
0x116: {  	_ =	swait.ge [sflag:s18], $0x4000  }
0x117: {  	[sflag:s18] =	ssyncset.done $0x0  }
0x118: {  	s22 =	sadd.s32 $0x280, s13;
	[sflag:s18] =	ssyncadd.s32 $0xFFFFC000  }
0x119: {  	[tilespmem:s21], [sflag:$0x2] =	stream.indirect.gather [hbm4b:s5+s20], $0x80, s22, s20, $0xb8;
	[tilespmem:$0x1F000] =	vst v63  }
0x11a: {  	_ =	swait.ge [sflag:s29], $0x4000  }
0x11b: {  	[sflag:s29] =	ssyncset.done $0x0  }
0x11c: {  	s22 =	sadd.s32 $0x2900, s13;
	[sflag:s29] =	ssyncadd.s32 $0xFFFFC000  }
0x11d: {  	[spmem:s3] =	stream.indirect.scatter.add.f32 [tilespmem:s23], [sflag:$0x5], $0x80, s22, s20, $0xb8;
	[tilespmem:$0x1F000] =	vst v63  }
0x11e: {  	_ =	swait.ge [sflag:s18], $0x4000  }
0x11f: {  	[sflag:s18] =	ssyncset.done $0x0  }
0x120: {  	s22 =	sadd.s32 $0x300, s13;
	[sflag:s18] =	ssyncadd.s32 $0xFFFFC000  }
0x121: {  	[tilespmem:s23], [sflag:$0x3] =	stream.indirect.gather [hbm4b:s5+s20], $0x80, s22, s20, $0xb8;
	[tilespmem:$0x1F000] =	vst v63  }
0x122: {  	_ =	swait.ge [sflag:s30], $0x4000  }
0x123: {  	[sflag:s30] =	ssyncset.done $0x0  }
.Ltmp4:
0x124: {  	s22 =	sadd.s32 $0x2980, s13;
	[sflag:s30] =	ssyncadd.s32 $0xFFFFC000;
	(pc) =	sbr.rel @p1 .LBB2_10-.Ltmp4, $4  }
0x125: {  	[spmem:s3] =	stream.indirect.scatter.add.f32 [tilespmem:s25], [sflag:$0x5], $0x80, s22, s20, $0xb8;
	[tilespmem:$0x1F000] =	vst v63  }
0x126: {  	_ =	swait.ge [sflag:s18], $0x4000  }
0x127: {  	[sflag:s18] =	ssyncset.done $0x0  }
0x128: {  	s13 =	sadd.s32 $0x380, s13;
	[sflag:s18] =	ssyncadd.s32 $0xFFFFC000  }
0x129: {  	[tilespmem:s25], [sflag:$0x4] =	stream.indirect.gather [hbm4b:s5+s20], $0x80, s13, s20, $0xb8;
	[tilespmem:$0x1F000] =	vst v63  }
0x12a: {  	_ =	swait.ge [sflag:s26], $0x4000  }
0x12b: {  	[sflag:s26] =	ssyncset.done $0x0  }
0x12c: {  	[sflag:s26] =	ssyncadd.s32 $0xFFFFC000  }
0x12d: {  	[spmem:s3] =	stream.indirect.scatter.add.f32 [tilespmem:s17], [sflag:$0x5], $0x80, s31, s20, $0xb8;
	[tilespmem:$0x1F000] =	vst v63  }
0x12e: {  	_ =	swait.ge [sflag:s18], $0x4000  }
0x12f: {  	[sflag:s18] =	ssyncset.done $0x0  }
0x130: {  	[sflag:s18] =	ssyncadd.s32 $0xFFFFC000  }
0x131: {  	_ =	swait.ge [sflag:s28], $0x4000  }
0x132: {  	[sflag:s28] =	ssyncset.done $0x0  }
0x133: {  	[sflag:s28] =	ssyncadd.s32 $0xFFFFC000  }
0x134: {  	[spmem:s3] =	stream.indirect.scatter.add.f32 [tilespmem:s21], [sflag:$0x5], $0x80, s0, s20, $0xb8;
	[tilespmem:$0x1F000] =	vst v63  }
0x135: {  	_ =	swait.ge [sflag:s18], $0x4000  }
0x136: {  	[sflag:s18] =	ssyncset.done $0x0  }
0x137: {  	[sflag:s18] =	ssyncadd.s32 $0xFFFFC000  }
0x138: {  	_ =	swait.ge [sflag:s29], $0x4000  }
0x139: {  	[sflag:s29] =	ssyncset.done $0x0  }
0x13a: {  	[sflag:s29] =	ssyncadd.s32 $0xFFFFC000  }
0x13b: {  	[spmem:s3] =	stream.indirect.scatter.add.f32 [tilespmem:s23], [sflag:$0x5], $0x80, s19, s20, $0xb8;
	[tilespmem:$0x1F000] =	vst v63  }
0x13c: {  	_ =	swait.ge [sflag:s18], $0x4000  }
0x13d: {  	[sflag:s18] =	ssyncset.done $0x0  }
0x13e: {  	[sflag:s18] =	ssyncadd.s32 $0xFFFFC000  }
0x13f: {  	_ =	swait.ge [sflag:s30], $0x4000  }
0x140: {  	[sflag:s30] =	ssyncset.done $0x0  }
0x141: {  	[sflag:s30] =	ssyncadd.s32 $0xFFFFC000  }
0x142: {  	[spmem:s3] =	stream.indirect.scatter.add.f32 [tilespmem:s25], [sflag:$0x5], $0x80, s1, s20, $0xb8;
	[tilespmem:$0x1F000] =	vst v63  }
0x143: {  	_ =	swait.ge [sflag:s18], $0x4000  }
0x144: {  	[sflag:s18] =	ssyncset.done $0x0  }
0x145: {  	[sflag:s18] =	ssyncadd.s32 $0xFFFFC000  }
0x146: {  	s12 =	simm.s32 @p0 $0x1FC5;
	[bflag:$0x0] =	sbarrier.arrive $0xFFFF  }
0x147: {  	[hbm:s15], [sflag:s12] =	dma.local @p0 [spmem:s9], $0xC80  }
0x148: {  	s9 =	simm.s32 @p0 $0x5  }
0x149: {  	s4 =	sadd.s32 $0x1, s4;
	_ =	swait.ge @p0 [sflag:s9], $0xC80  }
0x14a: {  	p1 =	sne.s32 s4, s16;
	[sflag:s9] =	ssyncset.done @p0 $0x0  }
.Ltmp5:
0x14b: {  	[sflag:s9] =	ssyncadd.s32 @p0 $0xFFFFF380;
	s9 =	simm.s32 @!p0 $0x5;
	(pc) =	sbr.rel @p1 .LBB2_1-.Ltmp5, $4  }
0x14c: {  	[hbm:s14], [sflag:s10] =	dma.local @!p0 [spmem:s11], $0x1400  }
0x14d: {  	_ =	swait.ge @!p0 [sflag:s9], $0x1400  }
0x14e: {  	[sflag:s9] =	ssyncset.done @!p0 $0x0  }
0x14f: {  	s22 =	simm.s32 $0x100;
	[sflag:s9] =	ssyncadd.s32 @!p0 $0xFFFFEC00  }
0x150: {  	_ =	sfence.sel $0x180000  }
0x151: {  	[bflag:$0x0] =	sbarrier.arrive $0xFFFF  }
0x152: {  	_ =	strace $0x9000004A  }
0x153: {  	s0 =	stileid.u32;
	[bflag:$0x2] =	sbarrier.arrive $0xFFFF  }
0x154: {  	p0 =	sne.s32 s0, $0x0;
	s0 =	rddreg [dreg:$0x3]  }
0x155: {  	s0 =	sadd.s32 @!p0 $0x100000, s0  }
0x156: {  	[sflag:s0] =	ssyncadd.tile.s32 @!p0 $0x1;
	_ =	shalt  }
.Lfunc_end2:
_tile_overlayer_lowered:
.L_overlay_start_2:
0x157: {  	(tag) =	ssettag $0x2  }
0x158: {  	s0 =	rddreg [dreg:$0x0];
	s2 =	stileid.u32  }
0x159: {  	s1 =	rddreg [dreg:$0x1];
	p0 =	sne.s32 s2, $0x0  }
0x15a: {  	s3 =	rddreg [dreg:$0x2];
	[bflag:$0x3] =	sbarrier.arrive $0xFFFF;
	s2 =	simm.s32 @!p0 $0x1C05  }
0x15b: {  	[timem:s3], [sflag:s2] =	dma.local @!p0 [hbm:s0], s1  }
0x15c: {  	s0 =	simm.s32 @!p0 $0x5  }
0x15d: {  	_ =	swait.ge @!p0 [sflag:s0], s1  }
0x15e: {  	s1 =	ssub.s32 @!p0 $0x0, s1;
	[sflag:s0] =	ssyncset.done @!p0 $0x0  }
0x15f: {  	[sflag:s0] =	ssyncadd.s32 @!p0 s1  }
0x160: {  	[bflag:$0x3] =	sbarrier.arrive $0xFFFF  }
0x161: {  	_ =	shalt  }

</sc_bundles>
